<compile_context>
chip_gen: v7x
topology: tpu7x:2x2x1
jax: 0.10.2.dev20260603
libtpu: 0.0.44.dev20260713+nightly
codegen_flags: <defaults>
</compile_context>

<pallas_src>
import functools

import jax
import jax.numpy as jnp
from jax import lax
from jax.experimental import pallas as pl
from jax.experimental.pallas import tpu as pltpu
from jax.experimental.pallas import tpu_sc as plsc

N = 10000
E = 320000
F = 128
NC = 2
NS = 16
NW = NC * NS
RPT = 640
NPAD = NS * RPT
B = 128
NB = 80
NCH = 2
NBC = NB // NCH
EPT = NB * B
EPAD = NW * EPT
RB = 128
NRB = RPT // RB

_MESH = dict(core_axis_name="c", subcore_axis_name="s")


def _make_agg_kernel():
    @functools.partial(
        pl.kernel,
        out_type=jax.ShapeDtypeStruct((NC, NPAD, F), jnp.float32),
        mesh=plsc.VectorSubcoreMesh(**_MESH),
        scratch_types=[
            pltpu.VMEM((B,), jnp.int32),
            pltpu.VMEM((B,), jnp.int32),
            pltpu.VMEM((B, F), jnp.float32),
            pltpu.VMEM_SHARED((NPAD, F), jnp.float32),
            pltpu.SemaphoreType.DMA,
        ],
    )
    def agg_kernel(src_hbm, dst_hbm, g_hbm, zrows_hbm, rowids_hbm, out_hbm,
                   sidx_v, didx_v, rows_v, acc_sh, sem):
        cid = lax.axis_index("c")
        sid = lax.axis_index("s")
        tid = cid * NS + sid
        pltpu.sync_copy(zrows_hbm, rows_v)
        for j in range(NRB):
            rb = pl.ds(sid * RPT + j * RB, RB)
            pltpu.sync_copy(rowids_hbm.at[rb], sidx_v)
            pltpu.sync_copy(rows_v, acc_sh.at[sidx_v])
        plsc.subcore_barrier()

        def body(b, carry):
            base = tid * EPT + b * B
            pltpu.sync_copy(src_hbm.at[pl.ds(base, B)], sidx_v)
            pltpu.sync_copy(dst_hbm.at[pl.ds(base, B)], didx_v)
            pltpu.async_copy(g_hbm.at[sidx_v], rows_v, sem).wait()
            pltpu.sync_copy(rows_v, acc_sh.at[didx_v], add=True)
            return carry

        lax.fori_loop(0, NB, body, 0)
        plsc.subcore_barrier()
        for j in range(NRB):
            rb = pl.ds(sid * RPT + j * RB, RB)
            pltpu.sync_copy(rowids_hbm.at[rb], sidx_v)
            pltpu.async_copy(acc_sh.at[sidx_v], rows_v, sem).wait()
            pltpu.sync_copy(rows_v, out_hbm.at[cid, rb])

    return agg_kernel


def _make_deg_kernel():

    @functools.partial(
        pl.kernel,
        out_type=jax.ShapeDtypeStruct((NC, NPAD, F), jnp.float32),
        mesh=plsc.VectorSubcoreMesh(**_MESH),
        scratch_types=[
            pltpu.VMEM((B,), jnp.int32),
            pltpu.VMEM((B, F), jnp.float32),
            pltpu.VMEM((B, F), jnp.float32),
            pltpu.VMEM_SHARED((NPAD, F), jnp.float32),
            pltpu.SemaphoreType.DMA,
        ],
    )
    def deg_kernel(dst_hbm, ones_hbm, zrows_hbm, rowids_hbm, out_hbm,
                   idx_v, ones_v, rows_v, acc_sh, sem):
        cid = lax.axis_index("c")
        sid = lax.axis_index("s")
        tid = cid * NS + sid
        pltpu.sync_copy(zrows_hbm, rows_v)
        pltpu.sync_copy(ones_hbm, ones_v)
        for j in range(RPT // B):
            rb = pl.ds(sid * RPT + j * B, B)
            pltpu.sync_copy(rowids_hbm.at[rb], idx_v)
            pltpu.sync_copy(rows_v, acc_sh.at[idx_v])
        plsc.subcore_barrier()

        def body(b, carry):
            pltpu.sync_copy(dst_hbm.at[pl.ds(tid * EPT + b * B, B)], idx_v)
            pltpu.sync_copy(ones_v, acc_sh.at[idx_v], add=True)
            return carry

        lax.fori_loop(0, NB, body, 0)
        plsc.subcore_barrier()
        for j in range(RPT // B):
            rb = pl.ds(sid * RPT + j * B, B)
            pltpu.sync_copy(rowids_hbm.at[rb], idx_v)
            pltpu.async_copy(acc_sh.at[idx_v], rows_v, sem).wait()
            pltpu.sync_copy(rows_v, out_hbm.at[cid, rb])

    return deg_kernel



_GRID = 50
_BR = N // _GRID


def _mm_body(x_ref, w_ref, o_ref):
    o_ref[...] = jnp.dot(x_ref[...], w_ref[...],
                         preferred_element_type=jnp.float32)


def _matmul(x, w):
    k = x.shape[1]
    n = w.shape[1]
    return pl.pallas_call(
        _mm_body,
        grid=(_GRID,),
        in_specs=[pl.BlockSpec((_BR, k), lambda i: (i, 0)),
                  pl.BlockSpec((k, n), lambda i: (0, 0))],
        out_specs=pl.BlockSpec((_BR, n), lambda i: (i, 0)),
        out_shape=jax.ShapeDtypeStruct((N, n), jnp.float32),
    )(x, w)


def _scale1_body(cnt_ref, h_ref, g_ref, dinv_ref):
    deg = cnt_ref[0][:, 0:1] + cnt_ref[1][:, 0:1] + 1.0
    dinv = lax.rsqrt(deg)
    dinv_ref[...] = dinv
    g_ref[...] = h_ref[...] * dinv


def _scale1(cnt, h):
    return pl.pallas_call(
        _scale1_body,
        grid=(_GRID,),
        in_specs=[pl.BlockSpec((NC, _BR, F), lambda i: (0, i, 0)),
                  pl.BlockSpec((_BR, F), lambda i: (i, 0))],
        out_specs=[pl.BlockSpec((_BR, F), lambda i: (i, 0)),
                   pl.BlockSpec((_BR, 1), lambda i: (i, 0))],
        out_shape=[jax.ShapeDtypeStruct((NPAD, F), jnp.float32),
                   jax.ShapeDtypeStruct((N, 1), jnp.float32)],
    )(cnt, h)


def _layer_body(a_ref, g_ref, dinv_ref, b_ref, w_ref, o_ref):
    dinv = dinv_ref[...]
    h = dinv * (a_ref[0] + a_ref[1] + g_ref[...]) + b_ref[...]
    h = jnp.maximum(h, 0.0)
    o_ref[...] = dinv * jnp.dot(h, w_ref[...],
                                preferred_element_type=jnp.float32)


def _layer(a, g, dinv, b, w):
    return pl.pallas_call(
        _layer_body,
        grid=(_GRID,),
        in_specs=[pl.BlockSpec((NC, _BR, F), lambda i: (0, i, 0)),
                  pl.BlockSpec((_BR, F), lambda i: (i, 0)),
                  pl.BlockSpec((_BR, 1), lambda i: (i, 0)),
                  pl.BlockSpec((1, F), lambda i: (0, 0)),
                  pl.BlockSpec((F, F), lambda i: (0, 0))],
        out_specs=pl.BlockSpec((_BR, F), lambda i: (i, 0)),
        out_shape=jax.ShapeDtypeStruct((NPAD, F), jnp.float32),
    )(a, g, dinv, b, w)


def _final_body(a_ref, g_ref, dinv_ref, b_ref, o_ref):
    h = dinv_ref[...] * (a_ref[0] + a_ref[1] + g_ref[...])
    h = h[:, :32] + b_ref[...]
    m = jnp.max(h, axis=1, keepdims=True)
    lse = jnp.log(jnp.sum(jnp.exp(h - m), axis=1, keepdims=True)) + m
    o_ref[...] = h - lse


def _final(a, g, dinv, b):
    return pl.pallas_call(
        _final_body,
        grid=(_GRID,),
        in_specs=[pl.BlockSpec((NC, _BR, F), lambda i: (0, i, 0)),
                  pl.BlockSpec((_BR, F), lambda i: (i, 0)),
                  pl.BlockSpec((_BR, 1), lambda i: (i, 0)),
                  pl.BlockSpec((1, 32), lambda i: (0, 0))],
        out_specs=pl.BlockSpec((_BR, 32), lambda i: (i, 0)),
        out_shape=jax.ShapeDtypeStruct((N, 32), jnp.float32),
    )(a, g, dinv, b)


def kernel(x, edge_index, W1, b1, W2, b2, W3, b3):
    ei = edge_index.astype(jnp.int32)
    pad = EPAD - E
    src_flat = jnp.concatenate([ei[0], jnp.zeros((pad,), jnp.int32)])
    trash = N + (jnp.arange(pad, dtype=jnp.int32) % (NPAD - N))
    dst_flat = jnp.concatenate([ei[1], trash])

    zrows = jnp.zeros((RB, F), jnp.float32)
    ones_tab = jnp.ones((B, F), jnp.float32)
    rowids = jnp.arange(NPAD, dtype=jnp.int32)

    agg = _make_agg_kernel()

    cnt = _make_deg_kernel()(dst_flat, ones_tab, zrows, rowids)
    h1 = _matmul(x, W1)
    g1, dinv = _scale1(cnt, h1)

    W2p = jnp.pad(W2, ((0, 0), (0, F - W2.shape[1])))
    W3p = jnp.pad(W3, ((0, F - W3.shape[0]), (0, F - W3.shape[1])))
    b1p = b1.reshape(1, -1)
    b2p = jnp.pad(b2, (0, F - b2.shape[0])).reshape(1, -1)

    a1 = agg(src_flat, dst_flat, g1, zrows, rowids)
    g2 = _layer(a1, g1, dinv, b1p, W2p)

    a2 = agg(src_flat, dst_flat, g2, zrows, rowids)
    g3 = _layer(a2, g2, dinv, b2p, W3p)

    a3 = agg(src_flat, dst_flat, g3, zrows, rowids)
    return _final(a3, g3, dinv, b3.reshape(1, -1))

# --- scband reference (transcript-rebuilt; emitter-appended) ---
"""Pipeline reference for scband-sc-rnagnn-80083960201607 (READ-ONLY COPY).

The authoritative reference and input builder live on the scoring server;
editing this copy changes nothing except your own understanding.
"""

import jax, jax.numpy as jnp
import numpy as np

N_NODES = 10000
N_EDGES = 320000
F_IN = 128
HID = 128
N_CLASSES = 32


def _gcn_conv(x, edge_index, W, b, num_nodes):
    # Linear transform
    h = x @ W
    # Add self loops (GCNConv default add_self_loops=True)
    loop = jnp.arange(num_nodes, dtype=edge_index.dtype)
    src = jnp.concatenate([edge_index[0], loop])
    dst = jnp.concatenate([edge_index[1], loop])
    # Symmetric normalization: deg computed over edges-with-self-loops
    ones = jnp.ones_like(dst, dtype=h.dtype)
    deg = jax.ops.segment_sum(ones, dst, num_segments=num_nodes)
    dinv = jnp.where(deg > 0, jax.lax.rsqrt(deg), 0.0)
    norm = dinv[src] * dinv[dst]
    # Message passing: gather, scale, scatter-add
    msg = h[src] * norm[:, None]
    out = jax.ops.segment_sum(msg, dst, num_segments=num_nodes)
    return out + b


def setup_inputs(seed: int = 0) -> dict:
    key = jax.random.key(seed)
    ks = jax.random.split(key, 8)
    x = jax.random.normal(ks[0], (N_NODES, F_IN), dtype=jnp.float32)
    edge_index = jax.random.randint(ks[1], (2, N_EDGES), 0, N_NODES, dtype=jnp.int64 if jax.config.read('jax_enable_x64') else jnp.int32)
    W1 = jax.random.normal(ks[2], (F_IN, HID), dtype=jnp.float32) * (1.0 / np.sqrt(F_IN))
    b1 = jnp.zeros((HID,), dtype=jnp.float32)
    W2 = jax.random.normal(ks[3], (HID, HID // 2), dtype=jnp.float32) * (1.0 / np.sqrt(HID))
    b2 = jnp.zeros((HID // 2,), dtype=jnp.float32)
    W3 = jax.random.normal(ks[4], (HID // 2, N_CLASSES), dtype=jnp.float32) * (1.0 / np.sqrt(HID // 2))
    b3 = jnp.zeros((N_CLASSES,), dtype=jnp.float32)
    return {"x": x, "edge_index": edge_index, "W1": W1, "b1": b1, "W2": W2, "b2": b2, "W3": W3, "b3": b3}


def reference(x, edge_index, W1, b1, W2, b2, W3, b3):
    # Dropout is identity in eval mode
    h = _gcn_conv(x, edge_index, W1, b1, N_NODES)
    h = jax.nn.relu(h)
    h = _gcn_conv(h, edge_index, W2, b2, N_NODES)
    h = jax.nn.relu(h)
    h = _gcn_conv(h, edge_index, W3, b3, N_NODES)
    return jax.nn.log_softmax(h, axis=1)

if __name__ == "__main__":
    import jax
    _d = setup_inputs()
    print(jax.jit(kernel)(*tuple(_d.values())))

</pallas_src>

<mosaic_0001>
#map = affine_map<(d0, d1) -> (0)>
#map1 = affine_map<(d0, d1) -> (0, 0)>
#map2 = affine_map<(d0, d1) -> (0, 0, 0)>
module attributes {stable_mosaic.version = 14 : i64} {
  func.func @deg_kernel(%arg0: i32, %arg1: i32, %arg2: memref<327680xi32, #tpu.memory_space<hbm>>, %arg3: memref<128x128xf32, #tpu.memory_space<hbm>>, %arg4: memref<128x128xf32, #tpu.memory_space<hbm>>, %arg5: memref<10240xi32, #tpu.memory_space<hbm>>, %arg6: memref<2x10240x128xf32, #tpu.memory_space<hbm>>, %arg7: memref<128xi32, #tpu.memory_space<vmem>>, %arg8: memref<128x128xf32, #tpu.memory_space<vmem>>, %arg9: memref<128x128xf32, #tpu.memory_space<vmem>>, %arg10: memref<10240x128xf32, #tpu.memory_space<vmem_shared>>, %arg11: memref<!tpu.dma_semaphore, #tpu.memory_space<semaphore_mem>>) attributes {dimension_semantics = [#tpu.dimension_semantics<core_parallel>, #tpu.dimension_semantics<subcore_parallel>], iteration_bounds = array<i64: 2, 16>, scalar_prefetch = 0 : i64, scratch_operands = 5 : i64, tpu.core_type = #tpu.core_type<sc_vector_subcore>, window_params = [{transform_indices = #map}, {transform_indices = #map1}, {transform_indices = #map1}, {transform_indices = #map}, {transform_indices = #map2}]} {
    %mul3A = arith.constant 16 : i32
    %mul3A_0 = arith.muli %arg0, %mul3A : i32
    %add3A = arith.addi %mul3A_0, %arg1 : i32
    "tpu.region"() ({
      %run_scoped3A = tpu.sem_alloc : memref<!tpu.dma_semaphore, #tpu.memory_space<semaphore_mem>>
      tpu.enqueue_dma source(%arg4 : memref<128x128xf32, #tpu.memory_space<hbm>>) target(%arg9 : memref<128x128xf32, #tpu.memory_space<vmem>>) target_semaphore(%run_scoped3A : memref<!tpu.dma_semaphore, #tpu.memory_space<semaphore_mem>>)
      tpu.wait_dma2 semaphore(%run_scoped3A : memref<!tpu.dma_semaphore, #tpu.memory_space<semaphore_mem>>) src(%arg4 : memref<128x128xf32, #tpu.memory_space<hbm>>) dst(%arg9 : memref<128x128xf32, #tpu.memory_space<vmem>>)
      tpu.yield
    }) : () -> ()
    "tpu.region"() ({
      %run_scoped3A = tpu.sem_alloc : memref<!tpu.dma_semaphore, #tpu.memory_space<semaphore_mem>>
      tpu.enqueue_dma source(%arg3 : memref<128x128xf32, #tpu.memory_space<hbm>>) target(%arg8 : memref<128x128xf32, #tpu.memory_space<vmem>>) target_semaphore(%run_scoped3A : memref<!tpu.dma_semaphore, #tpu.memory_space<semaphore_mem>>)
      tpu.wait_dma2 semaphore(%run_scoped3A : memref<!tpu.dma_semaphore, #tpu.memory_space<semaphore_mem>>) src(%arg3 : memref<128x128xf32, #tpu.memory_space<hbm>>) dst(%arg8 : memref<128x128xf32, #tpu.memory_space<vmem>>)
      tpu.yield
    }) : () -> ()
    %mul3A_1 = arith.constant 640 : i32
    %mul3A_2 = arith.muli %arg1, %mul3A_1 : i32
    %add3A_3 = arith.constant 0 : i32
    %add3A_4 = arith.addi %mul3A_2, %add3A_3 : i32
    "tpu.region"() ({
      %run_scoped3A = tpu.sem_alloc : memref<!tpu.dma_semaphore, #tpu.memory_space<semaphore_mem>>
      %dma_start3A_75 = tpu.memref_slice %arg5[%add3A_4] : memref<10240xi32, #tpu.memory_space<hbm>> -> memref<128xi32, #tpu.memory_space<hbm>>
      %dma_start3A_76 = tpu.memref_slice %arg5[%add3A_4] : memref<10240xi32, #tpu.memory_space<hbm>> -> memref<128xi32, #tpu.memory_space<hbm>>
      tpu.enqueue_dma source(%dma_start3A_76 : memref<128xi32, #tpu.memory_space<hbm>>) target(%arg7 : memref<128xi32, #tpu.memory_space<vmem>>) target_semaphore(%run_scoped3A : memref<!tpu.dma_semaphore, #tpu.memory_space<semaphore_mem>>)
      %dma_wait3A_77 = tpu.memref_slice %arg5[%add3A_4] : memref<10240xi32, #tpu.memory_space<hbm>> -> memref<128xi32, #tpu.memory_space<hbm>>
      %dma_wait3A_78 = tpu.memref_slice %arg5[%add3A_4] : memref<10240xi32, #tpu.memory_space<hbm>> -> memref<128xi32, #tpu.memory_space<hbm>>
      tpu.wait_dma2 semaphore(%run_scoped3A : memref<!tpu.dma_semaphore, #tpu.memory_space<semaphore_mem>>) src(%dma_wait3A_78 : memref<128xi32, #tpu.memory_space<hbm>>) dst(%arg7 : memref<128xi32, #tpu.memory_space<vmem>>)
      tpu.yield
    }) : () -> ()
    "tpu.region"() ({
      %run_scoped3A = tpu.sem_alloc : memref<!tpu.dma_semaphore, #tpu.memory_space<semaphore_mem>>
      %dma_start3A_75 = arith.constant 0 : i32
      %dma_start3A_76 = arith.constant 0 : i32
      %dma_start3A_77 = tpu.memref_slice %arg10[%dma_start3A_75, %dma_start3A_76] : memref<10240x128xf32, #tpu.memory_space<vmem_shared>> -> memref<10240x128xf32, #tpu.memory_space<vmem_shared>>
      tpu.enqueue_indirect_dma source(%arg9 : memref<128x128xf32, #tpu.memory_space<vmem>>) target(%dma_start3A_77 : memref<10240x128xf32, #tpu.memory_space<vmem_shared>>) offsets(%arg7 : memref<128xi32, #tpu.memory_space<vmem>>) semaphore(%run_scoped3A : memref<!tpu.dma_semaphore, #tpu.memory_space<semaphore_mem>>)
      %dma_wait3A_78 = arith.constant 0 : i32
      %dma_wait3A_79 = arith.constant 0 : i32
      %dma_wait3A_80 = tpu.memref_slice %arg10[%dma_wait3A_78, %dma_wait3A_79] : memref<10240x128xf32, #tpu.memory_space<vmem_shared>> -> memref<10240x128xf32, #tpu.memory_space<vmem_shared>>
      tpu.wait_indirect_dma semaphore(%run_scoped3A : memref<!tpu.dma_semaphore, #tpu.memory_space<semaphore_mem>>) src(%arg9 : memref<128x128xf32, #tpu.memory_space<vmem>>) dst(%dma_wait3A_80 : memref<10240x128xf32, #tpu.memory_space<vmem_shared>>)
      tpu.yield
    }) : () -> ()
    %mul3A_5 = arith.constant 640 : i32
    %mul3A_6 = arith.muli %arg1, %mul3A_5 : i32
    %add3A_7 = arith.constant 128 : i32
    %add3A_8 = arith.addi %mul3A_6, %add3A_7 : i32
    "tpu.region"() ({
      %run_scoped3A = tpu.sem_alloc : memref<!tpu.dma_semaphore, #tpu.memory_space<semaphore_mem>>
      %dma_start3A_75 = tpu.memref_slice %arg5[%add3A_8] : memref<10240xi32, #tpu.memory_space<hbm>> -> memref<128xi32, #tpu.memory_space<hbm>>
      %dma_start3A_76 = tpu.memref_slice %arg5[%add3A_8] : memref<10240xi32, #tpu.memory_space<hbm>> -> memref<128xi32, #tpu.memory_space<hbm>>
      tpu.enqueue_dma source(%dma_start3A_76 : memref<128xi32, #tpu.memory_space<hbm>>) target(%arg7 : memref<128xi32, #tpu.memory_space<vmem>>) target_semaphore(%run_scoped3A : memref<!tpu.dma_semaphore, #tpu.memory_space<semaphore_mem>>)
      %dma_wait3A_77 = tpu.memref_slice %arg5[%add3A_8] : memref<10240xi32, #tpu.memory_space<hbm>> -> memref<128xi32, #tpu.memory_space<hbm>>
      %dma_wait3A_78 = tpu.memref_slice %arg5[%add3A_8] : memref<10240xi32, #tpu.memory_space<hbm>> -> memref<128xi32, #tpu.memory_space<hbm>>
      tpu.wait_dma2 semaphore(%run_scoped3A : memref<!tpu.dma_semaphore, #tpu.memory_space<semaphore_mem>>) src(%dma_wait3A_78 : memref<128xi32, #tpu.memory_space<hbm>>) dst(%arg7 : memref<128xi32, #tpu.memory_space<vmem>>)
      tpu.yield
    }) : () -> ()
    "tpu.region"() ({
      %run_scoped3A = tpu.sem_alloc : memref<!tpu.dma_semaphore, #tpu.memory_space<semaphore_mem>>
      %dma_start3A_75 = arith.constant 0 : i32
      %dma_start3A_76 = arith.constant 0 : i32
      %dma_start3A_77 = tpu.memref_slice %arg10[%dma_start3A_75, %dma_start3A_76] : memref<10240x128xf32, #tpu.memory_space<vmem_shared>> -> memref<10240x128xf32, #tpu.memory_space<vmem_shared>>
      tpu.enqueue_indirect_dma source(%arg9 : memref<128x128xf32, #tpu.memory_space<vmem>>) target(%dma_start3A_77 : memref<10240x128xf32, #tpu.memory_space<vmem_shared>>) offsets(%arg7 : memref<128xi32, #tpu.memory_space<vmem>>) semaphore(%run_scoped3A : memref<!tpu.dma_semaphore, #tpu.memory_space<semaphore_mem>>)
      %dma_wait3A_78 = arith.constant 0 : i32
      %dma_wait3A_79 = arith.constant 0 : i32
      %dma_wait3A_80 = tpu.memref_slice %arg10[%dma_wait3A_78, %dma_wait3A_79] : memref<10240x128xf32, #tpu.memory_space<vmem_shared>> -> memref<10240x128xf32, #tpu.memory_space<vmem_shared>>
      tpu.wait_indirect_dma semaphore(%run_scoped3A : memref<!tpu.dma_semaphore, #tpu.memory_space<semaphore_mem>>) src(%arg9 : memref<128x128xf32, #tpu.memory_space<vmem>>) dst(%dma_wait3A_80 : memref<10240x128xf32, #tpu.memory_space<vmem_shared>>)
      tpu.yield
    }) : () -> ()
    %mul3A_9 = arith.constant 640 : i32
    %mul3A_10 = arith.muli %arg1, %mul3A_9 : i32
    %add3A_11 = arith.constant 256 : i32
    %add3A_12 = arith.addi %mul3A_10, %add3A_11 : i32
    "tpu.region"() ({
      %run_scoped3A = tpu.sem_alloc : memref<!tpu.dma_semaphore, #tpu.memory_space<semaphore_mem>>
      %dma_start3A_75 = tpu.memref_slice %arg5[%add3A_12] : memref<10240xi32, #tpu.memory_space<hbm>> -> memref<128xi32, #tpu.memory_space<hbm>>
      %dma_start3A_76 = tpu.memref_slice %arg5[%add3A_12] : memref<10240xi32, #tpu.memory_space<hbm>> -> memref<128xi32, #tpu.memory_space<hbm>>
      tpu.enqueue_dma source(%dma_start3A_76 : memref<128xi32, #tpu.memory_space<hbm>>) target(%arg7 : memref<128xi32, #tpu.memory_space<vmem>>) target_semaphore(%run_scoped3A : memref<!tpu.dma_semaphore, #tpu.memory_space<semaphore_mem>>)
      %dma_wait3A_77 = tpu.memref_slice %arg5[%add3A_12] : memref<10240xi32, #tpu.memory_space<hbm>> -> memref<128xi32, #tpu.memory_space<hbm>>
      %dma_wait3A_78 = tpu.memref_slice %arg5[%add3A_12] : memref<10240xi32, #tpu.memory_space<hbm>> -> memref<128xi32, #tpu.memory_space<hbm>>
      tpu.wait_dma2 semaphore(%run_scoped3A : memref<!tpu.dma_semaphore, #tpu.memory_space<semaphore_mem>>) src(%dma_wait3A_78 : memref<128xi32, #tpu.memory_space<hbm>>) dst(%arg7 : memref<128xi32, #tpu.memory_space<vmem>>)
      tpu.yield
    }) : () -> ()
    "tpu.region"() ({
      %run_scoped3A = tpu.sem_alloc : memref<!tpu.dma_semaphore, #tpu.memory_space<semaphore_mem>>
      %dma_start3A_75 = arith.constant 0 : i32
      %dma_start3A_76 = arith.constant 0 : i32
      %dma_start3A_77 = tpu.memref_slice %arg10[%dma_start3A_75, %dma_start3A_76] : memref<10240x128xf32, #tpu.memory_space<vmem_shared>> -> memref<10240x128xf32, #tpu.memory_space<vmem_shared>>
      tpu.enqueue_indirect_dma source(%arg9 : memref<128x128xf32, #tpu.memory_space<vmem>>) target(%dma_start3A_77 : memref<10240x128xf32, #tpu.memory_space<vmem_shared>>) offsets(%arg7 : memref<128xi32, #tpu.memory_space<vmem>>) semaphore(%run_scoped3A : memref<!tpu.dma_semaphore, #tpu.memory_space<semaphore_mem>>)
      %dma_wait3A_78 = arith.constant 0 : i32
      %dma_wait3A_79 = arith.constant 0 : i32
      %dma_wait3A_80 = tpu.memref_slice %arg10[%dma_wait3A_78, %dma_wait3A_79] : memref<10240x128xf32, #tpu.memory_space<vmem_shared>> -> memref<10240x128xf32, #tpu.memory_space<vmem_shared>>
      tpu.wait_indirect_dma semaphore(%run_scoped3A : memref<!tpu.dma_semaphore, #tpu.memory_space<semaphore_mem>>) src(%arg9 : memref<128x128xf32, #tpu.memory_space<vmem>>) dst(%dma_wait3A_80 : memref<10240x128xf32, #tpu.memory_space<vmem_shared>>)
      tpu.yield
    }) : () -> ()
    %mul3A_13 = arith.constant 640 : i32
    %mul3A_14 = arith.muli %arg1, %mul3A_13 : i32
    %add3A_15 = arith.constant 384 : i32
    %add3A_16 = arith.addi %mul3A_14, %add3A_15 : i32
    "tpu.region"() ({
      %run_scoped3A = tpu.sem_alloc : memref<!tpu.dma_semaphore, #tpu.memory_space<semaphore_mem>>
      %dma_start3A_75 = tpu.memref_slice %arg5[%add3A_16] : memref<10240xi32, #tpu.memory_space<hbm>> -> memref<128xi32, #tpu.memory_space<hbm>>
      %dma_start3A_76 = tpu.memref_slice %arg5[%add3A_16] : memref<10240xi32, #tpu.memory_space<hbm>> -> memref<128xi32, #tpu.memory_space<hbm>>
      tpu.enqueue_dma source(%dma_start3A_76 : memref<128xi32, #tpu.memory_space<hbm>>) target(%arg7 : memref<128xi32, #tpu.memory_space<vmem>>) target_semaphore(%run_scoped3A : memref<!tpu.dma_semaphore, #tpu.memory_space<semaphore_mem>>)
      %dma_wait3A_77 = tpu.memref_slice %arg5[%add3A_16] : memref<10240xi32, #tpu.memory_space<hbm>> -> memref<128xi32, #tpu.memory_space<hbm>>
      %dma_wait3A_78 = tpu.memref_slice %arg5[%add3A_16] : memref<10240xi32, #tpu.memory_space<hbm>> -> memref<128xi32, #tpu.memory_space<hbm>>
      tpu.wait_dma2 semaphore(%run_scoped3A : memref<!tpu.dma_semaphore, #tpu.memory_space<semaphore_mem>>) src(%dma_wait3A_78 : memref<128xi32, #tpu.memory_space<hbm>>) dst(%arg7 : memref<128xi32, #tpu.memory_space<vmem>>)
      tpu.yield
    }) : () -> ()
    "tpu.region"() ({
      %run_scoped3A = tpu.sem_alloc : memref<!tpu.dma_semaphore, #tpu.memory_space<semaphore_mem>>
      %dma_start3A_75 = arith.constant 0 : i32
      %dma_start3A_76 = arith.constant 0 : i32
      %dma_start3A_77 = tpu.memref_slice %arg10[%dma_start3A_75, %dma_start3A_76] : memref<10240x128xf32, #tpu.memory_space<vmem_shared>> -> memref<10240x128xf32, #tpu.memory_space<vmem_shared>>
      tpu.enqueue_indirect_dma source(%arg9 : memref<128x128xf32, #tpu.memory_space<vmem>>) target(%dma_start3A_77 : memref<10240x128xf32, #tpu.memory_space<vmem_shared>>) offsets(%arg7 : memref<128xi32, #tpu.memory_space<vmem>>) semaphore(%run_scoped3A : memref<!tpu.dma_semaphore, #tpu.memory_space<semaphore_mem>>)
      %dma_wait3A_78 = arith.constant 0 : i32
      %dma_wait3A_79 = arith.constant 0 : i32
      %dma_wait3A_80 = tpu.memref_slice %arg10[%dma_wait3A_78, %dma_wait3A_79] : memref<10240x128xf32, #tpu.memory_space<vmem_shared>> -> memref<10240x128xf32, #tpu.memory_space<vmem_shared>>
      tpu.wait_indirect_dma semaphore(%run_scoped3A : memref<!tpu.dma_semaphore, #tpu.memory_space<semaphore_mem>>) src(%arg9 : memref<128x128xf32, #tpu.memory_space<vmem>>) dst(%dma_wait3A_80 : memref<10240x128xf32, #tpu.memory_space<vmem_shared>>)
      tpu.yield
    }) : () -> ()
    %mul3A_17 = arith.constant 640 : i32
    %mul3A_18 = arith.muli %arg1, %mul3A_17 : i32
    %add3A_19 = arith.constant 512 : i32
    %add3A_20 = arith.addi %mul3A_18, %add3A_19 : i32
    "tpu.region"() ({
      %run_scoped3A = tpu.sem_alloc : memref<!tpu.dma_semaphore, #tpu.memory_space<semaphore_mem>>
      %dma_start3A_75 = tpu.memref_slice %arg5[%add3A_20] : memref<10240xi32, #tpu.memory_space<hbm>> -> memref<128xi32, #tpu.memory_space<hbm>>
      %dma_start3A_76 = tpu.memref_slice %arg5[%add3A_20] : memref<10240xi32, #tpu.memory_space<hbm>> -> memref<128xi32, #tpu.memory_space<hbm>>
      tpu.enqueue_dma source(%dma_start3A_76 : memref<128xi32, #tpu.memory_space<hbm>>) target(%arg7 : memref<128xi32, #tpu.memory_space<vmem>>) target_semaphore(%run_scoped3A : memref<!tpu.dma_semaphore, #tpu.memory_space<semaphore_mem>>)
      %dma_wait3A_77 = tpu.memref_slice %arg5[%add3A_20] : memref<10240xi32, #tpu.memory_space<hbm>> -> memref<128xi32, #tpu.memory_space<hbm>>
      %dma_wait3A_78 = tpu.memref_slice %arg5[%add3A_20] : memref<10240xi32, #tpu.memory_space<hbm>> -> memref<128xi32, #tpu.memory_space<hbm>>
      tpu.wait_dma2 semaphore(%run_scoped3A : memref<!tpu.dma_semaphore, #tpu.memory_space<semaphore_mem>>) src(%dma_wait3A_78 : memref<128xi32, #tpu.memory_space<hbm>>) dst(%arg7 : memref<128xi32, #tpu.memory_space<vmem>>)
      tpu.yield
    }) : () -> ()
    "tpu.region"() ({
      %run_scoped3A = tpu.sem_alloc : memref<!tpu.dma_semaphore, #tpu.memory_space<semaphore_mem>>
      %dma_start3A_75 = arith.constant 0 : i32
      %dma_start3A_76 = arith.constant 0 : i32
      %dma_start3A_77 = tpu.memref_slice %arg10[%dma_start3A_75, %dma_start3A_76] : memref<10240x128xf32, #tpu.memory_space<vmem_shared>> -> memref<10240x128xf32, #tpu.memory_space<vmem_shared>>
      tpu.enqueue_indirect_dma source(%arg9 : memref<128x128xf32, #tpu.memory_space<vmem>>) target(%dma_start3A_77 : memref<10240x128xf32, #tpu.memory_space<vmem_shared>>) offsets(%arg7 : memref<128xi32, #tpu.memory_space<vmem>>) semaphore(%run_scoped3A : memref<!tpu.dma_semaphore, #tpu.memory_space<semaphore_mem>>)
      %dma_wait3A_78 = arith.constant 0 : i32
      %dma_wait3A_79 = arith.constant 0 : i32
      %dma_wait3A_80 = tpu.memref_slice %arg10[%dma_wait3A_78, %dma_wait3A_79] : memref<10240x128xf32, #tpu.memory_space<vmem_shared>> -> memref<10240x128xf32, #tpu.memory_space<vmem_shared>>
      tpu.wait_indirect_dma semaphore(%run_scoped3A : memref<!tpu.dma_semaphore, #tpu.memory_space<semaphore_mem>>) src(%arg9 : memref<128x128xf32, #tpu.memory_space<vmem>>) dst(%dma_wait3A_80 : memref<10240x128xf32, #tpu.memory_space<vmem_shared>>)
      tpu.yield
    }) : () -> ()
    %barrier3A = arith.constant 0 : index
    tpu.barrier barrier_id(%barrier3A)
    %scan3A = arith.constant 0 : i32
    %scan3A_21 = arith.constant 0 : i32
    %scan3A_22 = arith.constant 80 : i32
    %scan3A_23 = arith.addi %scan3A_21, %scan3A_22 : i32
    %scan3A_24 = arith.constant 1 : i32
    scf.for %scan3A_75 = %scan3A_21 to %scan3A_23 step %scan3A_24  : i32 {
      %mul3A_76 = arith.constant 10240 : i32
      %mul3A_77 = arith.muli %add3A, %mul3A_76 : i32
      %mul3A_78 = arith.constant 128 : i32
      %mul3A_79 = arith.muli %scan3A_75, %mul3A_78 : i32
      %add3A_80 = arith.addi %mul3A_77, %mul3A_79 : i32
      "tpu.region"() ({
        %run_scoped3A = tpu.sem_alloc : memref<!tpu.dma_semaphore, #tpu.memory_space<semaphore_mem>>
        %dma_start3A_81 = tpu.memref_slice %arg2[%add3A_80] : memref<327680xi32, #tpu.memory_space<hbm>> -> memref<128xi32, #tpu.memory_space<hbm>>
        %dma_start3A_82 = tpu.memref_slice %arg2[%add3A_80] : memref<327680xi32, #tpu.memory_space<hbm>> -> memref<128xi32, #tpu.memory_space<hbm>>
        tpu.enqueue_dma source(%dma_start3A_82 : memref<128xi32, #tpu.memory_space<hbm>>) target(%arg7 : memref<128xi32, #tpu.memory_space<vmem>>) target_semaphore(%run_scoped3A : memref<!tpu.dma_semaphore, #tpu.memory_space<semaphore_mem>>)
        %dma_wait3A_83 = tpu.memref_slice %arg2[%add3A_80] : memref<327680xi32, #tpu.memory_space<hbm>> -> memref<128xi32, #tpu.memory_space<hbm>>
        %dma_wait3A_84 = tpu.memref_slice %arg2[%add3A_80] : memref<327680xi32, #tpu.memory_space<hbm>> -> memref<128xi32, #tpu.memory_space<hbm>>
        tpu.wait_dma2 semaphore(%run_scoped3A : memref<!tpu.dma_semaphore, #tpu.memory_space<semaphore_mem>>) src(%dma_wait3A_84 : memref<128xi32, #tpu.memory_space<hbm>>) dst(%arg7 : memref<128xi32, #tpu.memory_space<vmem>>)
        tpu.yield
      }) : () -> ()
      "tpu.region"() ({
        %run_scoped3A = tpu.sem_alloc : memref<!tpu.dma_semaphore, #tpu.memory_space<semaphore_mem>>
        %dma_start3A_81 = arith.constant 0 : i32
        %dma_start3A_82 = arith.constant 0 : i32
        %dma_start3A_83 = tpu.memref_slice %arg10[%dma_start3A_81, %dma_start3A_82] : memref<10240x128xf32, #tpu.memory_space<vmem_shared>> -> memref<10240x128xf32, #tpu.memory_space<vmem_shared>>
        tpu.enqueue_indirect_dma source(%arg8 : memref<128x128xf32, #tpu.memory_space<vmem>>) target(%dma_start3A_83 : memref<10240x128xf32, #tpu.memory_space<vmem_shared>>) offsets(%arg7 : memref<128xi32, #tpu.memory_space<vmem>>) semaphore(%run_scoped3A : memref<!tpu.dma_semaphore, #tpu.memory_space<semaphore_mem>>) {add = true}
        %dma_wait3A_84 = arith.constant 0 : i32
        %dma_wait3A_85 = arith.constant 0 : i32
        %dma_wait3A_86 = tpu.memref_slice %arg10[%dma_wait3A_84, %dma_wait3A_85] : memref<10240x128xf32, #tpu.memory_space<vmem_shared>> -> memref<10240x128xf32, #tpu.memory_space<vmem_shared>>
        tpu.wait_indirect_dma semaphore(%run_scoped3A : memref<!tpu.dma_semaphore, #tpu.memory_space<semaphore_mem>>) src(%arg8 : memref<128x128xf32, #tpu.memory_space<vmem>>) dst(%dma_wait3A_86 : memref<10240x128xf32, #tpu.memory_space<vmem_shared>>)
        tpu.yield
      }) : () -> ()
    }
    %scan3A_25 = arith.constant 80 : i32
    %barrier3A_26 = arith.constant 0 : index
    tpu.barrier barrier_id(%barrier3A_26)
    %mul3A_27 = arith.constant 640 : i32
    %mul3A_28 = arith.muli %arg1, %mul3A_27 : i32
    %add3A_29 = arith.constant 0 : i32
    %add3A_30 = arith.addi %mul3A_28, %add3A_29 : i32
    "tpu.region"() ({
      %run_scoped3A = tpu.sem_alloc : memref<!tpu.dma_semaphore, #tpu.memory_space<semaphore_mem>>
      %dma_start3A_75 = tpu.memref_slice %arg5[%add3A_30] : memref<10240xi32, #tpu.memory_space<hbm>> -> memref<128xi32, #tpu.memory_space<hbm>>
      %dma_start3A_76 = tpu.memref_slice %arg5[%add3A_30] : memref<10240xi32, #tpu.memory_space<hbm>> -> memref<128xi32, #tpu.memory_space<hbm>>
      tpu.enqueue_dma source(%dma_start3A_76 : memref<128xi32, #tpu.memory_space<hbm>>) target(%arg7 : memref<128xi32, #tpu.memory_space<vmem>>) target_semaphore(%run_scoped3A : memref<!tpu.dma_semaphore, #tpu.memory_space<semaphore_mem>>)
      %dma_wait3A_77 = tpu.memref_slice %arg5[%add3A_30] : memref<10240xi32, #tpu.memory_space<hbm>> -> memref<128xi32, #tpu.memory_space<hbm>>
      %dma_wait3A_78 = tpu.memref_slice %arg5[%add3A_30] : memref<10240xi32, #tpu.memory_space<hbm>> -> memref<128xi32, #tpu.memory_space<hbm>>
      tpu.wait_dma2 semaphore(%run_scoped3A : memref<!tpu.dma_semaphore, #tpu.memory_space<semaphore_mem>>) src(%dma_wait3A_78 : memref<128xi32, #tpu.memory_space<hbm>>) dst(%arg7 : memref<128xi32, #tpu.memory_space<vmem>>)
      tpu.yield
    }) : () -> ()
    %dma_start3A = arith.constant 0 : i32
    %dma_start3A_31 = arith.constant 0 : i32
    %dma_start3A_32 = tpu.memref_slice %arg10[%dma_start3A, %dma_start3A_31] : memref<10240x128xf32, #tpu.memory_space<vmem_shared>> -> memref<10240x128xf32, #tpu.memory_space<vmem_shared>>
    tpu.enqueue_indirect_dma source(%dma_start3A_32 : memref<10240x128xf32, #tpu.memory_space<vmem_shared>>) target(%arg9 : memref<128x128xf32, #tpu.memory_space<vmem>>) offsets(%arg7 : memref<128xi32, #tpu.memory_space<vmem>>) semaphore(%arg11 : memref<!tpu.dma_semaphore, #tpu.memory_space<semaphore_mem>>)
    %dma_wait3A = arith.constant 0 : i32
    %dma_wait3A_33 = arith.constant 0 : i32
    %dma_wait3A_34 = tpu.memref_slice %arg10[%dma_wait3A, %dma_wait3A_33] : memref<10240x128xf32, #tpu.memory_space<vmem_shared>> -> memref<10240x128xf32, #tpu.memory_space<vmem_shared>>
    tpu.wait_indirect_dma semaphore(%arg11 : memref<!tpu.dma_semaphore, #tpu.memory_space<semaphore_mem>>) src(%dma_wait3A_34 : memref<10240x128xf32, #tpu.memory_space<vmem_shared>>) dst(%arg9 : memref<128x128xf32, #tpu.memory_space<vmem>>)
    "tpu.region"() ({
      %run_scoped3A = tpu.sem_alloc : memref<!tpu.dma_semaphore, #tpu.memory_space<semaphore_mem>>
      %dma_start3A_75 = arith.constant 0 : i32
      %dma_start3A_76 = tpu.memref_slice %arg6[%arg0, %add3A_30, %dma_start3A_75] : memref<2x10240x128xf32, #tpu.memory_space<hbm>> -> memref<1x128x128xf32, #tpu.memory_space<hbm>>
      %dma_start3A_77 = tpu.memref_squeeze %dma_start3A_76 : memref<1x128x128xf32, #tpu.memory_space<hbm>> -> memref<128x128xf32, #tpu.memory_space<hbm>>
      %dma_start3A_78 = arith.constant 0 : i32
      %dma_start3A_79 = tpu.memref_slice %arg6[%arg0, %add3A_30, %dma_start3A_78] : memref<2x10240x128xf32, #tpu.memory_space<hbm>> -> memref<1x128x128xf32, #tpu.memory_space<hbm>>
      %dma_start3A_80 = tpu.memref_squeeze %dma_start3A_79 : memref<1x128x128xf32, #tpu.memory_space<hbm>> -> memref<128x128xf32, #tpu.memory_space<hbm>>
      tpu.enqueue_dma source(%arg9 : memref<128x128xf32, #tpu.memory_space<vmem>>) target(%dma_start3A_80 : memref<128x128xf32, #tpu.memory_space<hbm>>) target_semaphore(%run_scoped3A : memref<!tpu.dma_semaphore, #tpu.memory_space<semaphore_mem>>)
      %dma_wait3A_81 = arith.constant 0 : i32
      %dma_wait3A_82 = tpu.memref_slice %arg6[%arg0, %add3A_30, %dma_wait3A_81] : memref<2x10240x128xf32, #tpu.memory_space<hbm>> -> memref<1x128x128xf32, #tpu.memory_space<hbm>>
      %dma_wait3A_83 = tpu.memref_squeeze %dma_wait3A_82 : memref<1x128x128xf32, #tpu.memory_space<hbm>> -> memref<128x128xf32, #tpu.memory_space<hbm>>
      %dma_wait3A_84 = arith.constant 0 : i32
      %dma_wait3A_85 = tpu.memref_slice %arg6[%arg0, %add3A_30, %dma_wait3A_84] : memref<2x10240x128xf32, #tpu.memory_space<hbm>> -> memref<1x128x128xf32, #tpu.memory_space<hbm>>
      %dma_wait3A_86 = tpu.memref_squeeze %dma_wait3A_85 : memref<1x128x128xf32, #tpu.memory_space<hbm>> -> memref<128x128xf32, #tpu.memory_space<hbm>>
      tpu.wait_dma2 semaphore(%run_scoped3A : memref<!tpu.dma_semaphore, #tpu.memory_space<semaphore_mem>>) src(%arg9 : memref<128x128xf32, #tpu.memory_space<vmem>>) dst(%dma_wait3A_86 : memref<128x128xf32, #tpu.memory_space<hbm>>)
      tpu.yield
    }) : () -> ()
    %mul3A_35 = arith.constant 640 : i32
    %mul3A_36 = arith.muli %arg1, %mul3A_35 : i32
    %add3A_37 = arith.constant 128 : i32
    %add3A_38 = arith.addi %mul3A_36, %add3A_37 : i32
    "tpu.region"() ({
      %run_scoped3A = tpu.sem_alloc : memref<!tpu.dma_semaphore, #tpu.memory_space<semaphore_mem>>
      %dma_start3A_75 = tpu.memref_slice %arg5[%add3A_38] : memref<10240xi32, #tpu.memory_space<hbm>> -> memref<128xi32, #tpu.memory_space<hbm>>
      %dma_start3A_76 = tpu.memref_slice %arg5[%add3A_38] : memref<10240xi32, #tpu.memory_space<hbm>> -> memref<128xi32, #tpu.memory_space<hbm>>
      tpu.enqueue_dma source(%dma_start3A_76 : memref<128xi32, #tpu.memory_space<hbm>>) target(%arg7 : memref<128xi32, #tpu.memory_space<vmem>>) target_semaphore(%run_scoped3A : memref<!tpu.dma_semaphore, #tpu.memory_space<semaphore_mem>>)
      %dma_wait3A_77 = tpu.memref_slice %arg5[%add3A_38] : memref<10240xi32, #tpu.memory_space<hbm>> -> memref<128xi32, #tpu.memory_space<hbm>>
      %dma_wait3A_78 = tpu.memref_slice %arg5[%add3A_38] : memref<10240xi32, #tpu.memory_space<hbm>> -> memref<128xi32, #tpu.memory_space<hbm>>
      tpu.wait_dma2 semaphore(%run_scoped3A : memref<!tpu.dma_semaphore, #tpu.memory_space<semaphore_mem>>) src(%dma_wait3A_78 : memref<128xi32, #tpu.memory_space<hbm>>) dst(%arg7 : memref<128xi32, #tpu.memory_space<vmem>>)
      tpu.yield
    }) : () -> ()
    %dma_start3A_39 = arith.constant 0 : i32
    %dma_start3A_40 = arith.constant 0 : i32
    %dma_start3A_41 = tpu.memref_slice %arg10[%dma_start3A_39, %dma_start3A_40] : memref<10240x128xf32, #tpu.memory_space<vmem_shared>> -> memref<10240x128xf32, #tpu.memory_space<vmem_shared>>
    tpu.enqueue_indirect_dma source(%dma_start3A_41 : memref<10240x128xf32, #tpu.memory_space<vmem_shared>>) target(%arg9 : memref<128x128xf32, #tpu.memory_space<vmem>>) offsets(%arg7 : memref<128xi32, #tpu.memory_space<vmem>>) semaphore(%arg11 : memref<!tpu.dma_semaphore, #tpu.memory_space<semaphore_mem>>)
    %dma_wait3A_42 = arith.constant 0 : i32
    %dma_wait3A_43 = arith.constant 0 : i32
    %dma_wait3A_44 = tpu.memref_slice %arg10[%dma_wait3A_42, %dma_wait3A_43] : memref<10240x128xf32, #tpu.memory_space<vmem_shared>> -> memref<10240x128xf32, #tpu.memory_space<vmem_shared>>
    tpu.wait_indirect_dma semaphore(%arg11 : memref<!tpu.dma_semaphore, #tpu.memory_space<semaphore_mem>>) src(%dma_wait3A_44 : memref<10240x128xf32, #tpu.memory_space<vmem_shared>>) dst(%arg9 : memref<128x128xf32, #tpu.memory_space<vmem>>)
    "tpu.region"() ({
      %run_scoped3A = tpu.sem_alloc : memref<!tpu.dma_semaphore, #tpu.memory_space<semaphore_mem>>
      %dma_start3A_75 = arith.constant 0 : i32
      %dma_start3A_76 = tpu.memref_slice %arg6[%arg0, %add3A_38, %dma_start3A_75] : memref<2x10240x128xf32, #tpu.memory_space<hbm>> -> memref<1x128x128xf32, #tpu.memory_space<hbm>>
      %dma_start3A_77 = tpu.memref_squeeze %dma_start3A_76 : memref<1x128x128xf32, #tpu.memory_space<hbm>> -> memref<128x128xf32, #tpu.memory_space<hbm>>
      %dma_start3A_78 = arith.constant 0 : i32
      %dma_start3A_79 = tpu.memref_slice %arg6[%arg0, %add3A_38, %dma_start3A_78] : memref<2x10240x128xf32, #tpu.memory_space<hbm>> -> memref<1x128x128xf32, #tpu.memory_space<hbm>>
      %dma_start3A_80 = tpu.memref_squeeze %dma_start3A_79 : memref<1x128x128xf32, #tpu.memory_space<hbm>> -> memref<128x128xf32, #tpu.memory_space<hbm>>
      tpu.enqueue_dma source(%arg9 : memref<128x128xf32, #tpu.memory_space<vmem>>) target(%dma_start3A_80 : memref<128x128xf32, #tpu.memory_space<hbm>>) target_semaphore(%run_scoped3A : memref<!tpu.dma_semaphore, #tpu.memory_space<semaphore_mem>>)
      %dma_wait3A_81 = arith.constant 0 : i32
      %dma_wait3A_82 = tpu.memref_slice %arg6[%arg0, %add3A_38, %dma_wait3A_81] : memref<2x10240x128xf32, #tpu.memory_space<hbm>> -> memref<1x128x128xf32, #tpu.memory_space<hbm>>
      %dma_wait3A_83 = tpu.memref_squeeze %dma_wait3A_82 : memref<1x128x128xf32, #tpu.memory_space<hbm>> -> memref<128x128xf32, #tpu.memory_space<hbm>>
      %dma_wait3A_84 = arith.constant 0 : i32
      %dma_wait3A_85 = tpu.memref_slice %arg6[%arg0, %add3A_38, %dma_wait3A_84] : memref<2x10240x128xf32, #tpu.memory_space<hbm>> -> memref<1x128x128xf32, #tpu.memory_space<hbm>>
      %dma_wait3A_86 = tpu.memref_squeeze %dma_wait3A_85 : memref<1x128x128xf32, #tpu.memory_space<hbm>> -> memref<128x128xf32, #tpu.memory_space<hbm>>
      tpu.wait_dma2 semaphore(%run_scoped3A : memref<!tpu.dma_semaphore, #tpu.memory_space<semaphore_mem>>) src(%arg9 : memref<128x128xf32, #tpu.memory_space<vmem>>) dst(%dma_wait3A_86 : memref<128x128xf32, #tpu.memory_space<hbm>>)
      tpu.yield
    }) : () -> ()
    %mul3A_45 = arith.constant 640 : i32
    %mul3A_46 = arith.muli %arg1, %mul3A_45 : i32
    %add3A_47 = arith.constant 256 : i32
    %add3A_48 = arith.addi %mul3A_46, %add3A_47 : i32
    "tpu.region"() ({
      %run_scoped3A = tpu.sem_alloc : memref<!tpu.dma_semaphore, #tpu.memory_space<semaphore_mem>>
      %dma_start3A_75 = tpu.memref_slice %arg5[%add3A_48] : memref<10240xi32, #tpu.memory_space<hbm>> -> memref<128xi32, #tpu.memory_space<hbm>>
      %dma_start3A_76 = tpu.memref_slice %arg5[%add3A_48] : memref<10240xi32, #tpu.memory_space<hbm>> -> memref<128xi32, #tpu.memory_space<hbm>>
      tpu.enqueue_dma source(%dma_start3A_76 : memref<128xi32, #tpu.memory_space<hbm>>) target(%arg7 : memref<128xi32, #tpu.memory_space<vmem>>) target_semaphore(%run_scoped3A : memref<!tpu.dma_semaphore, #tpu.memory_space<semaphore_mem>>)
      %dma_wait3A_77 = tpu.memref_slice %arg5[%add3A_48] : memref<10240xi32, #tpu.memory_space<hbm>> -> memref<128xi32, #tpu.memory_space<hbm>>
      %dma_wait3A_78 = tpu.memref_slice %arg5[%add3A_48] : memref<10240xi32, #tpu.memory_space<hbm>> -> memref<128xi32, #tpu.memory_space<hbm>>
      tpu.wait_dma2 semaphore(%run_scoped3A : memref<!tpu.dma_semaphore, #tpu.memory_space<semaphore_mem>>) src(%dma_wait3A_78 : memref<128xi32, #tpu.memory_space<hbm>>) dst(%arg7 : memref<128xi32, #tpu.memory_space<vmem>>)
      tpu.yield
    }) : () -> ()
    %dma_start3A_49 = arith.constant 0 : i32
    %dma_start3A_50 = arith.constant 0 : i32
    %dma_start3A_51 = tpu.memref_slice %arg10[%dma_start3A_49, %dma_start3A_50] : memref<10240x128xf32, #tpu.memory_space<vmem_shared>> -> memref<10240x128xf32, #tpu.memory_space<vmem_shared>>
    tpu.enqueue_indirect_dma source(%dma_start3A_51 : memref<10240x128xf32, #tpu.memory_space<vmem_shared>>) target(%arg9 : memref<128x128xf32, #tpu.memory_space<vmem>>) offsets(%arg7 : memref<128xi32, #tpu.memory_space<vmem>>) semaphore(%arg11 : memref<!tpu.dma_semaphore, #tpu.memory_space<semaphore_mem>>)
    %dma_wait3A_52 = arith.constant 0 : i32
    %dma_wait3A_53 = arith.constant 0 : i32
    %dma_wait3A_54 = tpu.memref_slice %arg10[%dma_wait3A_52, %dma_wait3A_53] : memref<10240x128xf32, #tpu.memory_space<vmem_shared>> -> memref<10240x128xf32, #tpu.memory_space<vmem_shared>>
    tpu.wait_indirect_dma semaphore(%arg11 : memref<!tpu.dma_semaphore, #tpu.memory_space<semaphore_mem>>) src(%dma_wait3A_54 : memref<10240x128xf32, #tpu.memory_space<vmem_shared>>) dst(%arg9 : memref<128x128xf32, #tpu.memory_space<vmem>>)
    "tpu.region"() ({
      %run_scoped3A = tpu.sem_alloc : memref<!tpu.dma_semaphore, #tpu.memory_space<semaphore_mem>>
      %dma_start3A_75 = arith.constant 0 : i32
      %dma_start3A_76 = tpu.memref_slice %arg6[%arg0, %add3A_48, %dma_start3A_75] : memref<2x10240x128xf32, #tpu.memory_space<hbm>> -> memref<1x128x128xf32, #tpu.memory_space<hbm>>
      %dma_start3A_77 = tpu.memref_squeeze %dma_start3A_76 : memref<1x128x128xf32, #tpu.memory_space<hbm>> -> memref<128x128xf32, #tpu.memory_space<hbm>>
      %dma_start3A_78 = arith.constant 0 : i32
      %dma_start3A_79 = tpu.memref_slice %arg6[%arg0, %add3A_48, %dma_start3A_78] : memref<2x10240x128xf32, #tpu.memory_space<hbm>> -> memref<1x128x128xf32, #tpu.memory_space<hbm>>
      %dma_start3A_80 = tpu.memref_squeeze %dma_start3A_79 : memref<1x128x128xf32, #tpu.memory_space<hbm>> -> memref<128x128xf32, #tpu.memory_space<hbm>>
      tpu.enqueue_dma source(%arg9 : memref<128x128xf32, #tpu.memory_space<vmem>>) target(%dma_start3A_80 : memref<128x128xf32, #tpu.memory_space<hbm>>) target_semaphore(%run_scoped3A : memref<!tpu.dma_semaphore, #tpu.memory_space<semaphore_mem>>)
      %dma_wait3A_81 = arith.constant 0 : i32
      %dma_wait3A_82 = tpu.memref_slice %arg6[%arg0, %add3A_48, %dma_wait3A_81] : memref<2x10240x128xf32, #tpu.memory_space<hbm>> -> memref<1x128x128xf32, #tpu.memory_space<hbm>>
      %dma_wait3A_83 = tpu.memref_squeeze %dma_wait3A_82 : memref<1x128x128xf32, #tpu.memory_space<hbm>> -> memref<128x128xf32, #tpu.memory_space<hbm>>
      %dma_wait3A_84 = arith.constant 0 : i32
      %dma_wait3A_85 = tpu.memref_slice %arg6[%arg0, %add3A_48, %dma_wait3A_84] : memref<2x10240x128xf32, #tpu.memory_space<hbm>> -> memref<1x128x128xf32, #tpu.memory_space<hbm>>
      %dma_wait3A_86 = tpu.memref_squeeze %dma_wait3A_85 : memref<1x128x128xf32, #tpu.memory_space<hbm>> -> memref<128x128xf32, #tpu.memory_space<hbm>>
      tpu.wait_dma2 semaphore(%run_scoped3A : memref<!tpu.dma_semaphore, #tpu.memory_space<semaphore_mem>>) src(%arg9 : memref<128x128xf32, #tpu.memory_space<vmem>>) dst(%dma_wait3A_86 : memref<128x128xf32, #tpu.memory_space<hbm>>)
      tpu.yield
    }) : () -> ()
    %mul3A_55 = arith.constant 640 : i32
    %mul3A_56 = arith.muli %arg1, %mul3A_55 : i32
    %add3A_57 = arith.constant 384 : i32
    %add3A_58 = arith.addi %mul3A_56, %add3A_57 : i32
    "tpu.region"() ({
      %run_scoped3A = tpu.sem_alloc : memref<!tpu.dma_semaphore, #tpu.memory_space<semaphore_mem>>
      %dma_start3A_75 = tpu.memref_slice %arg5[%add3A_58] : memref<10240xi32, #tpu.memory_space<hbm>> -> memref<128xi32, #tpu.memory_space<hbm>>
      %dma_start3A_76 = tpu.memref_slice %arg5[%add3A_58] : memref<10240xi32, #tpu.memory_space<hbm>> -> memref<128xi32, #tpu.memory_space<hbm>>
      tpu.enqueue_dma source(%dma_start3A_76 : memref<128xi32, #tpu.memory_space<hbm>>) target(%arg7 : memref<128xi32, #tpu.memory_space<vmem>>) target_semaphore(%run_scoped3A : memref<!tpu.dma_semaphore, #tpu.memory_space<semaphore_mem>>)
      %dma_wait3A_77 = tpu.memref_slice %arg5[%add3A_58] : memref<10240xi32, #tpu.memory_space<hbm>> -> memref<128xi32, #tpu.memory_space<hbm>>
      %dma_wait3A_78 = tpu.memref_slice %arg5[%add3A_58] : memref<10240xi32, #tpu.memory_space<hbm>> -> memref<128xi32, #tpu.memory_space<hbm>>
      tpu.wait_dma2 semaphore(%run_scoped3A : memref<!tpu.dma_semaphore, #tpu.memory_space<semaphore_mem>>) src(%dma_wait3A_78 : memref<128xi32, #tpu.memory_space<hbm>>) dst(%arg7 : memref<128xi32, #tpu.memory_space<vmem>>)
      tpu.yield
    }) : () -> ()
    %dma_start3A_59 = arith.constant 0 : i32
    %dma_start3A_60 = arith.constant 0 : i32
    %dma_start3A_61 = tpu.memref_slice %arg10[%dma_start3A_59, %dma_start3A_60] : memref<10240x128xf32, #tpu.memory_space<vmem_shared>> -> memref<10240x128xf32, #tpu.memory_space<vmem_shared>>
    tpu.enqueue_indirect_dma source(%dma_start3A_61 : memref<10240x128xf32, #tpu.memory_space<vmem_shared>>) target(%arg9 : memref<128x128xf32, #tpu.memory_space<vmem>>) offsets(%arg7 : memref<128xi32, #tpu.memory_space<vmem>>) semaphore(%arg11 : memref<!tpu.dma_semaphore, #tpu.memory_space<semaphore_mem>>)
    %dma_wait3A_62 = arith.constant 0 : i32
    %dma_wait3A_63 = arith.constant 0 : i32
    %dma_wait3A_64 = tpu.memref_slice %arg10[%dma_wait3A_62, %dma_wait3A_63] : memref<10240x128xf32, #tpu.memory_space<vmem_shared>> -> memref<10240x128xf32, #tpu.memory_space<vmem_shared>>
    tpu.wait_indirect_dma semaphore(%arg11 : memref<!tpu.dma_semaphore, #tpu.memory_space<semaphore_mem>>) src(%dma_wait3A_64 : memref<10240x128xf32, #tpu.memory_space<vmem_shared>>) dst(%arg9 : memref<128x128xf32, #tpu.memory_space<vmem>>)
    "tpu.region"() ({
      %run_scoped3A = tpu.sem_alloc : memref<!tpu.dma_semaphore, #tpu.memory_space<semaphore_mem>>
      %dma_start3A_75 = arith.constant 0 : i32
      %dma_start3A_76 = tpu.memref_slice %arg6[%arg0, %add3A_58, %dma_start3A_75] : memref<2x10240x128xf32, #tpu.memory_space<hbm>> -> memref<1x128x128xf32, #tpu.memory_space<hbm>>
      %dma_start3A_77 = tpu.memref_squeeze %dma_start3A_76 : memref<1x128x128xf32, #tpu.memory_space<hbm>> -> memref<128x128xf32, #tpu.memory_space<hbm>>
      %dma_start3A_78 = arith.constant 0 : i32
      %dma_start3A_79 = tpu.memref_slice %arg6[%arg0, %add3A_58, %dma_start3A_78] : memref<2x10240x128xf32, #tpu.memory_space<hbm>> -> memref<1x128x128xf32, #tpu.memory_space<hbm>>
      %dma_start3A_80 = tpu.memref_squeeze %dma_start3A_79 : memref<1x128x128xf32, #tpu.memory_space<hbm>> -> memref<128x128xf32, #tpu.memory_space<hbm>>
      tpu.enqueue_dma source(%arg9 : memref<128x128xf32, #tpu.memory_space<vmem>>) target(%dma_start3A_80 : memref<128x128xf32, #tpu.memory_space<hbm>>) target_semaphore(%run_scoped3A : memref<!tpu.dma_semaphore, #tpu.memory_space<semaphore_mem>>)
      %dma_wait3A_81 = arith.constant 0 : i32
      %dma_wait3A_82 = tpu.memref_slice %arg6[%arg0, %add3A_58, %dma_wait3A_81] : memref<2x10240x128xf32, #tpu.memory_space<hbm>> -> memref<1x128x128xf32, #tpu.memory_space<hbm>>
      %dma_wait3A_83 = tpu.memref_squeeze %dma_wait3A_82 : memref<1x128x128xf32, #tpu.memory_space<hbm>> -> memref<128x128xf32, #tpu.memory_space<hbm>>
      %dma_wait3A_84 = arith.constant 0 : i32
      %dma_wait3A_85 = tpu.memref_slice %arg6[%arg0, %add3A_58, %dma_wait3A_84] : memref<2x10240x128xf32, #tpu.memory_space<hbm>> -> memref<1x128x128xf32, #tpu.memory_space<hbm>>
      %dma_wait3A_86 = tpu.memref_squeeze %dma_wait3A_85 : memref<1x128x128xf32, #tpu.memory_space<hbm>> -> memref<128x128xf32, #tpu.memory_space<hbm>>
      tpu.wait_dma2 semaphore(%run_scoped3A : memref<!tpu.dma_semaphore, #tpu.memory_space<semaphore_mem>>) src(%arg9 : memref<128x128xf32, #tpu.memory_space<vmem>>) dst(%dma_wait3A_86 : memref<128x128xf32, #tpu.memory_space<hbm>>)
      tpu.yield
    }) : () -> ()
    %mul3A_65 = arith.constant 640 : i32
    %mul3A_66 = arith.muli %arg1, %mul3A_65 : i32
    %add3A_67 = arith.constant 512 : i32
    %add3A_68 = arith.addi %mul3A_66, %add3A_67 : i32
    "tpu.region"() ({
      %run_scoped3A = tpu.sem_alloc : memref<!tpu.dma_semaphore, #tpu.memory_space<semaphore_mem>>
      %dma_start3A_75 = tpu.memref_slice %arg5[%add3A_68] : memref<10240xi32, #tpu.memory_space<hbm>> -> memref<128xi32, #tpu.memory_space<hbm>>
      %dma_start3A_76 = tpu.memref_slice %arg5[%add3A_68] : memref<10240xi32, #tpu.memory_space<hbm>> -> memref<128xi32, #tpu.memory_space<hbm>>
      tpu.enqueue_dma source(%dma_start3A_76 : memref<128xi32, #tpu.memory_space<hbm>>) target(%arg7 : memref<128xi32, #tpu.memory_space<vmem>>) target_semaphore(%run_scoped3A : memref<!tpu.dma_semaphore, #tpu.memory_space<semaphore_mem>>)
      %dma_wait3A_77 = tpu.memref_slice %arg5[%add3A_68] : memref<10240xi32, #tpu.memory_space<hbm>> -> memref<128xi32, #tpu.memory_space<hbm>>
      %dma_wait3A_78 = tpu.memref_slice %arg5[%add3A_68] : memref<10240xi32, #tpu.memory_space<hbm>> -> memref<128xi32, #tpu.memory_space<hbm>>
      tpu.wait_dma2 semaphore(%run_scoped3A : memref<!tpu.dma_semaphore, #tpu.memory_space<semaphore_mem>>) src(%dma_wait3A_78 : memref<128xi32, #tpu.memory_space<hbm>>) dst(%arg7 : memref<128xi32, #tpu.memory_space<vmem>>)
      tpu.yield
    }) : () -> ()
    %dma_start3A_69 = arith.constant 0 : i32
    %dma_start3A_70 = arith.constant 0 : i32
    %dma_start3A_71 = tpu.memref_slice %arg10[%dma_start3A_69, %dma_start3A_70] : memref<10240x128xf32, #tpu.memory_space<vmem_shared>> -> memref<10240x128xf32, #tpu.memory_space<vmem_shared>>
    tpu.enqueue_indirect_dma source(%dma_start3A_71 : memref<10240x128xf32, #tpu.memory_space<vmem_shared>>) target(%arg9 : memref<128x128xf32, #tpu.memory_space<vmem>>) offsets(%arg7 : memref<128xi32, #tpu.memory_space<vmem>>) semaphore(%arg11 : memref<!tpu.dma_semaphore, #tpu.memory_space<semaphore_mem>>)
    %dma_wait3A_72 = arith.constant 0 : i32
    %dma_wait3A_73 = arith.constant 0 : i32
    %dma_wait3A_74 = tpu.memref_slice %arg10[%dma_wait3A_72, %dma_wait3A_73] : memref<10240x128xf32, #tpu.memory_space<vmem_shared>> -> memref<10240x128xf32, #tpu.memory_space<vmem_shared>>
    tpu.wait_indirect_dma semaphore(%arg11 : memref<!tpu.dma_semaphore, #tpu.memory_space<semaphore_mem>>) src(%dma_wait3A_74 : memref<10240x128xf32, #tpu.memory_space<vmem_shared>>) dst(%arg9 : memref<128x128xf32, #tpu.memory_space<vmem>>)
    "tpu.region"() ({
      %run_scoped3A = tpu.sem_alloc : memref<!tpu.dma_semaphore, #tpu.memory_space<semaphore_mem>>
      %dma_start3A_75 = arith.constant 0 : i32
      %dma_start3A_76 = tpu.memref_slice %arg6[%arg0, %add3A_68, %dma_start3A_75] : memref<2x10240x128xf32, #tpu.memory_space<hbm>> -> memref<1x128x128xf32, #tpu.memory_space<hbm>>
      %dma_start3A_77 = tpu.memref_squeeze %dma_start3A_76 : memref<1x128x128xf32, #tpu.memory_space<hbm>> -> memref<128x128xf32, #tpu.memory_space<hbm>>
      %dma_start3A_78 = arith.constant 0 : i32
      %dma_start3A_79 = tpu.memref_slice %arg6[%arg0, %add3A_68, %dma_start3A_78] : memref<2x10240x128xf32, #tpu.memory_space<hbm>> -> memref<1x128x128xf32, #tpu.memory_space<hbm>>
      %dma_start3A_80 = tpu.memref_squeeze %dma_start3A_79 : memref<1x128x128xf32, #tpu.memory_space<hbm>> -> memref<128x128xf32, #tpu.memory_space<hbm>>
      tpu.enqueue_dma source(%arg9 : memref<128x128xf32, #tpu.memory_space<vmem>>) target(%dma_start3A_80 : memref<128x128xf32, #tpu.memory_space<hbm>>) target_semaphore(%run_scoped3A : memref<!tpu.dma_semaphore, #tpu.memory_space<semaphore_mem>>)
      %dma_wait3A_81 = arith.constant 0 : i32
      %dma_wait3A_82 = tpu.memref_slice %arg6[%arg0, %add3A_68, %dma_wait3A_81] : memref<2x10240x128xf32, #tpu.memory_space<hbm>> -> memref<1x128x128xf32, #tpu.memory_space<hbm>>
      %dma_wait3A_83 = tpu.memref_squeeze %dma_wait3A_82 : memref<1x128x128xf32, #tpu.memory_space<hbm>> -> memref<128x128xf32, #tpu.memory_space<hbm>>
      %dma_wait3A_84 = arith.constant 0 : i32
      %dma_wait3A_85 = tpu.memref_slice %arg6[%arg0, %add3A_68, %dma_wait3A_84] : memref<2x10240x128xf32, #tpu.memory_space<hbm>> -> memref<1x128x128xf32, #tpu.memory_space<hbm>>
      %dma_wait3A_86 = tpu.memref_squeeze %dma_wait3A_85 : memref<1x128x128xf32, #tpu.memory_space<hbm>> -> memref<128x128xf32, #tpu.memory_space<hbm>>
      tpu.wait_dma2 semaphore(%run_scoped3A : memref<!tpu.dma_semaphore, #tpu.memory_space<semaphore_mem>>) src(%arg9 : memref<128x128xf32, #tpu.memory_space<vmem>>) dst(%dma_wait3A_86 : memref<128x128xf32, #tpu.memory_space<hbm>>)
      tpu.yield
    }) : () -> ()
    return
  }
}

#map = affine_map<(d0, d1) -> (0)>
#map1 = affine_map<(d0, d1) -> (0, 0)>
#map2 = affine_map<(d0, d1) -> (0, 0, 0)>
module attributes {stable_mosaic.version = 14 : i64} {
  func.func @agg_kernel(%arg0: i32, %arg1: i32, %arg2: memref<327680xi32, #tpu.memory_space<hbm>>, %arg3: memref<327680xi32, #tpu.memory_space<hbm>>, %arg4: memref<10240x128xf32, #tpu.memory_space<hbm>>, %arg5: memref<128x128xf32, #tpu.memory_space<hbm>>, %arg6: memref<10240xi32, #tpu.memory_space<hbm>>, %arg7: memref<2x10240x128xf32, #tpu.memory_space<hbm>>, %arg8: memref<128xi32, #tpu.memory_space<vmem>>, %arg9: memref<128xi32, #tpu.memory_space<vmem>>, %arg10: memref<128x128xf32, #tpu.memory_space<vmem>>, %arg11: memref<10240x128xf32, #tpu.memory_space<vmem_shared>>, %arg12: memref<!tpu.dma_semaphore, #tpu.memory_space<semaphore_mem>>) attributes {dimension_semantics = [#tpu.dimension_semantics<core_parallel>, #tpu.dimension_semantics<subcore_parallel>], iteration_bounds = array<i64: 2, 16>, scalar_prefetch = 0 : i64, scratch_operands = 5 : i64, tpu.core_type = #tpu.core_type<sc_vector_subcore>, window_params = [{transform_indices = #map}, {transform_indices = #map}, {transform_indices = #map1}, {transform_indices = #map1}, {transform_indices = #map}, {transform_indices = #map2}]} {
    %mul3A = arith.constant 16 : i32
    %mul3A_0 = arith.muli %arg0, %mul3A : i32
    %add3A = arith.addi %mul3A_0, %arg1 : i32
    "tpu.region"() ({
      %run_scoped3A = tpu.sem_alloc : memref<!tpu.dma_semaphore, #tpu.memory_space<semaphore_mem>>
      tpu.enqueue_dma source(%arg5 : memref<128x128xf32, #tpu.memory_space<hbm>>) target(%arg10 : memref<128x128xf32, #tpu.memory_space<vmem>>) target_semaphore(%run_scoped3A : memref<!tpu.dma_semaphore, #tpu.memory_space<semaphore_mem>>)
      tpu.wait_dma2 semaphore(%run_scoped3A : memref<!tpu.dma_semaphore, #tpu.memory_space<semaphore_mem>>) src(%arg5 : memref<128x128xf32, #tpu.memory_space<hbm>>) dst(%arg10 : memref<128x128xf32, #tpu.memory_space<vmem>>)
      tpu.yield
    }) : () -> ()
    %mul3A_1 = arith.constant 640 : i32
    %mul3A_2 = arith.muli %arg1, %mul3A_1 : i32
    %add3A_3 = arith.constant 0 : i32
    %add3A_4 = arith.addi %mul3A_2, %add3A_3 : i32
    "tpu.region"() ({
      %run_scoped3A = tpu.sem_alloc : memref<!tpu.dma_semaphore, #tpu.memory_space<semaphore_mem>>
      %dma_start3A_75 = tpu.memref_slice %arg6[%add3A_4] : memref<10240xi32, #tpu.memory_space<hbm>> -> memref<128xi32, #tpu.memory_space<hbm>>
      %dma_start3A_76 = tpu.memref_slice %arg6[%add3A_4] : memref<10240xi32, #tpu.memory_space<hbm>> -> memref<128xi32, #tpu.memory_space<hbm>>
      tpu.enqueue_dma source(%dma_start3A_76 : memref<128xi32, #tpu.memory_space<hbm>>) target(%arg8 : memref<128xi32, #tpu.memory_space<vmem>>) target_semaphore(%run_scoped3A : memref<!tpu.dma_semaphore, #tpu.memory_space<semaphore_mem>>)
      %dma_wait3A_77 = tpu.memref_slice %arg6[%add3A_4] : memref<10240xi32, #tpu.memory_space<hbm>> -> memref<128xi32, #tpu.memory_space<hbm>>
      %dma_wait3A_78 = tpu.memref_slice %arg6[%add3A_4] : memref<10240xi32, #tpu.memory_space<hbm>> -> memref<128xi32, #tpu.memory_space<hbm>>
      tpu.wait_dma2 semaphore(%run_scoped3A : memref<!tpu.dma_semaphore, #tpu.memory_space<semaphore_mem>>) src(%dma_wait3A_78 : memref<128xi32, #tpu.memory_space<hbm>>) dst(%arg8 : memref<128xi32, #tpu.memory_space<vmem>>)
      tpu.yield
    }) : () -> ()
    "tpu.region"() ({
      %run_scoped3A = tpu.sem_alloc : memref<!tpu.dma_semaphore, #tpu.memory_space<semaphore_mem>>
      %dma_start3A_75 = arith.constant 0 : i32
      %dma_start3A_76 = arith.constant 0 : i32
      %dma_start3A_77 = tpu.memref_slice %arg11[%dma_start3A_75, %dma_start3A_76] : memref<10240x128xf32, #tpu.memory_space<vmem_shared>> -> memref<10240x128xf32, #tpu.memory_space<vmem_shared>>
      tpu.enqueue_indirect_dma source(%arg10 : memref<128x128xf32, #tpu.memory_space<vmem>>) target(%dma_start3A_77 : memref<10240x128xf32, #tpu.memory_space<vmem_shared>>) offsets(%arg8 : memref<128xi32, #tpu.memory_space<vmem>>) semaphore(%run_scoped3A : memref<!tpu.dma_semaphore, #tpu.memory_space<semaphore_mem>>)
      %dma_wait3A_78 = arith.constant 0 : i32
      %dma_wait3A_79 = arith.constant 0 : i32
      %dma_wait3A_80 = tpu.memref_slice %arg11[%dma_wait3A_78, %dma_wait3A_79] : memref<10240x128xf32, #tpu.memory_space<vmem_shared>> -> memref<10240x128xf32, #tpu.memory_space<vmem_shared>>
      tpu.wait_indirect_dma semaphore(%run_scoped3A : memref<!tpu.dma_semaphore, #tpu.memory_space<semaphore_mem>>) src(%arg10 : memref<128x128xf32, #tpu.memory_space<vmem>>) dst(%dma_wait3A_80 : memref<10240x128xf32, #tpu.memory_space<vmem_shared>>)
      tpu.yield
    }) : () -> ()
    %mul3A_5 = arith.constant 640 : i32
    %mul3A_6 = arith.muli %arg1, %mul3A_5 : i32
    %add3A_7 = arith.constant 128 : i32
    %add3A_8 = arith.addi %mul3A_6, %add3A_7 : i32
    "tpu.region"() ({
      %run_scoped3A = tpu.sem_alloc : memref<!tpu.dma_semaphore, #tpu.memory_space<semaphore_mem>>
      %dma_start3A_75 = tpu.memref_slice %arg6[%add3A_8] : memref<10240xi32, #tpu.memory_space<hbm>> -> memref<128xi32, #tpu.memory_space<hbm>>
      %dma_start3A_76 = tpu.memref_slice %arg6[%add3A_8] : memref<10240xi32, #tpu.memory_space<hbm>> -> memref<128xi32, #tpu.memory_space<hbm>>
      tpu.enqueue_dma source(%dma_start3A_76 : memref<128xi32, #tpu.memory_space<hbm>>) target(%arg8 : memref<128xi32, #tpu.memory_space<vmem>>) target_semaphore(%run_scoped3A : memref<!tpu.dma_semaphore, #tpu.memory_space<semaphore_mem>>)
      %dma_wait3A_77 = tpu.memref_slice %arg6[%add3A_8] : memref<10240xi32, #tpu.memory_space<hbm>> -> memref<128xi32, #tpu.memory_space<hbm>>
      %dma_wait3A_78 = tpu.memref_slice %arg6[%add3A_8] : memref<10240xi32, #tpu.memory_space<hbm>> -> memref<128xi32, #tpu.memory_space<hbm>>
      tpu.wait_dma2 semaphore(%run_scoped3A : memref<!tpu.dma_semaphore, #tpu.memory_space<semaphore_mem>>) src(%dma_wait3A_78 : memref<128xi32, #tpu.memory_space<hbm>>) dst(%arg8 : memref<128xi32, #tpu.memory_space<vmem>>)
      tpu.yield
    }) : () -> ()
    "tpu.region"() ({
      %run_scoped3A = tpu.sem_alloc : memref<!tpu.dma_semaphore, #tpu.memory_space<semaphore_mem>>
      %dma_start3A_75 = arith.constant 0 : i32
      %dma_start3A_76 = arith.constant 0 : i32
      %dma_start3A_77 = tpu.memref_slice %arg11[%dma_start3A_75, %dma_start3A_76] : memref<10240x128xf32, #tpu.memory_space<vmem_shared>> -> memref<10240x128xf32, #tpu.memory_space<vmem_shared>>
      tpu.enqueue_indirect_dma source(%arg10 : memref<128x128xf32, #tpu.memory_space<vmem>>) target(%dma_start3A_77 : memref<10240x128xf32, #tpu.memory_space<vmem_shared>>) offsets(%arg8 : memref<128xi32, #tpu.memory_space<vmem>>) semaphore(%run_scoped3A : memref<!tpu.dma_semaphore, #tpu.memory_space<semaphore_mem>>)
      %dma_wait3A_78 = arith.constant 0 : i32
      %dma_wait3A_79 = arith.constant 0 : i32
      %dma_wait3A_80 = tpu.memref_slice %arg11[%dma_wait3A_78, %dma_wait3A_79] : memref<10240x128xf32, #tpu.memory_space<vmem_shared>> -> memref<10240x128xf32, #tpu.memory_space<vmem_shared>>
      tpu.wait_indirect_dma semaphore(%run_scoped3A : memref<!tpu.dma_semaphore, #tpu.memory_space<semaphore_mem>>) src(%arg10 : memref<128x128xf32, #tpu.memory_space<vmem>>) dst(%dma_wait3A_80 : memref<10240x128xf32, #tpu.memory_space<vmem_shared>>)
      tpu.yield
    }) : () -> ()
    %mul3A_9 = arith.constant 640 : i32
    %mul3A_10 = arith.muli %arg1, %mul3A_9 : i32
    %add3A_11 = arith.constant 256 : i32
    %add3A_12 = arith.addi %mul3A_10, %add3A_11 : i32
    "tpu.region"() ({
      %run_scoped3A = tpu.sem_alloc : memref<!tpu.dma_semaphore, #tpu.memory_space<semaphore_mem>>
      %dma_start3A_75 = tpu.memref_slice %arg6[%add3A_12] : memref<10240xi32, #tpu.memory_space<hbm>> -> memref<128xi32, #tpu.memory_space<hbm>>
      %dma_start3A_76 = tpu.memref_slice %arg6[%add3A_12] : memref<10240xi32, #tpu.memory_space<hbm>> -> memref<128xi32, #tpu.memory_space<hbm>>
      tpu.enqueue_dma source(%dma_start3A_76 : memref<128xi32, #tpu.memory_space<hbm>>) target(%arg8 : memref<128xi32, #tpu.memory_space<vmem>>) target_semaphore(%run_scoped3A : memref<!tpu.dma_semaphore, #tpu.memory_space<semaphore_mem>>)
      %dma_wait3A_77 = tpu.memref_slice %arg6[%add3A_12] : memref<10240xi32, #tpu.memory_space<hbm>> -> memref<128xi32, #tpu.memory_space<hbm>>
      %dma_wait3A_78 = tpu.memref_slice %arg6[%add3A_12] : memref<10240xi32, #tpu.memory_space<hbm>> -> memref<128xi32, #tpu.memory_space<hbm>>
      tpu.wait_dma2 semaphore(%run_scoped3A : memref<!tpu.dma_semaphore, #tpu.memory_space<semaphore_mem>>) src(%dma_wait3A_78 : memref<128xi32, #tpu.memory_space<hbm>>) dst(%arg8 : memref<128xi32, #tpu.memory_space<vmem>>)
      tpu.yield
    }) : () -> ()
    "tpu.region"() ({
      %run_scoped3A = tpu.sem_alloc : memref<!tpu.dma_semaphore, #tpu.memory_space<semaphore_mem>>
      %dma_start3A_75 = arith.constant 0 : i32
      %dma_start3A_76 = arith.constant 0 : i32
      %dma_start3A_77 = tpu.memref_slice %arg11[%dma_start3A_75, %dma_start3A_76] : memref<10240x128xf32, #tpu.memory_space<vmem_shared>> -> memref<10240x128xf32, #tpu.memory_space<vmem_shared>>
      tpu.enqueue_indirect_dma source(%arg10 : memref<128x128xf32, #tpu.memory_space<vmem>>) target(%dma_start3A_77 : memref<10240x128xf32, #tpu.memory_space<vmem_shared>>) offsets(%arg8 : memref<128xi32, #tpu.memory_space<vmem>>) semaphore(%run_scoped3A : memref<!tpu.dma_semaphore, #tpu.memory_space<semaphore_mem>>)
      %dma_wait3A_78 = arith.constant 0 : i32
      %dma_wait3A_79 = arith.constant 0 : i32
      %dma_wait3A_80 = tpu.memref_slice %arg11[%dma_wait3A_78, %dma_wait3A_79] : memref<10240x128xf32, #tpu.memory_space<vmem_shared>> -> memref<10240x128xf32, #tpu.memory_space<vmem_shared>>
      tpu.wait_indirect_dma semaphore(%run_scoped3A : memref<!tpu.dma_semaphore, #tpu.memory_space<semaphore_mem>>) src(%arg10 : memref<128x128xf32, #tpu.memory_space<vmem>>) dst(%dma_wait3A_80 : memref<10240x128xf32, #tpu.memory_space<vmem_shared>>)
      tpu.yield
    }) : () -> ()
    %mul3A_13 = arith.constant 640 : i32
    %mul3A_14 = arith.muli %arg1, %mul3A_13 : i32
    %add3A_15 = arith.constant 384 : i32
    %add3A_16 = arith.addi %mul3A_14, %add3A_15 : i32
    "tpu.region"() ({
      %run_scoped3A = tpu.sem_alloc : memref<!tpu.dma_semaphore, #tpu.memory_space<semaphore_mem>>
      %dma_start3A_75 = tpu.memref_slice %arg6[%add3A_16] : memref<10240xi32, #tpu.memory_space<hbm>> -> memref<128xi32, #tpu.memory_space<hbm>>
      %dma_start3A_76 = tpu.memref_slice %arg6[%add3A_16] : memref<10240xi32, #tpu.memory_space<hbm>> -> memref<128xi32, #tpu.memory_space<hbm>>
      tpu.enqueue_dma source(%dma_start3A_76 : memref<128xi32, #tpu.memory_space<hbm>>) target(%arg8 : memref<128xi32, #tpu.memory_space<vmem>>) target_semaphore(%run_scoped3A : memref<!tpu.dma_semaphore, #tpu.memory_space<semaphore_mem>>)
      %dma_wait3A_77 = tpu.memref_slice %arg6[%add3A_16] : memref<10240xi32, #tpu.memory_space<hbm>> -> memref<128xi32, #tpu.memory_space<hbm>>
      %dma_wait3A_78 = tpu.memref_slice %arg6[%add3A_16] : memref<10240xi32, #tpu.memory_space<hbm>> -> memref<128xi32, #tpu.memory_space<hbm>>
      tpu.wait_dma2 semaphore(%run_scoped3A : memref<!tpu.dma_semaphore, #tpu.memory_space<semaphore_mem>>) src(%dma_wait3A_78 : memref<128xi32, #tpu.memory_space<hbm>>) dst(%arg8 : memref<128xi32, #tpu.memory_space<vmem>>)
      tpu.yield
    }) : () -> ()
    "tpu.region"() ({
      %run_scoped3A = tpu.sem_alloc : memref<!tpu.dma_semaphore, #tpu.memory_space<semaphore_mem>>
      %dma_start3A_75 = arith.constant 0 : i32
      %dma_start3A_76 = arith.constant 0 : i32
      %dma_start3A_77 = tpu.memref_slice %arg11[%dma_start3A_75, %dma_start3A_76] : memref<10240x128xf32, #tpu.memory_space<vmem_shared>> -> memref<10240x128xf32, #tpu.memory_space<vmem_shared>>
      tpu.enqueue_indirect_dma source(%arg10 : memref<128x128xf32, #tpu.memory_space<vmem>>) target(%dma_start3A_77 : memref<10240x128xf32, #tpu.memory_space<vmem_shared>>) offsets(%arg8 : memref<128xi32, #tpu.memory_space<vmem>>) semaphore(%run_scoped3A : memref<!tpu.dma_semaphore, #tpu.memory_space<semaphore_mem>>)
      %dma_wait3A_78 = arith.constant 0 : i32
      %dma_wait3A_79 = arith.constant 0 : i32
      %dma_wait3A_80 = tpu.memref_slice %arg11[%dma_wait3A_78, %dma_wait3A_79] : memref<10240x128xf32, #tpu.memory_space<vmem_shared>> -> memref<10240x128xf32, #tpu.memory_space<vmem_shared>>
      tpu.wait_indirect_dma semaphore(%run_scoped3A : memref<!tpu.dma_semaphore, #tpu.memory_space<semaphore_mem>>) src(%arg10 : memref<128x128xf32, #tpu.memory_space<vmem>>) dst(%dma_wait3A_80 : memref<10240x128xf32, #tpu.memory_space<vmem_shared>>)
      tpu.yield
    }) : () -> ()
    %mul3A_17 = arith.constant 640 : i32
    %mul3A_18 = arith.muli %arg1, %mul3A_17 : i32
    %add3A_19 = arith.constant 512 : i32
    %add3A_20 = arith.addi %mul3A_18, %add3A_19 : i32
    "tpu.region"() ({
      %run_scoped3A = tpu.sem_alloc : memref<!tpu.dma_semaphore, #tpu.memory_space<semaphore_mem>>
      %dma_start3A_75 = tpu.memref_slice %arg6[%add3A_20] : memref<10240xi32, #tpu.memory_space<hbm>> -> memref<128xi32, #tpu.memory_space<hbm>>
      %dma_start3A_76 = tpu.memref_slice %arg6[%add3A_20] : memref<10240xi32, #tpu.memory_space<hbm>> -> memref<128xi32, #tpu.memory_space<hbm>>
      tpu.enqueue_dma source(%dma_start3A_76 : memref<128xi32, #tpu.memory_space<hbm>>) target(%arg8 : memref<128xi32, #tpu.memory_space<vmem>>) target_semaphore(%run_scoped3A : memref<!tpu.dma_semaphore, #tpu.memory_space<semaphore_mem>>)
      %dma_wait3A_77 = tpu.memref_slice %arg6[%add3A_20] : memref<10240xi32, #tpu.memory_space<hbm>> -> memref<128xi32, #tpu.memory_space<hbm>>
      %dma_wait3A_78 = tpu.memref_slice %arg6[%add3A_20] : memref<10240xi32, #tpu.memory_space<hbm>> -> memref<128xi32, #tpu.memory_space<hbm>>
      tpu.wait_dma2 semaphore(%run_scoped3A : memref<!tpu.dma_semaphore, #tpu.memory_space<semaphore_mem>>) src(%dma_wait3A_78 : memref<128xi32, #tpu.memory_space<hbm>>) dst(%arg8 : memref<128xi32, #tpu.memory_space<vmem>>)
      tpu.yield
    }) : () -> ()
    "tpu.region"() ({
      %run_scoped3A = tpu.sem_alloc : memref<!tpu.dma_semaphore, #tpu.memory_space<semaphore_mem>>
      %dma_start3A_75 = arith.constant 0 : i32
      %dma_start3A_76 = arith.constant 0 : i32
      %dma_start3A_77 = tpu.memref_slice %arg11[%dma_start3A_75, %dma_start3A_76] : memref<10240x128xf32, #tpu.memory_space<vmem_shared>> -> memref<10240x128xf32, #tpu.memory_space<vmem_shared>>
      tpu.enqueue_indirect_dma source(%arg10 : memref<128x128xf32, #tpu.memory_space<vmem>>) target(%dma_start3A_77 : memref<10240x128xf32, #tpu.memory_space<vmem_shared>>) offsets(%arg8 : memref<128xi32, #tpu.memory_space<vmem>>) semaphore(%run_scoped3A : memref<!tpu.dma_semaphore, #tpu.memory_space<semaphore_mem>>)
      %dma_wait3A_78 = arith.constant 0 : i32
      %dma_wait3A_79 = arith.constant 0 : i32
      %dma_wait3A_80 = tpu.memref_slice %arg11[%dma_wait3A_78, %dma_wait3A_79] : memref<10240x128xf32, #tpu.memory_space<vmem_shared>> -> memref<10240x128xf32, #tpu.memory_space<vmem_shared>>
      tpu.wait_indirect_dma semaphore(%run_scoped3A : memref<!tpu.dma_semaphore, #tpu.memory_space<semaphore_mem>>) src(%arg10 : memref<128x128xf32, #tpu.memory_space<vmem>>) dst(%dma_wait3A_80 : memref<10240x128xf32, #tpu.memory_space<vmem_shared>>)
      tpu.yield
    }) : () -> ()
    %barrier3A = arith.constant 0 : index
    tpu.barrier barrier_id(%barrier3A)
    %scan3A = arith.constant 0 : i32
    %scan3A_21 = arith.constant 0 : i32
    %scan3A_22 = arith.constant 80 : i32
    %scan3A_23 = arith.addi %scan3A_21, %scan3A_22 : i32
    %scan3A_24 = arith.constant 1 : i32
    scf.for %scan3A_75 = %scan3A_21 to %scan3A_23 step %scan3A_24  : i32 {
      %mul3A_76 = arith.constant 10240 : i32
      %mul3A_77 = arith.muli %add3A, %mul3A_76 : i32
      %mul3A_78 = arith.constant 128 : i32
      %mul3A_79 = arith.muli %scan3A_75, %mul3A_78 : i32
      %add3A_80 = arith.addi %mul3A_77, %mul3A_79 : i32
      "tpu.region"() ({
        %run_scoped3A = tpu.sem_alloc : memref<!tpu.dma_semaphore, #tpu.memory_space<semaphore_mem>>
        %dma_start3A_87 = tpu.memref_slice %arg2[%add3A_80] : memref<327680xi32, #tpu.memory_space<hbm>> -> memref<128xi32, #tpu.memory_space<hbm>>
        %dma_start3A_88 = tpu.memref_slice %arg2[%add3A_80] : memref<327680xi32, #tpu.memory_space<hbm>> -> memref<128xi32, #tpu.memory_space<hbm>>
        tpu.enqueue_dma source(%dma_start3A_88 : memref<128xi32, #tpu.memory_space<hbm>>) target(%arg8 : memref<128xi32, #tpu.memory_space<vmem>>) target_semaphore(%run_scoped3A : memref<!tpu.dma_semaphore, #tpu.memory_space<semaphore_mem>>)
        %dma_wait3A_89 = tpu.memref_slice %arg2[%add3A_80] : memref<327680xi32, #tpu.memory_space<hbm>> -> memref<128xi32, #tpu.memory_space<hbm>>
        %dma_wait3A_90 = tpu.memref_slice %arg2[%add3A_80] : memref<327680xi32, #tpu.memory_space<hbm>> -> memref<128xi32, #tpu.memory_space<hbm>>
        tpu.wait_dma2 semaphore(%run_scoped3A : memref<!tpu.dma_semaphore, #tpu.memory_space<semaphore_mem>>) src(%dma_wait3A_90 : memref<128xi32, #tpu.memory_space<hbm>>) dst(%arg8 : memref<128xi32, #tpu.memory_space<vmem>>)
        tpu.yield
      }) : () -> ()
      "tpu.region"() ({
        %run_scoped3A = tpu.sem_alloc : memref<!tpu.dma_semaphore, #tpu.memory_space<semaphore_mem>>
        %dma_start3A_87 = tpu.memref_slice %arg3[%add3A_80] : memref<327680xi32, #tpu.memory_space<hbm>> -> memref<128xi32, #tpu.memory_space<hbm>>
        %dma_start3A_88 = tpu.memref_slice %arg3[%add3A_80] : memref<327680xi32, #tpu.memory_space<hbm>> -> memref<128xi32, #tpu.memory_space<hbm>>
        tpu.enqueue_dma source(%dma_start3A_88 : memref<128xi32, #tpu.memory_space<hbm>>) target(%arg9 : memref<128xi32, #tpu.memory_space<vmem>>) target_semaphore(%run_scoped3A : memref<!tpu.dma_semaphore, #tpu.memory_space<semaphore_mem>>)
        %dma_wait3A_89 = tpu.memref_slice %arg3[%add3A_80] : memref<327680xi32, #tpu.memory_space<hbm>> -> memref<128xi32, #tpu.memory_space<hbm>>
        %dma_wait3A_90 = tpu.memref_slice %arg3[%add3A_80] : memref<327680xi32, #tpu.memory_space<hbm>> -> memref<128xi32, #tpu.memory_space<hbm>>
        tpu.wait_dma2 semaphore(%run_scoped3A : memref<!tpu.dma_semaphore, #tpu.memory_space<semaphore_mem>>) src(%dma_wait3A_90 : memref<128xi32, #tpu.memory_space<hbm>>) dst(%arg9 : memref<128xi32, #tpu.memory_space<vmem>>)
        tpu.yield
      }) : () -> ()
      %dma_start3A_81 = arith.constant 0 : i32
      %dma_start3A_82 = arith.constant 0 : i32
      %dma_start3A_83 = tpu.memref_slice %arg4[%dma_start3A_81, %dma_start3A_82] : memref<10240x128xf32, #tpu.memory_space<hbm>> -> memref<10240x128xf32, #tpu.memory_space<hbm>>
      tpu.enqueue_indirect_dma source(%dma_start3A_83 : memref<10240x128xf32, #tpu.memory_space<hbm>>) target(%arg10 : memref<128x128xf32, #tpu.memory_space<vmem>>) offsets(%arg8 : memref<128xi32, #tpu.memory_space<vmem>>) semaphore(%arg12 : memref<!tpu.dma_semaphore, #tpu.memory_space<semaphore_mem>>)
      %dma_wait3A_84 = arith.constant 0 : i32
      %dma_wait3A_85 = arith.constant 0 : i32
      %dma_wait3A_86 = tpu.memref_slice %arg4[%dma_wait3A_84, %dma_wait3A_85] : memref<10240x128xf32, #tpu.memory_space<hbm>> -> memref<10240x128xf32, #tpu.memory_space<hbm>>
      tpu.wait_indirect_dma semaphore(%arg12 : memref<!tpu.dma_semaphore, #tpu.memory_space<semaphore_mem>>) src(%dma_wait3A_86 : memref<10240x128xf32, #tpu.memory_space<hbm>>) dst(%arg10 : memref<128x128xf32, #tpu.memory_space<vmem>>)
      "tpu.region"() ({
        %run_scoped3A = tpu.sem_alloc : memref<!tpu.dma_semaphore, #tpu.memory_space<semaphore_mem>>
        %dma_start3A_87 = arith.constant 0 : i32
        %dma_start3A_88 = arith.constant 0 : i32
        %dma_start3A_89 = tpu.memref_slice %arg11[%dma_start3A_87, %dma_start3A_88] : memref<10240x128xf32, #tpu.memory_space<vmem_shared>> -> memref<10240x128xf32, #tpu.memory_space<vmem_shared>>
        tpu.enqueue_indirect_dma source(%arg10 : memref<128x128xf32, #tpu.memory_space<vmem>>) target(%dma_start3A_89 : memref<10240x128xf32, #tpu.memory_space<vmem_shared>>) offsets(%arg9 : memref<128xi32, #tpu.memory_space<vmem>>) semaphore(%run_scoped3A : memref<!tpu.dma_semaphore, #tpu.memory_space<semaphore_mem>>) {add = true}
        %dma_wait3A_90 = arith.constant 0 : i32
        %dma_wait3A_91 = arith.constant 0 : i32
        %dma_wait3A_92 = tpu.memref_slice %arg11[%dma_wait3A_90, %dma_wait3A_91] : memref<10240x128xf32, #tpu.memory_space<vmem_shared>> -> memref<10240x128xf32, #tpu.memory_space<vmem_shared>>
        tpu.wait_indirect_dma semaphore(%run_scoped3A : memref<!tpu.dma_semaphore, #tpu.memory_space<semaphore_mem>>) src(%arg10 : memref<128x128xf32, #tpu.memory_space<vmem>>) dst(%dma_wait3A_92 : memref<10240x128xf32, #tpu.memory_space<vmem_shared>>)
        tpu.yield
      }) : () -> ()
    }
    %scan3A_25 = arith.constant 80 : i32
    %barrier3A_26 = arith.constant 0 : index
    tpu.barrier barrier_id(%barrier3A_26)
    %mul3A_27 = arith.constant 640 : i32
    %mul3A_28 = arith.muli %arg1, %mul3A_27 : i32
    %add3A_29 = arith.constant 0 : i32
    %add3A_30 = arith.addi %mul3A_28, %add3A_29 : i32
    "tpu.region"() ({
      %run_scoped3A = tpu.sem_alloc : memref<!tpu.dma_semaphore, #tpu.memory_space<semaphore_mem>>
      %dma_start3A_75 = tpu.memref_slice %arg6[%add3A_30] : memref<10240xi32, #tpu.memory_space<hbm>> -> memref<128xi32, #tpu.memory_space<hbm>>
      %dma_start3A_76 = tpu.memref_slice %arg6[%add3A_30] : memref<10240xi32, #tpu.memory_space<hbm>> -> memref<128xi32, #tpu.memory_space<hbm>>
      tpu.enqueue_dma source(%dma_start3A_76 : memref<128xi32, #tpu.memory_space<hbm>>) target(%arg8 : memref<128xi32, #tpu.memory_space<vmem>>) target_semaphore(%run_scoped3A : memref<!tpu.dma_semaphore, #tpu.memory_space<semaphore_mem>>)
      %dma_wait3A_77 = tpu.memref_slice %arg6[%add3A_30] : memref<10240xi32, #tpu.memory_space<hbm>> -> memref<128xi32, #tpu.memory_space<hbm>>
      %dma_wait3A_78 = tpu.memref_slice %arg6[%add3A_30] : memref<10240xi32, #tpu.memory_space<hbm>> -> memref<128xi32, #tpu.memory_space<hbm>>
      tpu.wait_dma2 semaphore(%run_scoped3A : memref<!tpu.dma_semaphore, #tpu.memory_space<semaphore_mem>>) src(%dma_wait3A_78 : memref<128xi32, #tpu.memory_space<hbm>>) dst(%arg8 : memref<128xi32, #tpu.memory_space<vmem>>)
      tpu.yield
    }) : () -> ()
    %dma_start3A = arith.constant 0 : i32
    %dma_start3A_31 = arith.constant 0 : i32
    %dma_start3A_32 = tpu.memref_slice %arg11[%dma_start3A, %dma_start3A_31] : memref<10240x128xf32, #tpu.memory_space<vmem_shared>> -> memref<10240x128xf32, #tpu.memory_space<vmem_shared>>
    tpu.enqueue_indirect_dma source(%dma_start3A_32 : memref<10240x128xf32, #tpu.memory_space<vmem_shared>>) target(%arg10 : memref<128x128xf32, #tpu.memory_space<vmem>>) offsets(%arg8 : memref<128xi32, #tpu.memory_space<vmem>>) semaphore(%arg12 : memref<!tpu.dma_semaphore, #tpu.memory_space<semaphore_mem>>)
    %dma_wait3A = arith.constant 0 : i32
    %dma_wait3A_33 = arith.constant 0 : i32
    %dma_wait3A_34 = tpu.memref_slice %arg11[%dma_wait3A, %dma_wait3A_33] : memref<10240x128xf32, #tpu.memory_space<vmem_shared>> -> memref<10240x128xf32, #tpu.memory_space<vmem_shared>>
    tpu.wait_indirect_dma semaphore(%arg12 : memref<!tpu.dma_semaphore, #tpu.memory_space<semaphore_mem>>) src(%dma_wait3A_34 : memref<10240x128xf32, #tpu.memory_space<vmem_shared>>) dst(%arg10 : memref<128x128xf32, #tpu.memory_space<vmem>>)
    "tpu.region"() ({
      %run_scoped3A = tpu.sem_alloc : memref<!tpu.dma_semaphore, #tpu.memory_space<semaphore_mem>>
      %dma_start3A_75 = arith.constant 0 : i32
      %dma_start3A_76 = tpu.memref_slice %arg7[%arg0, %add3A_30, %dma_start3A_75] : memref<2x10240x128xf32, #tpu.memory_space<hbm>> -> memref<1x128x128xf32, #tpu.memory_space<hbm>>
      %dma_start3A_77 = tpu.memref_squeeze %dma_start3A_76 : memref<1x128x128xf32, #tpu.memory_space<hbm>> -> memref<128x128xf32, #tpu.memory_space<hbm>>
      %dma_start3A_78 = arith.constant 0 : i32
      %dma_start3A_79 = tpu.memref_slice %arg7[%arg0, %add3A_30, %dma_start3A_78] : memref<2x10240x128xf32, #tpu.memory_space<hbm>> -> memref<1x128x128xf32, #tpu.memory_space<hbm>>
      %dma_start3A_80 = tpu.memref_squeeze %dma_start3A_79 : memref<1x128x128xf32, #tpu.memory_space<hbm>> -> memref<128x128xf32, #tpu.memory_space<hbm>>
      tpu.enqueue_dma source(%arg10 : memref<128x128xf32, #tpu.memory_space<vmem>>) target(%dma_start3A_80 : memref<128x128xf32, #tpu.memory_space<hbm>>) target_semaphore(%run_scoped3A : memref<!tpu.dma_semaphore, #tpu.memory_space<semaphore_mem>>)
      %dma_wait3A_81 = arith.constant 0 : i32
      %dma_wait3A_82 = tpu.memref_slice %arg7[%arg0, %add3A_30, %dma_wait3A_81] : memref<2x10240x128xf32, #tpu.memory_space<hbm>> -> memref<1x128x128xf32, #tpu.memory_space<hbm>>
      %dma_wait3A_83 = tpu.memref_squeeze %dma_wait3A_82 : memref<1x128x128xf32, #tpu.memory_space<hbm>> -> memref<128x128xf32, #tpu.memory_space<hbm>>
      %dma_wait3A_84 = arith.constant 0 : i32
      %dma_wait3A_85 = tpu.memref_slice %arg7[%arg0, %add3A_30, %dma_wait3A_84] : memref<2x10240x128xf32, #tpu.memory_space<hbm>> -> memref<1x128x128xf32, #tpu.memory_space<hbm>>
      %dma_wait3A_86 = tpu.memref_squeeze %dma_wait3A_85 : memref<1x128x128xf32, #tpu.memory_space<hbm>> -> memref<128x128xf32, #tpu.memory_space<hbm>>
      tpu.wait_dma2 semaphore(%run_scoped3A : memref<!tpu.dma_semaphore, #tpu.memory_space<semaphore_mem>>) src(%arg10 : memref<128x128xf32, #tpu.memory_space<vmem>>) dst(%dma_wait3A_86 : memref<128x128xf32, #tpu.memory_space<hbm>>)
      tpu.yield
    }) : () -> ()
    %mul3A_35 = arith.constant 640 : i32
    %mul3A_36 = arith.muli %arg1, %mul3A_35 : i32
    %add3A_37 = arith.constant 128 : i32
    %add3A_38 = arith.addi %mul3A_36, %add3A_37 : i32
    "tpu.region"() ({
      %run_scoped3A = tpu.sem_alloc : memref<!tpu.dma_semaphore, #tpu.memory_space<semaphore_mem>>
      %dma_start3A_75 = tpu.memref_slice %arg6[%add3A_38] : memref<10240xi32, #tpu.memory_space<hbm>> -> memref<128xi32, #tpu.memory_space<hbm>>
      %dma_start3A_76 = tpu.memref_slice %arg6[%add3A_38] : memref<10240xi32, #tpu.memory_space<hbm>> -> memref<128xi32, #tpu.memory_space<hbm>>
      tpu.enqueue_dma source(%dma_start3A_76 : memref<128xi32, #tpu.memory_space<hbm>>) target(%arg8 : memref<128xi32, #tpu.memory_space<vmem>>) target_semaphore(%run_scoped3A : memref<!tpu.dma_semaphore, #tpu.memory_space<semaphore_mem>>)
      %dma_wait3A_77 = tpu.memref_slice %arg6[%add3A_38] : memref<10240xi32, #tpu.memory_space<hbm>> -> memref<128xi32, #tpu.memory_space<hbm>>
      %dma_wait3A_78 = tpu.memref_slice %arg6[%add3A_38] : memref<10240xi32, #tpu.memory_space<hbm>> -> memref<128xi32, #tpu.memory_space<hbm>>
      tpu.wait_dma2 semaphore(%run_scoped3A : memref<!tpu.dma_semaphore, #tpu.memory_space<semaphore_mem>>) src(%dma_wait3A_78 : memref<128xi32, #tpu.memory_space<hbm>>) dst(%arg8 : memref<128xi32, #tpu.memory_space<vmem>>)
      tpu.yield
    }) : () -> ()
    %dma_start3A_39 = arith.constant 0 : i32
    %dma_start3A_40 = arith.constant 0 : i32
    %dma_start3A_41 = tpu.memref_slice %arg11[%dma_start3A_39, %dma_start3A_40] : memref<10240x128xf32, #tpu.memory_space<vmem_shared>> -> memref<10240x128xf32, #tpu.memory_space<vmem_shared>>
    tpu.enqueue_indirect_dma source(%dma_start3A_41 : memref<10240x128xf32, #tpu.memory_space<vmem_shared>>) target(%arg10 : memref<128x128xf32, #tpu.memory_space<vmem>>) offsets(%arg8 : memref<128xi32, #tpu.memory_space<vmem>>) semaphore(%arg12 : memref<!tpu.dma_semaphore, #tpu.memory_space<semaphore_mem>>)
    %dma_wait3A_42 = arith.constant 0 : i32
    %dma_wait3A_43 = arith.constant 0 : i32
    %dma_wait3A_44 = tpu.memref_slice %arg11[%dma_wait3A_42, %dma_wait3A_43] : memref<10240x128xf32, #tpu.memory_space<vmem_shared>> -> memref<10240x128xf32, #tpu.memory_space<vmem_shared>>
    tpu.wait_indirect_dma semaphore(%arg12 : memref<!tpu.dma_semaphore, #tpu.memory_space<semaphore_mem>>) src(%dma_wait3A_44 : memref<10240x128xf32, #tpu.memory_space<vmem_shared>>) dst(%arg10 : memref<128x128xf32, #tpu.memory_space<vmem>>)
    "tpu.region"() ({
      %run_scoped3A = tpu.sem_alloc : memref<!tpu.dma_semaphore, #tpu.memory_space<semaphore_mem>>
      %dma_start3A_75 = arith.constant 0 : i32
      %dma_start3A_76 = tpu.memref_slice %arg7[%arg0, %add3A_38, %dma_start3A_75] : memref<2x10240x128xf32, #tpu.memory_space<hbm>> -> memref<1x128x128xf32, #tpu.memory_space<hbm>>
      %dma_start3A_77 = tpu.memref_squeeze %dma_start3A_76 : memref<1x128x128xf32, #tpu.memory_space<hbm>> -> memref<128x128xf32, #tpu.memory_space<hbm>>
      %dma_start3A_78 = arith.constant 0 : i32
      %dma_start3A_79 = tpu.memref_slice %arg7[%arg0, %add3A_38, %dma_start3A_78] : memref<2x10240x128xf32, #tpu.memory_space<hbm>> -> memref<1x128x128xf32, #tpu.memory_space<hbm>>
      %dma_start3A_80 = tpu.memref_squeeze %dma_start3A_79 : memref<1x128x128xf32, #tpu.memory_space<hbm>> -> memref<128x128xf32, #tpu.memory_space<hbm>>
      tpu.enqueue_dma source(%arg10 : memref<128x128xf32, #tpu.memory_space<vmem>>) target(%dma_start3A_80 : memref<128x128xf32, #tpu.memory_space<hbm>>) target_semaphore(%run_scoped3A : memref<!tpu.dma_semaphore, #tpu.memory_space<semaphore_mem>>)
      %dma_wait3A_81 = arith.constant 0 : i32
      %dma_wait3A_82 = tpu.memref_slice %arg7[%arg0, %add3A_38, %dma_wait3A_81] : memref<2x10240x128xf32, #tpu.memory_space<hbm>> -> memref<1x128x128xf32, #tpu.memory_space<hbm>>
      %dma_wait3A_83 = tpu.memref_squeeze %dma_wait3A_82 : memref<1x128x128xf32, #tpu.memory_space<hbm>> -> memref<128x128xf32, #tpu.memory_space<hbm>>
      %dma_wait3A_84 = arith.constant 0 : i32
      %dma_wait3A_85 = tpu.memref_slice %arg7[%arg0, %add3A_38, %dma_wait3A_84] : memref<2x10240x128xf32, #tpu.memory_space<hbm>> -> memref<1x128x128xf32, #tpu.memory_space<hbm>>
      %dma_wait3A_86 = tpu.memref_squeeze %dma_wait3A_85 : memref<1x128x128xf32, #tpu.memory_space<hbm>> -> memref<128x128xf32, #tpu.memory_space<hbm>>
      tpu.wait_dma2 semaphore(%run_scoped3A : memref<!tpu.dma_semaphore, #tpu.memory_space<semaphore_mem>>) src(%arg10 : memref<128x128xf32, #tpu.memory_space<vmem>>) dst(%dma_wait3A_86 : memref<128x128xf32, #tpu.memory_space<hbm>>)
      tpu.yield
    }) : () -> ()
    %mul3A_45 = arith.constant 640 : i32
    %mul3A_46 = arith.muli %arg1, %mul3A_45 : i32
    %add3A_47 = arith.constant 256 : i32
    %add3A_48 = arith.addi %mul3A_46, %add3A_47 : i32
    "tpu.region"() ({
      %run_scoped3A = tpu.sem_alloc : memref<!tpu.dma_semaphore, #tpu.memory_space<semaphore_mem>>
      %dma_start3A_75 = tpu.memref_slice %arg6[%add3A_48] : memref<10240xi32, #tpu.memory_space<hbm>> -> memref<128xi32, #tpu.memory_space<hbm>>
      %dma_start3A_76 = tpu.memref_slice %arg6[%add3A_48] : memref<10240xi32, #tpu.memory_space<hbm>> -> memref<128xi32, #tpu.memory_space<hbm>>
      tpu.enqueue_dma source(%dma_start3A_76 : memref<128xi32, #tpu.memory_space<hbm>>) target(%arg8 : memref<128xi32, #tpu.memory_space<vmem>>) target_semaphore(%run_scoped3A : memref<!tpu.dma_semaphore, #tpu.memory_space<semaphore_mem>>)
      %dma_wait3A_77 = tpu.memref_slice %arg6[%add3A_48] : memref<10240xi32, #tpu.memory_space<hbm>> -> memref<128xi32, #tpu.memory_space<hbm>>
      %dma_wait3A_78 = tpu.memref_slice %arg6[%add3A_48] : memref<10240xi32, #tpu.memory_space<hbm>> -> memref<128xi32, #tpu.memory_space<hbm>>
      tpu.wait_dma2 semaphore(%run_scoped3A : memref<!tpu.dma_semaphore, #tpu.memory_space<semaphore_mem>>) src(%dma_wait3A_78 : memref<128xi32, #tpu.memory_space<hbm>>) dst(%arg8 : memref<128xi32, #tpu.memory_space<vmem>>)
      tpu.yield
    }) : () -> ()
    %dma_start3A_49 = arith.constant 0 : i32
    %dma_start3A_50 = arith.constant 0 : i32
    %dma_start3A_51 = tpu.memref_slice %arg11[%dma_start3A_49, %dma_start3A_50] : memref<10240x128xf32, #tpu.memory_space<vmem_shared>> -> memref<10240x128xf32, #tpu.memory_space<vmem_shared>>
    tpu.enqueue_indirect_dma source(%dma_start3A_51 : memref<10240x128xf32, #tpu.memory_space<vmem_shared>>) target(%arg10 : memref<128x128xf32, #tpu.memory_space<vmem>>) offsets(%arg8 : memref<128xi32, #tpu.memory_space<vmem>>) semaphore(%arg12 : memref<!tpu.dma_semaphore, #tpu.memory_space<semaphore_mem>>)
    %dma_wait3A_52 = arith.constant 0 : i32
    %dma_wait3A_53 = arith.constant 0 : i32
    %dma_wait3A_54 = tpu.memref_slice %arg11[%dma_wait3A_52, %dma_wait3A_53] : memref<10240x128xf32, #tpu.memory_space<vmem_shared>> -> memref<10240x128xf32, #tpu.memory_space<vmem_shared>>
    tpu.wait_indirect_dma semaphore(%arg12 : memref<!tpu.dma_semaphore, #tpu.memory_space<semaphore_mem>>) src(%dma_wait3A_54 : memref<10240x128xf32, #tpu.memory_space<vmem_shared>>) dst(%arg10 : memref<128x128xf32, #tpu.memory_space<vmem>>)
    "tpu.region"() ({
      %run_scoped3A = tpu.sem_alloc : memref<!tpu.dma_semaphore, #tpu.memory_space<semaphore_mem>>
      %dma_start3A_75 = arith.constant 0 : i32
      %dma_start3A_76 = tpu.memref_slice %arg7[%arg0, %add3A_48, %dma_start3A_75] : memref<2x10240x128xf32, #tpu.memory_space<hbm>> -> memref<1x128x128xf32, #tpu.memory_space<hbm>>
      %dma_start3A_77 = tpu.memref_squeeze %dma_start3A_76 : memref<1x128x128xf32, #tpu.memory_space<hbm>> -> memref<128x128xf32, #tpu.memory_space<hbm>>
      %dma_start3A_78 = arith.constant 0 : i32
      %dma_start3A_79 = tpu.memref_slice %arg7[%arg0, %add3A_48, %dma_start3A_78] : memref<2x10240x128xf32, #tpu.memory_space<hbm>> -> memref<1x128x128xf32, #tpu.memory_space<hbm>>
      %dma_start3A_80 = tpu.memref_squeeze %dma_start3A_79 : memref<1x128x128xf32, #tpu.memory_space<hbm>> -> memref<128x128xf32, #tpu.memory_space<hbm>>
      tpu.enqueue_dma source(%arg10 : memref<128x128xf32, #tpu.memory_space<vmem>>) target(%dma_start3A_80 : memref<128x128xf32, #tpu.memory_space<hbm>>) target_semaphore(%run_scoped3A : memref<!tpu.dma_semaphore, #tpu.memory_space<semaphore_mem>>)
      %dma_wait3A_81 = arith.constant 0 : i32
      %dma_wait3A_82 = tpu.memref_slice %arg7[%arg0, %add3A_48, %dma_wait3A_81] : memref<2x10240x128xf32, #tpu.memory_space<hbm>> -> memref<1x128x128xf32, #tpu.memory_space<hbm>>
      %dma_wait3A_83 = tpu.memref_squeeze %dma_wait3A_82 : memref<1x128x128xf32, #tpu.memory_space<hbm>> -> memref<128x128xf32, #tpu.memory_space<hbm>>
      %dma_wait3A_84 = arith.constant 0 : i32
      %dma_wait3A_85 = tpu.memref_slice %arg7[%arg0, %add3A_48, %dma_wait3A_84] : memref<2x10240x128xf32, #tpu.memory_space<hbm>> -> memref<1x128x128xf32, #tpu.memory_space<hbm>>
      %dma_wait3A_86 = tpu.memref_squeeze %dma_wait3A_85 : memref<1x128x128xf32, #tpu.memory_space<hbm>> -> memref<128x128xf32, #tpu.memory_space<hbm>>
      tpu.wait_dma2 semaphore(%run_scoped3A : memref<!tpu.dma_semaphore, #tpu.memory_space<semaphore_mem>>) src(%arg10 : memref<128x128xf32, #tpu.memory_space<vmem>>) dst(%dma_wait3A_86 : memref<128x128xf32, #tpu.memory_space<hbm>>)
      tpu.yield
    }) : () -> ()
    %mul3A_55 = arith.constant 640 : i32
    %mul3A_56 = arith.muli %arg1, %mul3A_55 : i32
    %add3A_57 = arith.constant 384 : i32
    %add3A_58 = arith.addi %mul3A_56, %add3A_57 : i32
    "tpu.region"() ({
      %run_scoped3A = tpu.sem_alloc : memref<!tpu.dma_semaphore, #tpu.memory_space<semaphore_mem>>
      %dma_start3A_75 = tpu.memref_slice %arg6[%add3A_58] : memref<10240xi32, #tpu.memory_space<hbm>> -> memref<128xi32, #tpu.memory_space<hbm>>
      %dma_start3A_76 = tpu.memref_slice %arg6[%add3A_58] : memref<10240xi32, #tpu.memory_space<hbm>> -> memref<128xi32, #tpu.memory_space<hbm>>
      tpu.enqueue_dma source(%dma_start3A_76 : memref<128xi32, #tpu.memory_space<hbm>>) target(%arg8 : memref<128xi32, #tpu.memory_space<vmem>>) target_semaphore(%run_scoped3A : memref<!tpu.dma_semaphore, #tpu.memory_space<semaphore_mem>>)
      %dma_wait3A_77 = tpu.memref_slice %arg6[%add3A_58] : memref<10240xi32, #tpu.memory_space<hbm>> -> memref<128xi32, #tpu.memory_space<hbm>>
      %dma_wait3A_78 = tpu.memref_slice %arg6[%add3A_58] : memref<10240xi32, #tpu.memory_space<hbm>> -> memref<128xi32, #tpu.memory_space<hbm>>
      tpu.wait_dma2 semaphore(%run_scoped3A : memref<!tpu.dma_semaphore, #tpu.memory_space<semaphore_mem>>) src(%dma_wait3A_78 : memref<128xi32, #tpu.memory_space<hbm>>) dst(%arg8 : memref<128xi32, #tpu.memory_space<vmem>>)
      tpu.yield
    }) : () -> ()
    %dma_start3A_59 = arith.constant 0 : i32
    %dma_start3A_60 = arith.constant 0 : i32
    %dma_start3A_61 = tpu.memref_slice %arg11[%dma_start3A_59, %dma_start3A_60] : memref<10240x128xf32, #tpu.memory_space<vmem_shared>> -> memref<10240x128xf32, #tpu.memory_space<vmem_shared>>
    tpu.enqueue_indirect_dma source(%dma_start3A_61 : memref<10240x128xf32, #tpu.memory_space<vmem_shared>>) target(%arg10 : memref<128x128xf32, #tpu.memory_space<vmem>>) offsets(%arg8 : memref<128xi32, #tpu.memory_space<vmem>>) semaphore(%arg12 : memref<!tpu.dma_semaphore, #tpu.memory_space<semaphore_mem>>)
    %dma_wait3A_62 = arith.constant 0 : i32
    %dma_wait3A_63 = arith.constant 0 : i32
    %dma_wait3A_64 = tpu.memref_slice %arg11[%dma_wait3A_62, %dma_wait3A_63] : memref<10240x128xf32, #tpu.memory_space<vmem_shared>> -> memref<10240x128xf32, #tpu.memory_space<vmem_shared>>
    tpu.wait_indirect_dma semaphore(%arg12 : memref<!tpu.dma_semaphore, #tpu.memory_space<semaphore_mem>>) src(%dma_wait3A_64 : memref<10240x128xf32, #tpu.memory_space<vmem_shared>>) dst(%arg10 : memref<128x128xf32, #tpu.memory_space<vmem>>)
    "tpu.region"() ({
      %run_scoped3A = tpu.sem_alloc : memref<!tpu.dma_semaphore, #tpu.memory_space<semaphore_mem>>
      %dma_start3A_75 = arith.constant 0 : i32
      %dma_start3A_76 = tpu.memref_slice %arg7[%arg0, %add3A_58, %dma_start3A_75] : memref<2x10240x128xf32, #tpu.memory_space<hbm>> -> memref<1x128x128xf32, #tpu.memory_space<hbm>>
      %dma_start3A_77 = tpu.memref_squeeze %dma_start3A_76 : memref<1x128x128xf32, #tpu.memory_space<hbm>> -> memref<128x128xf32, #tpu.memory_space<hbm>>
      %dma_start3A_78 = arith.constant 0 : i32
      %dma_start3A_79 = tpu.memref_slice %arg7[%arg0, %add3A_58, %dma_start3A_78] : memref<2x10240x128xf32, #tpu.memory_space<hbm>> -> memref<1x128x128xf32, #tpu.memory_space<hbm>>
      %dma_start3A_80 = tpu.memref_squeeze %dma_start3A_79 : memref<1x128x128xf32, #tpu.memory_space<hbm>> -> memref<128x128xf32, #tpu.memory_space<hbm>>
      tpu.enqueue_dma source(%arg10 : memref<128x128xf32, #tpu.memory_space<vmem>>) target(%dma_start3A_80 : memref<128x128xf32, #tpu.memory_space<hbm>>) target_semaphore(%run_scoped3A : memref<!tpu.dma_semaphore, #tpu.memory_space<semaphore_mem>>)
      %dma_wait3A_81 = arith.constant 0 : i32
      %dma_wait3A_82 = tpu.memref_slice %arg7[%arg0, %add3A_58, %dma_wait3A_81] : memref<2x10240x128xf32, #tpu.memory_space<hbm>> -> memref<1x128x128xf32, #tpu.memory_space<hbm>>
      %dma_wait3A_83 = tpu.memref_squeeze %dma_wait3A_82 : memref<1x128x128xf32, #tpu.memory_space<hbm>> -> memref<128x128xf32, #tpu.memory_space<hbm>>
      %dma_wait3A_84 = arith.constant 0 : i32
      %dma_wait3A_85 = tpu.memref_slice %arg7[%arg0, %add3A_58, %dma_wait3A_84] : memref<2x10240x128xf32, #tpu.memory_space<hbm>> -> memref<1x128x128xf32, #tpu.memory_space<hbm>>
      %dma_wait3A_86 = tpu.memref_squeeze %dma_wait3A_85 : memref<1x128x128xf32, #tpu.memory_space<hbm>> -> memref<128x128xf32, #tpu.memory_space<hbm>>
      tpu.wait_dma2 semaphore(%run_scoped3A : memref<!tpu.dma_semaphore, #tpu.memory_space<semaphore_mem>>) src(%arg10 : memref<128x128xf32, #tpu.memory_space<vmem>>) dst(%dma_wait3A_86 : memref<128x128xf32, #tpu.memory_space<hbm>>)
      tpu.yield
    }) : () -> ()
    %mul3A_65 = arith.constant 640 : i32
    %mul3A_66 = arith.muli %arg1, %mul3A_65 : i32
    %add3A_67 = arith.constant 512 : i32
    %add3A_68 = arith.addi %mul3A_66, %add3A_67 : i32
    "tpu.region"() ({
      %run_scoped3A = tpu.sem_alloc : memref<!tpu.dma_semaphore, #tpu.memory_space<semaphore_mem>>
      %dma_start3A_75 = tpu.memref_slice %arg6[%add3A_68] : memref<10240xi32, #tpu.memory_space<hbm>> -> memref<128xi32, #tpu.memory_space<hbm>>
      %dma_start3A_76 = tpu.memref_slice %arg6[%add3A_68] : memref<10240xi32, #tpu.memory_space<hbm>> -> memref<128xi32, #tpu.memory_space<hbm>>
      tpu.enqueue_dma source(%dma_start3A_76 : memref<128xi32, #tpu.memory_space<hbm>>) target(%arg8 : memref<128xi32, #tpu.memory_space<vmem>>) target_semaphore(%run_scoped3A : memref<!tpu.dma_semaphore, #tpu.memory_space<semaphore_mem>>)
      %dma_wait3A_77 = tpu.memref_slice %arg6[%add3A_68] : memref<10240xi32, #tpu.memory_space<hbm>> -> memref<128xi32, #tpu.memory_space<hbm>>
      %dma_wait3A_78 = tpu.memref_slice %arg6[%add3A_68] : memref<10240xi32, #tpu.memory_space<hbm>> -> memref<128xi32, #tpu.memory_space<hbm>>
      tpu.wait_dma2 semaphore(%run_scoped3A : memref<!tpu.dma_semaphore, #tpu.memory_space<semaphore_mem>>) src(%dma_wait3A_78 : memref<128xi32, #tpu.memory_space<hbm>>) dst(%arg8 : memref<128xi32, #tpu.memory_space<vmem>>)
      tpu.yield
    }) : () -> ()
    %dma_start3A_69 = arith.constant 0 : i32
    %dma_start3A_70 = arith.constant 0 : i32
    %dma_start3A_71 = tpu.memref_slice %arg11[%dma_start3A_69, %dma_start3A_70] : memref<10240x128xf32, #tpu.memory_space<vmem_shared>> -> memref<10240x128xf32, #tpu.memory_space<vmem_shared>>
    tpu.enqueue_indirect_dma source(%dma_start3A_71 : memref<10240x128xf32, #tpu.memory_space<vmem_shared>>) target(%arg10 : memref<128x128xf32, #tpu.memory_space<vmem>>) offsets(%arg8 : memref<128xi32, #tpu.memory_space<vmem>>) semaphore(%arg12 : memref<!tpu.dma_semaphore, #tpu.memory_space<semaphore_mem>>)
    %dma_wait3A_72 = arith.constant 0 : i32
    %dma_wait3A_73 = arith.constant 0 : i32
    %dma_wait3A_74 = tpu.memref_slice %arg11[%dma_wait3A_72, %dma_wait3A_73] : memref<10240x128xf32, #tpu.memory_space<vmem_shared>> -> memref<10240x128xf32, #tpu.memory_space<vmem_shared>>
    tpu.wait_indirect_dma semaphore(%arg12 : memref<!tpu.dma_semaphore, #tpu.memory_space<semaphore_mem>>) src(%dma_wait3A_74 : memref<10240x128xf32, #tpu.memory_space<vmem_shared>>) dst(%arg10 : memref<128x128xf32, #tpu.memory_space<vmem>>)
    "tpu.region"() ({
      %run_scoped3A = tpu.sem_alloc : memref<!tpu.dma_semaphore, #tpu.memory_space<semaphore_mem>>
      %dma_start3A_75 = arith.constant 0 : i32
      %dma_start3A_76 = tpu.memref_slice %arg7[%arg0, %add3A_68, %dma_start3A_75] : memref<2x10240x128xf32, #tpu.memory_space<hbm>> -> memref<1x128x128xf32, #tpu.memory_space<hbm>>
      %dma_start3A_77 = tpu.memref_squeeze %dma_start3A_76 : memref<1x128x128xf32, #tpu.memory_space<hbm>> -> memref<128x128xf32, #tpu.memory_space<hbm>>
      %dma_start3A_78 = arith.constant 0 : i32
      %dma_start3A_79 = tpu.memref_slice %arg7[%arg0, %add3A_68, %dma_start3A_78] : memref<2x10240x128xf32, #tpu.memory_space<hbm>> -> memref<1x128x128xf32, #tpu.memory_space<hbm>>
      %dma_start3A_80 = tpu.memref_squeeze %dma_start3A_79 : memref<1x128x128xf32, #tpu.memory_space<hbm>> -> memref<128x128xf32, #tpu.memory_space<hbm>>
      tpu.enqueue_dma source(%arg10 : memref<128x128xf32, #tpu.memory_space<vmem>>) target(%dma_start3A_80 : memref<128x128xf32, #tpu.memory_space<hbm>>) target_semaphore(%run_scoped3A : memref<!tpu.dma_semaphore, #tpu.memory_space<semaphore_mem>>)
      %dma_wait3A_81 = arith.constant 0 : i32
      %dma_wait3A_82 = tpu.memref_slice %arg7[%arg0, %add3A_68, %dma_wait3A_81] : memref<2x10240x128xf32, #tpu.memory_space<hbm>> -> memref<1x128x128xf32, #tpu.memory_space<hbm>>
      %dma_wait3A_83 = tpu.memref_squeeze %dma_wait3A_82 : memref<1x128x128xf32, #tpu.memory_space<hbm>> -> memref<128x128xf32, #tpu.memory_space<hbm>>
      %dma_wait3A_84 = arith.constant 0 : i32
      %dma_wait3A_85 = tpu.memref_slice %arg7[%arg0, %add3A_68, %dma_wait3A_84] : memref<2x10240x128xf32, #tpu.memory_space<hbm>> -> memref<1x128x128xf32, #tpu.memory_space<hbm>>
      %dma_wait3A_86 = tpu.memref_squeeze %dma_wait3A_85 : memref<1x128x128xf32, #tpu.memory_space<hbm>> -> memref<128x128xf32, #tpu.memory_space<hbm>>
      tpu.wait_dma2 semaphore(%run_scoped3A : memref<!tpu.dma_semaphore, #tpu.memory_space<semaphore_mem>>) src(%arg10 : memref<128x128xf32, #tpu.memory_space<vmem>>) dst(%dma_wait3A_86 : memref<128x128xf32, #tpu.memory_space<hbm>>)
      tpu.yield
    }) : () -> ()
    return
  }
}

#map = affine_map<(d0, d1) -> (0)>
#map1 = affine_map<(d0, d1) -> (0, 0)>
#map2 = affine_map<(d0, d1) -> (0, 0, 0)>
module attributes {stable_mosaic.version = 14 : i64} {
  func.func @agg_kernel(%arg0: i32, %arg1: i32, %arg2: memref<327680xi32, #tpu.memory_space<hbm>>, %arg3: memref<327680xi32, #tpu.memory_space<hbm>>, %arg4: memref<10240x128xf32, #tpu.memory_space<hbm>>, %arg5: memref<128x128xf32, #tpu.memory_space<hbm>>, %arg6: memref<10240xi32, #tpu.memory_space<hbm>>, %arg7: memref<2x10240x128xf32, #tpu.memory_space<hbm>>, %arg8: memref<128xi32, #tpu.memory_space<vmem>>, %arg9: memref<128xi32, #tpu.memory_space<vmem>>, %arg10: memref<128x128xf32, #tpu.memory_space<vmem>>, %arg11: memref<10240x128xf32, #tpu.memory_space<vmem_shared>>, %arg12: memref<!tpu.dma_semaphore, #tpu.memory_space<semaphore_mem>>) attributes {dimension_semantics = [#tpu.dimension_semantics<core_parallel>, #tpu.dimension_semantics<subcore_parallel>], iteration_bounds = array<i64: 2, 16>, scalar_prefetch = 0 : i64, scratch_operands = 5 : i64, tpu.core_type = #tpu.core_type<sc_vector_subcore>, window_params = [{transform_indices = #map}, {transform_indices = #map}, {transform_indices = #map1}, {transform_indices = #map1}, {transform_indices = #map}, {transform_indices = #map2}]} {
    %mul3A = arith.constant 16 : i32
    %mul3A_0 = arith.muli %arg0, %mul3A : i32
    %add3A = arith.addi %mul3A_0, %arg1 : i32
    "tpu.region"() ({
      %run_scoped3A = tpu.sem_alloc : memref<!tpu.dma_semaphore, #tpu.memory_space<semaphore_mem>>
      tpu.enqueue_dma source(%arg5 : memref<128x128xf32, #tpu.memory_space<hbm>>) target(%arg10 : memref<128x128xf32, #tpu.memory_space<vmem>>) target_semaphore(%run_scoped3A : memref<!tpu.dma_semaphore, #tpu.memory_space<semaphore_mem>>)
      tpu.wait_dma2 semaphore(%run_scoped3A : memref<!tpu.dma_semaphore, #tpu.memory_space<semaphore_mem>>) src(%arg5 : memref<128x128xf32, #tpu.memory_space<hbm>>) dst(%arg10 : memref<128x128xf32, #tpu.memory_space<vmem>>)
      tpu.yield
    }) : () -> ()
    %mul3A_1 = arith.constant 640 : i32
    %mul3A_2 = arith.muli %arg1, %mul3A_1 : i32
    %add3A_3 = arith.constant 0 : i32
    %add3A_4 = arith.addi %mul3A_2, %add3A_3 : i32
    "tpu.region"() ({
      %run_scoped3A = tpu.sem_alloc : memref<!tpu.dma_semaphore, #tpu.memory_space<semaphore_mem>>
      %dma_start3A_75 = tpu.memref_slice %arg6[%add3A_4] : memref<10240xi32, #tpu.memory_space<hbm>> -> memref<128xi32, #tpu.memory_space<hbm>>
      %dma_start3A_76 = tpu.memref_slice %arg6[%add3A_4] : memref<10240xi32, #tpu.memory_space<hbm>> -> memref<128xi32, #tpu.memory_space<hbm>>
      tpu.enqueue_dma source(%dma_start3A_76 : memref<128xi32, #tpu.memory_space<hbm>>) target(%arg8 : memref<128xi32, #tpu.memory_space<vmem>>) target_semaphore(%run_scoped3A : memref<!tpu.dma_semaphore, #tpu.memory_space<semaphore_mem>>)
      %dma_wait3A_77 = tpu.memref_slice %arg6[%add3A_4] : memref<10240xi32, #tpu.memory_space<hbm>> -> memref<128xi32, #tpu.memory_space<hbm>>
      %dma_wait3A_78 = tpu.memref_slice %arg6[%add3A_4] : memref<10240xi32, #tpu.memory_space<hbm>> -> memref<128xi32, #tpu.memory_space<hbm>>
      tpu.wait_dma2 semaphore(%run_scoped3A : memref<!tpu.dma_semaphore, #tpu.memory_space<semaphore_mem>>) src(%dma_wait3A_78 : memref<128xi32, #tpu.memory_space<hbm>>) dst(%arg8 : memref<128xi32, #tpu.memory_space<vmem>>)
      tpu.yield
    }) : () -> ()
    "tpu.region"() ({
      %run_scoped3A = tpu.sem_alloc : memref<!tpu.dma_semaphore, #tpu.memory_space<semaphore_mem>>
      %dma_start3A_75 = arith.constant 0 : i32
      %dma_start3A_76 = arith.constant 0 : i32
      %dma_start3A_77 = tpu.memref_slice %arg11[%dma_start3A_75, %dma_start3A_76] : memref<10240x128xf32, #tpu.memory_space<vmem_shared>> -> memref<10240x128xf32, #tpu.memory_space<vmem_shared>>
      tpu.enqueue_indirect_dma source(%arg10 : memref<128x128xf32, #tpu.memory_space<vmem>>) target(%dma_start3A_77 : memref<10240x128xf32, #tpu.memory_space<vmem_shared>>) offsets(%arg8 : memref<128xi32, #tpu.memory_space<vmem>>) semaphore(%run_scoped3A : memref<!tpu.dma_semaphore, #tpu.memory_space<semaphore_mem>>)
      %dma_wait3A_78 = arith.constant 0 : i32
      %dma_wait3A_79 = arith.constant 0 : i32
      %dma_wait3A_80 = tpu.memref_slice %arg11[%dma_wait3A_78, %dma_wait3A_79] : memref<10240x128xf32, #tpu.memory_space<vmem_shared>> -> memref<10240x128xf32, #tpu.memory_space<vmem_shared>>
      tpu.wait_indirect_dma semaphore(%run_scoped3A : memref<!tpu.dma_semaphore, #tpu.memory_space<semaphore_mem>>) src(%arg10 : memref<128x128xf32, #tpu.memory_space<vmem>>) dst(%dma_wait3A_80 : memref<10240x128xf32, #tpu.memory_space<vmem_shared>>)
      tpu.yield
    }) : () -> ()
    %mul3A_5 = arith.constant 640 : i32
    %mul3A_6 = arith.muli %arg1, %mul3A_5 : i32
    %add3A_7 = arith.constant 128 : i32
    %add3A_8 = arith.addi %mul3A_6, %add3A_7 : i32
    "tpu.region"() ({
      %run_scoped3A = tpu.sem_alloc : memref<!tpu.dma_semaphore, #tpu.memory_space<semaphore_mem>>
      %dma_start3A_75 = tpu.memref_slice %arg6[%add3A_8] : memref<10240xi32, #tpu.memory_space<hbm>> -> memref<128xi32, #tpu.memory_space<hbm>>
      %dma_start3A_76 = tpu.memref_slice %arg6[%add3A_8] : memref<10240xi32, #tpu.memory_space<hbm>> -> memref<128xi32, #tpu.memory_space<hbm>>
      tpu.enqueue_dma source(%dma_start3A_76 : memref<128xi32, #tpu.memory_space<hbm>>) target(%arg8 : memref<128xi32, #tpu.memory_space<vmem>>) target_semaphore(%run_scoped3A : memref<!tpu.dma_semaphore, #tpu.memory_space<semaphore_mem>>)
      %dma_wait3A_77 = tpu.memref_slice %arg6[%add3A_8] : memref<10240xi32, #tpu.memory_space<hbm>> -> memref<128xi32, #tpu.memory_space<hbm>>
      %dma_wait3A_78 = tpu.memref_slice %arg6[%add3A_8] : memref<10240xi32, #tpu.memory_space<hbm>> -> memref<128xi32, #tpu.memory_space<hbm>>
      tpu.wait_dma2 semaphore(%run_scoped3A : memref<!tpu.dma_semaphore, #tpu.memory_space<semaphore_mem>>) src(%dma_wait3A_78 : memref<128xi32, #tpu.memory_space<hbm>>) dst(%arg8 : memref<128xi32, #tpu.memory_space<vmem>>)
      tpu.yield
    }) : () -> ()
    "tpu.region"() ({
      %run_scoped3A = tpu.sem_alloc : memref<!tpu.dma_semaphore, #tpu.memory_space<semaphore_mem>>
      %dma_start3A_75 = arith.constant 0 : i32
      %dma_start3A_76 = arith.constant 0 : i32
      %dma_start3A_77 = tpu.memref_slice %arg11[%dma_start3A_75, %dma_start3A_76] : memref<10240x128xf32, #tpu.memory_space<vmem_shared>> -> memref<10240x128xf32, #tpu.memory_space<vmem_shared>>
      tpu.enqueue_indirect_dma source(%arg10 : memref<128x128xf32, #tpu.memory_space<vmem>>) target(%dma_start3A_77 : memref<10240x128xf32, #tpu.memory_space<vmem_shared>>) offsets(%arg8 : memref<128xi32, #tpu.memory_space<vmem>>) semaphore(%run_scoped3A : memref<!tpu.dma_semaphore, #tpu.memory_space<semaphore_mem>>)
      %dma_wait3A_78 = arith.constant 0 : i32
      %dma_wait3A_79 = arith.constant 0 : i32
      %dma_wait3A_80 = tpu.memref_slice %arg11[%dma_wait3A_78, %dma_wait3A_79] : memref<10240x128xf32, #tpu.memory_space<vmem_shared>> -> memref<10240x128xf32, #tpu.memory_space<vmem_shared>>
      tpu.wait_indirect_dma semaphore(%run_scoped3A : memref<!tpu.dma_semaphore, #tpu.memory_space<semaphore_mem>>) src(%arg10 : memref<128x128xf32, #tpu.memory_space<vmem>>) dst(%dma_wait3A_80 : memref<10240x128xf32, #tpu.memory_space<vmem_shared>>)
      tpu.yield
    }) : () -> ()
    %mul3A_9 = arith.constant 640 : i32
    %mul3A_10 = arith.muli %arg1, %mul3A_9 : i32
    %add3A_11 = arith.constant 256 : i32
    %add3A_12 = arith.addi %mul3A_10, %add3A_11 : i32
    "tpu.region"() ({
      %run_scoped3A = tpu.sem_alloc : memref<!tpu.dma_semaphore, #tpu.memory_space<semaphore_mem>>
      %dma_start3A_75 = tpu.memref_slice %arg6[%add3A_12] : memref<10240xi32, #tpu.memory_space<hbm>> -> memref<128xi32, #tpu.memory_space<hbm>>
      %dma_start3A_76 = tpu.memref_slice %arg6[%add3A_12] : memref<10240xi32, #tpu.memory_space<hbm>> -> memref<128xi32, #tpu.memory_space<hbm>>
      tpu.enqueue_dma source(%dma_start3A_76 : memref<128xi32, #tpu.memory_space<hbm>>) target(%arg8 : memref<128xi32, #tpu.memory_space<vmem>>) target_semaphore(%run_scoped3A : memref<!tpu.dma_semaphore, #tpu.memory_space<semaphore_mem>>)
      %dma_wait3A_77 = tpu.memref_slice %arg6[%add3A_12] : memref<10240xi32, #tpu.memory_space<hbm>> -> memref<128xi32, #tpu.memory_space<hbm>>
      %dma_wait3A_78 = tpu.memref_slice %arg6[%add3A_12] : memref<10240xi32, #tpu.memory_space<hbm>> -> memref<128xi32, #tpu.memory_space<hbm>>
      tpu.wait_dma2 semaphore(%run_scoped3A : memref<!tpu.dma_semaphore, #tpu.memory_space<semaphore_mem>>) src(%dma_wait3A_78 : memref<128xi32, #tpu.memory_space<hbm>>) dst(%arg8 : memref<128xi32, #tpu.memory_space<vmem>>)
      tpu.yield
    }) : () -> ()
    "tpu.region"() ({
      %run_scoped3A = tpu.sem_alloc : memref<!tpu.dma_semaphore, #tpu.memory_space<semaphore_mem>>
      %dma_start3A_75 = arith.constant 0 : i32
      %dma_start3A_76 = arith.constant 0 : i32
      %dma_start3A_77 = tpu.memref_slice %arg11[%dma_start3A_75, %dma_start3A_76] : memref<10240x128xf32, #tpu.memory_space<vmem_shared>> -> memref<10240x128xf32, #tpu.memory_space<vmem_shared>>
      tpu.enqueue_indirect_dma source(%arg10 : memref<128x128xf32, #tpu.memory_space<vmem>>) target(%dma_start3A_77 : memref<10240x128xf32, #tpu.memory_space<vmem_shared>>) offsets(%arg8 : memref<128xi32, #tpu.memory_space<vmem>>) semaphore(%run_scoped3A : memref<!tpu.dma_semaphore, #tpu.memory_space<semaphore_mem>>)
      %dma_wait3A_78 = arith.constant 0 : i32
      %dma_wait3A_79 = arith.constant 0 : i32
      %dma_wait3A_80 = tpu.memref_slice %arg11[%dma_wait3A_78, %dma_wait3A_79] : memref<10240x128xf32, #tpu.memory_space<vmem_shared>> -> memref<10240x128xf32, #tpu.memory_space<vmem_shared>>
      tpu.wait_indirect_dma semaphore(%run_scoped3A : memref<!tpu.dma_semaphore, #tpu.memory_space<semaphore_mem>>) src(%arg10 : memref<128x128xf32, #tpu.memory_space<vmem>>) dst(%dma_wait3A_80 : memref<10240x128xf32, #tpu.memory_space<vmem_shared>>)
      tpu.yield
    }) : () -> ()
    %mul3A_13 = arith.constant 640 : i32
    %mul3A_14 = arith.muli %arg1, %mul3A_13 : i32
    %add3A_15 = arith.constant 384 : i32
    %add3A_16 = arith.addi %mul3A_14, %add3A_15 : i32
    "tpu.region"() ({
      %run_scoped3A = tpu.sem_alloc : memref<!tpu.dma_semaphore, #tpu.memory_space<semaphore_mem>>
      %dma_start3A_75 = tpu.memref_slice %arg6[%add3A_16] : memref<10240xi32, #tpu.memory_space<hbm>> -> memref<128xi32, #tpu.memory_space<hbm>>
      %dma_start3A_76 = tpu.memref_slice %arg6[%add3A_16] : memref<10240xi32, #tpu.memory_space<hbm>> -> memref<128xi32, #tpu.memory_space<hbm>>
      tpu.enqueue_dma source(%dma_start3A_76 : memref<128xi32, #tpu.memory_space<hbm>>) target(%arg8 : memref<128xi32, #tpu.memory_space<vmem>>) target_semaphore(%run_scoped3A : memref<!tpu.dma_semaphore, #tpu.memory_space<semaphore_mem>>)
      %dma_wait3A_77 = tpu.memref_slice %arg6[%add3A_16] : memref<10240xi32, #tpu.memory_space<hbm>> -> memref<128xi32, #tpu.memory_space<hbm>>
      %dma_wait3A_78 = tpu.memref_slice %arg6[%add3A_16] : memref<10240xi32, #tpu.memory_space<hbm>> -> memref<128xi32, #tpu.memory_space<hbm>>
      tpu.wait_dma2 semaphore(%run_scoped3A : memref<!tpu.dma_semaphore, #tpu.memory_space<semaphore_mem>>) src(%dma_wait3A_78 : memref<128xi32, #tpu.memory_space<hbm>>) dst(%arg8 : memref<128xi32, #tpu.memory_space<vmem>>)
      tpu.yield
    }) : () -> ()
    "tpu.region"() ({
      %run_scoped3A = tpu.sem_alloc : memref<!tpu.dma_semaphore, #tpu.memory_space<semaphore_mem>>
      %dma_start3A_75 = arith.constant 0 : i32
      %dma_start3A_76 = arith.constant 0 : i32
      %dma_start3A_77 = tpu.memref_slice %arg11[%dma_start3A_75, %dma_start3A_76] : memref<10240x128xf32, #tpu.memory_space<vmem_shared>> -> memref<10240x128xf32, #tpu.memory_space<vmem_shared>>
      tpu.enqueue_indirect_dma source(%arg10 : memref<128x128xf32, #tpu.memory_space<vmem>>) target(%dma_start3A_77 : memref<10240x128xf32, #tpu.memory_space<vmem_shared>>) offsets(%arg8 : memref<128xi32, #tpu.memory_space<vmem>>) semaphore(%run_scoped3A : memref<!tpu.dma_semaphore, #tpu.memory_space<semaphore_mem>>)
      %dma_wait3A_78 = arith.constant 0 : i32
      %dma_wait3A_79 = arith.constant 0 : i32
      %dma_wait3A_80 = tpu.memref_slice %arg11[%dma_wait3A_78, %dma_wait3A_79] : memref<10240x128xf32, #tpu.memory_space<vmem_shared>> -> memref<10240x128xf32, #tpu.memory_space<vmem_shared>>
      tpu.wait_indirect_dma semaphore(%run_scoped3A : memref<!tpu.dma_semaphore, #tpu.memory_space<semaphore_mem>>) src(%arg10 : memref<128x128xf32, #tpu.memory_space<vmem>>) dst(%dma_wait3A_80 : memref<10240x128xf32, #tpu.memory_space<vmem_shared>>)
      tpu.yield
    }) : () -> ()
    %mul3A_17 = arith.constant 640 : i32
    %mul3A_18 = arith.muli %arg1, %mul3A_17 : i32
    %add3A_19 = arith.constant 512 : i32
    %add3A_20 = arith.addi %mul3A_18, %add3A_19 : i32
    "tpu.region"() ({
      %run_scoped3A = tpu.sem_alloc : memref<!tpu.dma_semaphore, #tpu.memory_space<semaphore_mem>>
      %dma_start3A_75 = tpu.memref_slice %arg6[%add3A_20] : memref<10240xi32, #tpu.memory_space<hbm>> -> memref<128xi32, #tpu.memory_space<hbm>>
      %dma_start3A_76 = tpu.memref_slice %arg6[%add3A_20] : memref<10240xi32, #tpu.memory_space<hbm>> -> memref<128xi32, #tpu.memory_space<hbm>>
      tpu.enqueue_dma source(%dma_start3A_76 : memref<128xi32, #tpu.memory_space<hbm>>) target(%arg8 : memref<128xi32, #tpu.memory_space<vmem>>) target_semaphore(%run_scoped3A : memref<!tpu.dma_semaphore, #tpu.memory_space<semaphore_mem>>)
      %dma_wait3A_77 = tpu.memref_slice %arg6[%add3A_20] : memref<10240xi32, #tpu.memory_space<hbm>> -> memref<128xi32, #tpu.memory_space<hbm>>
      %dma_wait3A_78 = tpu.memref_slice %arg6[%add3A_20] : memref<10240xi32, #tpu.memory_space<hbm>> -> memref<128xi32, #tpu.memory_space<hbm>>
      tpu.wait_dma2 semaphore(%run_scoped3A : memref<!tpu.dma_semaphore, #tpu.memory_space<semaphore_mem>>) src(%dma_wait3A_78 : memref<128xi32, #tpu.memory_space<hbm>>) dst(%arg8 : memref<128xi32, #tpu.memory_space<vmem>>)
      tpu.yield
    }) : () -> ()
    "tpu.region"() ({
      %run_scoped3A = tpu.sem_alloc : memref<!tpu.dma_semaphore, #tpu.memory_space<semaphore_mem>>
      %dma_start3A_75 = arith.constant 0 : i32
      %dma_start3A_76 = arith.constant 0 : i32
      %dma_start3A_77 = tpu.memref_slice %arg11[%dma_start3A_75, %dma_start3A_76] : memref<10240x128xf32, #tpu.memory_space<vmem_shared>> -> memref<10240x128xf32, #tpu.memory_space<vmem_shared>>
      tpu.enqueue_indirect_dma source(%arg10 : memref<128x128xf32, #tpu.memory_space<vmem>>) target(%dma_start3A_77 : memref<10240x128xf32, #tpu.memory_space<vmem_shared>>) offsets(%arg8 : memref<128xi32, #tpu.memory_space<vmem>>) semaphore(%run_scoped3A : memref<!tpu.dma_semaphore, #tpu.memory_space<semaphore_mem>>)
      %dma_wait3A_78 = arith.constant 0 : i32
      %dma_wait3A_79 = arith.constant 0 : i32
      %dma_wait3A_80 = tpu.memref_slice %arg11[%dma_wait3A_78, %dma_wait3A_79] : memref<10240x128xf32, #tpu.memory_space<vmem_shared>> -> memref<10240x128xf32, #tpu.memory_space<vmem_shared>>
      tpu.wait_indirect_dma semaphore(%run_scoped3A : memref<!tpu.dma_semaphore, #tpu.memory_space<semaphore_mem>>) src(%arg10 : memref<128x128xf32, #tpu.memory_space<vmem>>) dst(%dma_wait3A_80 : memref<10240x128xf32, #tpu.memory_space<vmem_shared>>)
      tpu.yield
    }) : () -> ()
    %barrier3A = arith.constant 0 : index
    tpu.barrier barrier_id(%barrier3A)
    %scan3A = arith.constant 0 : i32
    %scan3A_21 = arith.constant 0 : i32
    %scan3A_22 = arith.constant 80 : i32
    %scan3A_23 = arith.addi %scan3A_21, %scan3A_22 : i32
    %scan3A_24 = arith.constant 1 : i32
    scf.for %scan3A_75 = %scan3A_21 to %scan3A_23 step %scan3A_24  : i32 {
      %mul3A_76 = arith.constant 10240 : i32
      %mul3A_77 = arith.muli %add3A, %mul3A_76 : i32
      %mul3A_78 = arith.constant 128 : i32
      %mul3A_79 = arith.muli %scan3A_75, %mul3A_78 : i32
      %add3A_80 = arith.addi %mul3A_77, %mul3A_79 : i32
      "tpu.region"() ({
        %run_scoped3A = tpu.sem_alloc : memref<!tpu.dma_semaphore, #tpu.memory_space<semaphore_mem>>
        %dma_start3A_87 = tpu.memref_slice %arg2[%add3A_80] : memref<327680xi32, #tpu.memory_space<hbm>> -> memref<128xi32, #tpu.memory_space<hbm>>
        %dma_start3A_88 = tpu.memref_slice %arg2[%add3A_80] : memref<327680xi32, #tpu.memory_space<hbm>> -> memref<128xi32, #tpu.memory_space<hbm>>
        tpu.enqueue_dma source(%dma_start3A_88 : memref<128xi32, #tpu.memory_space<hbm>>) target(%arg8 : memref<128xi32, #tpu.memory_space<vmem>>) target_semaphore(%run_scoped3A : memref<!tpu.dma_semaphore, #tpu.memory_space<semaphore_mem>>)
        %dma_wait3A_89 = tpu.memref_slice %arg2[%add3A_80] : memref<327680xi32, #tpu.memory_space<hbm>> -> memref<128xi32, #tpu.memory_space<hbm>>
        %dma_wait3A_90 = tpu.memref_slice %arg2[%add3A_80] : memref<327680xi32, #tpu.memory_space<hbm>> -> memref<128xi32, #tpu.memory_space<hbm>>
        tpu.wait_dma2 semaphore(%run_scoped3A : memref<!tpu.dma_semaphore, #tpu.memory_space<semaphore_mem>>) src(%dma_wait3A_90 : memref<128xi32, #tpu.memory_space<hbm>>) dst(%arg8 : memref<128xi32, #tpu.memory_space<vmem>>)
        tpu.yield
      }) : () -> ()
      "tpu.region"() ({
        %run_scoped3A = tpu.sem_alloc : memref<!tpu.dma_semaphore, #tpu.memory_space<semaphore_mem>>
        %dma_start3A_87 = tpu.memref_slice %arg3[%add3A_80] : memref<327680xi32, #tpu.memory_space<hbm>> -> memref<128xi32, #tpu.memory_space<hbm>>
        %dma_start3A_88 = tpu.memref_slice %arg3[%add3A_80] : memref<327680xi32, #tpu.memory_space<hbm>> -> memref<128xi32, #tpu.memory_space<hbm>>
        tpu.enqueue_dma source(%dma_start3A_88 : memref<128xi32, #tpu.memory_space<hbm>>) target(%arg9 : memref<128xi32, #tpu.memory_space<vmem>>) target_semaphore(%run_scoped3A : memref<!tpu.dma_semaphore, #tpu.memory_space<semaphore_mem>>)
        %dma_wait3A_89 = tpu.memref_slice %arg3[%add3A_80] : memref<327680xi32, #tpu.memory_space<hbm>> -> memref<128xi32, #tpu.memory_space<hbm>>
        %dma_wait3A_90 = tpu.memref_slice %arg3[%add3A_80] : memref<327680xi32, #tpu.memory_space<hbm>> -> memref<128xi32, #tpu.memory_space<hbm>>
        tpu.wait_dma2 semaphore(%run_scoped3A : memref<!tpu.dma_semaphore, #tpu.memory_space<semaphore_mem>>) src(%dma_wait3A_90 : memref<128xi32, #tpu.memory_space<hbm>>) dst(%arg9 : memref<128xi32, #tpu.memory_space<vmem>>)
        tpu.yield
      }) : () -> ()
      %dma_start3A_81 = arith.constant 0 : i32
      %dma_start3A_82 = arith.constant 0 : i32
      %dma_start3A_83 = tpu.memref_slice %arg4[%dma_start3A_81, %dma_start3A_82] : memref<10240x128xf32, #tpu.memory_space<hbm>> -> memref<10240x128xf32, #tpu.memory_space<hbm>>
      tpu.enqueue_indirect_dma source(%dma_start3A_83 : memref<10240x128xf32, #tpu.memory_space<hbm>>) target(%arg10 : memref<128x128xf32, #tpu.memory_space<vmem>>) offsets(%arg8 : memref<128xi32, #tpu.memory_space<vmem>>) semaphore(%arg12 : memref<!tpu.dma_semaphore, #tpu.memory_space<semaphore_mem>>)
      %dma_wait3A_84 = arith.constant 0 : i32
      %dma_wait3A_85 = arith.constant 0 : i32
      %dma_wait3A_86 = tpu.memref_slice %arg4[%dma_wait3A_84, %dma_wait3A_85] : memref<10240x128xf32, #tpu.memory_space<hbm>> -> memref<10240x128xf32, #tpu.memory_space<hbm>>
      tpu.wait_indirect_dma semaphore(%arg12 : memref<!tpu.dma_semaphore, #tpu.memory_space<semaphore_mem>>) src(%dma_wait3A_86 : memref<10240x128xf32, #tpu.memory_space<hbm>>) dst(%arg10 : memref<128x128xf32, #tpu.memory_space<vmem>>)
      "tpu.region"() ({
        %run_scoped3A = tpu.sem_alloc : memref<!tpu.dma_semaphore, #tpu.memory_space<semaphore_mem>>
        %dma_start3A_87 = arith.constant 0 : i32
        %dma_start3A_88 = arith.constant 0 : i32
        %dma_start3A_89 = tpu.memref_slice %arg11[%dma_start3A_87, %dma_start3A_88] : memref<10240x128xf32, #tpu.memory_space<vmem_shared>> -> memref<10240x128xf32, #tpu.memory_space<vmem_shared>>
        tpu.enqueue_indirect_dma source(%arg10 : memref<128x128xf32, #tpu.memory_space<vmem>>) target(%dma_start3A_89 : memref<10240x128xf32, #tpu.memory_space<vmem_shared>>) offsets(%arg9 : memref<128xi32, #tpu.memory_space<vmem>>) semaphore(%run_scoped3A : memref<!tpu.dma_semaphore, #tpu.memory_space<semaphore_mem>>) {add = true}
        %dma_wait3A_90 = arith.constant 0 : i32
        %dma_wait3A_91 = arith.constant 0 : i32
        %dma_wait3A_92 = tpu.memref_slice %arg11[%dma_wait3A_90, %dma_wait3A_91] : memref<10240x128xf32, #tpu.memory_space<vmem_shared>> -> memref<10240x128xf32, #tpu.memory_space<vmem_shared>>
        tpu.wait_indirect_dma semaphore(%run_scoped3A : memref<!tpu.dma_semaphore, #tpu.memory_space<semaphore_mem>>) src(%arg10 : memref<128x128xf32, #tpu.memory_space<vmem>>) dst(%dma_wait3A_92 : memref<10240x128xf32, #tpu.memory_space<vmem_shared>>)
        tpu.yield
      }) : () -> ()
    }
    %scan3A_25 = arith.constant 80 : i32
    %barrier3A_26 = arith.constant 0 : index
    tpu.barrier barrier_id(%barrier3A_26)
    %mul3A_27 = arith.constant 640 : i32
    %mul3A_28 = arith.muli %arg1, %mul3A_27 : i32
    %add3A_29 = arith.constant 0 : i32
    %add3A_30 = arith.addi %mul3A_28, %add3A_29 : i32
    "tpu.region"() ({
      %run_scoped3A = tpu.sem_alloc : memref<!tpu.dma_semaphore, #tpu.memory_space<semaphore_mem>>
      %dma_start3A_75 = tpu.memref_slice %arg6[%add3A_30] : memref<10240xi32, #tpu.memory_space<hbm>> -> memref<128xi32, #tpu.memory_space<hbm>>
      %dma_start3A_76 = tpu.memref_slice %arg6[%add3A_30] : memref<10240xi32, #tpu.memory_space<hbm>> -> memref<128xi32, #tpu.memory_space<hbm>>
      tpu.enqueue_dma source(%dma_start3A_76 : memref<128xi32, #tpu.memory_space<hbm>>) target(%arg8 : memref<128xi32, #tpu.memory_space<vmem>>) target_semaphore(%run_scoped3A : memref<!tpu.dma_semaphore, #tpu.memory_space<semaphore_mem>>)
      %dma_wait3A_77 = tpu.memref_slice %arg6[%add3A_30] : memref<10240xi32, #tpu.memory_space<hbm>> -> memref<128xi32, #tpu.memory_space<hbm>>
      %dma_wait3A_78 = tpu.memref_slice %arg6[%add3A_30] : memref<10240xi32, #tpu.memory_space<hbm>> -> memref<128xi32, #tpu.memory_space<hbm>>
      tpu.wait_dma2 semaphore(%run_scoped3A : memref<!tpu.dma_semaphore, #tpu.memory_space<semaphore_mem>>) src(%dma_wait3A_78 : memref<128xi32, #tpu.memory_space<hbm>>) dst(%arg8 : memref<128xi32, #tpu.memory_space<vmem>>)
      tpu.yield
    }) : () -> ()
    %dma_start3A = arith.constant 0 : i32
    %dma_start3A_31 = arith.constant 0 : i32
    %dma_start3A_32 = tpu.memref_slice %arg11[%dma_start3A, %dma_start3A_31] : memref<10240x128xf32, #tpu.memory_space<vmem_shared>> -> memref<10240x128xf32, #tpu.memory_space<vmem_shared>>
    tpu.enqueue_indirect_dma source(%dma_start3A_32 : memref<10240x128xf32, #tpu.memory_space<vmem_shared>>) target(%arg10 : memref<128x128xf32, #tpu.memory_space<vmem>>) offsets(%arg8 : memref<128xi32, #tpu.memory_space<vmem>>) semaphore(%arg12 : memref<!tpu.dma_semaphore, #tpu.memory_space<semaphore_mem>>)
    %dma_wait3A = arith.constant 0 : i32
    %dma_wait3A_33 = arith.constant 0 : i32
    %dma_wait3A_34 = tpu.memref_slice %arg11[%dma_wait3A, %dma_wait3A_33] : memref<10240x128xf32, #tpu.memory_space<vmem_shared>> -> memref<10240x128xf32, #tpu.memory_space<vmem_shared>>
    tpu.wait_indirect_dma semaphore(%arg12 : memref<!tpu.dma_semaphore, #tpu.memory_space<semaphore_mem>>) src(%dma_wait3A_34 : memref<10240x128xf32, #tpu.memory_space<vmem_shared>>) dst(%arg10 : memref<128x128xf32, #tpu.memory_space<vmem>>)
    "tpu.region"() ({
      %run_scoped3A = tpu.sem_alloc : memref<!tpu.dma_semaphore, #tpu.memory_space<semaphore_mem>>
      %dma_start3A_75 = arith.constant 0 : i32
      %dma_start3A_76 = tpu.memref_slice %arg7[%arg0, %add3A_30, %dma_start3A_75] : memref<2x10240x128xf32, #tpu.memory_space<hbm>> -> memref<1x128x128xf32, #tpu.memory_space<hbm>>
      %dma_start3A_77 = tpu.memref_squeeze %dma_start3A_76 : memref<1x128x128xf32, #tpu.memory_space<hbm>> -> memref<128x128xf32, #tpu.memory_space<hbm>>
      %dma_start3A_78 = arith.constant 0 : i32
      %dma_start3A_79 = tpu.memref_slice %arg7[%arg0, %add3A_30, %dma_start3A_78] : memref<2x10240x128xf32, #tpu.memory_space<hbm>> -> memref<1x128x128xf32, #tpu.memory_space<hbm>>
      %dma_start3A_80 = tpu.memref_squeeze %dma_start3A_79 : memref<1x128x128xf32, #tpu.memory_space<hbm>> -> memref<128x128xf32, #tpu.memory_space<hbm>>
      tpu.enqueue_dma source(%arg10 : memref<128x128xf32, #tpu.memory_space<vmem>>) target(%dma_start3A_80 : memref<128x128xf32, #tpu.memory_space<hbm>>) target_semaphore(%run_scoped3A : memref<!tpu.dma_semaphore, #tpu.memory_space<semaphore_mem>>)
      %dma_wait3A_81 = arith.constant 0 : i32
      %dma_wait3A_82 = tpu.memref_slice %arg7[%arg0, %add3A_30, %dma_wait3A_81] : memref<2x10240x128xf32, #tpu.memory_space<hbm>> -> memref<1x128x128xf32, #tpu.memory_space<hbm>>
      %dma_wait3A_83 = tpu.memref_squeeze %dma_wait3A_82 : memref<1x128x128xf32, #tpu.memory_space<hbm>> -> memref<128x128xf32, #tpu.memory_space<hbm>>
      %dma_wait3A_84 = arith.constant 0 : i32
      %dma_wait3A_85 = tpu.memref_slice %arg7[%arg0, %add3A_30, %dma_wait3A_84] : memref<2x10240x128xf32, #tpu.memory_space<hbm>> -> memref<1x128x128xf32, #tpu.memory_space<hbm>>
      %dma_wait3A_86 = tpu.memref_squeeze %dma_wait3A_85 : memref<1x128x128xf32, #tpu.memory_space<hbm>> -> memref<128x128xf32, #tpu.memory_space<hbm>>
      tpu.wait_dma2 semaphore(%run_scoped3A : memref<!tpu.dma_semaphore, #tpu.memory_space<semaphore_mem>>) src(%arg10 : memref<128x128xf32, #tpu.memory_space<vmem>>) dst(%dma_wait3A_86 : memref<128x128xf32, #tpu.memory_space<hbm>>)
      tpu.yield
    }) : () -> ()
    %mul3A_35 = arith.constant 640 : i32
    %mul3A_36 = arith.muli %arg1, %mul3A_35 : i32
    %add3A_37 = arith.constant 128 : i32
    %add3A_38 = arith.addi %mul3A_36, %add3A_37 : i32
    "tpu.region"() ({
      %run_scoped3A = tpu.sem_alloc : memref<!tpu.dma_semaphore, #tpu.memory_space<semaphore_mem>>
      %dma_start3A_75 = tpu.memref_slice %arg6[%add3A_38] : memref<10240xi32, #tpu.memory_space<hbm>> -> memref<128xi32, #tpu.memory_space<hbm>>
      %dma_start3A_76 = tpu.memref_slice %arg6[%add3A_38] : memref<10240xi32, #tpu.memory_space<hbm>> -> memref<128xi32, #tpu.memory_space<hbm>>
      tpu.enqueue_dma source(%dma_start3A_76 : memref<128xi32, #tpu.memory_space<hbm>>) target(%arg8 : memref<128xi32, #tpu.memory_space<vmem>>) target_semaphore(%run_scoped3A : memref<!tpu.dma_semaphore, #tpu.memory_space<semaphore_mem>>)
      %dma_wait3A_77 = tpu.memref_slice %arg6[%add3A_38] : memref<10240xi32, #tpu.memory_space<hbm>> -> memref<128xi32, #tpu.memory_space<hbm>>
      %dma_wait3A_78 = tpu.memref_slice %arg6[%add3A_38] : memref<10240xi32, #tpu.memory_space<hbm>> -> memref<128xi32, #tpu.memory_space<hbm>>
      tpu.wait_dma2 semaphore(%run_scoped3A : memref<!tpu.dma_semaphore, #tpu.memory_space<semaphore_mem>>) src(%dma_wait3A_78 : memref<128xi32, #tpu.memory_space<hbm>>) dst(%arg8 : memref<128xi32, #tpu.memory_space<vmem>>)
      tpu.yield
    }) : () -> ()
    %dma_start3A_39 = arith.constant 0 : i32
    %dma_start3A_40 = arith.constant 0 : i32
    %dma_start3A_41 = tpu.memref_slice %arg11[%dma_start3A_39, %dma_start3A_40] : memref<10240x128xf32, #tpu.memory_space<vmem_shared>> -> memref<10240x128xf32, #tpu.memory_space<vmem_shared>>
    tpu.enqueue_indirect_dma source(%dma_start3A_41 : memref<10240x128xf32, #tpu.memory_space<vmem_shared>>) target(%arg10 : memref<128x128xf32, #tpu.memory_space<vmem>>) offsets(%arg8 : memref<128xi32, #tpu.memory_space<vmem>>) semaphore(%arg12 : memref<!tpu.dma_semaphore, #tpu.memory_space<semaphore_mem>>)
    %dma_wait3A_42 = arith.constant 0 : i32
    %dma_wait3A_43 = arith.constant 0 : i32
    %dma_wait3A_44 = tpu.memref_slice %arg11[%dma_wait3A_42, %dma_wait3A_43] : memref<10240x128xf32, #tpu.memory_space<vmem_shared>> -> memref<10240x128xf32, #tpu.memory_space<vmem_shared>>
    tpu.wait_indirect_dma semaphore(%arg12 : memref<!tpu.dma_semaphore, #tpu.memory_space<semaphore_mem>>) src(%dma_wait3A_44 : memref<10240x128xf32, #tpu.memory_space<vmem_shared>>) dst(%arg10 : memref<128x128xf32, #tpu.memory_space<vmem>>)
    "tpu.region"() ({
      %run_scoped3A = tpu.sem_alloc : memref<!tpu.dma_semaphore, #tpu.memory_space<semaphore_mem>>
      %dma_start3A_75 = arith.constant 0 : i32
      %dma_start3A_76 = tpu.memref_slice %arg7[%arg0, %add3A_38, %dma_start3A_75] : memref<2x10240x128xf32, #tpu.memory_space<hbm>> -> memref<1x128x128xf32, #tpu.memory_space<hbm>>
      %dma_start3A_77 = tpu.memref_squeeze %dma_start3A_76 : memref<1x128x128xf32, #tpu.memory_space<hbm>> -> memref<128x128xf32, #tpu.memory_space<hbm>>
      %dma_start3A_78 = arith.constant 0 : i32
      %dma_start3A_79 = tpu.memref_slice %arg7[%arg0, %add3A_38, %dma_start3A_78] : memref<2x10240x128xf32, #tpu.memory_space<hbm>> -> memref<1x128x128xf32, #tpu.memory_space<hbm>>
      %dma_start3A_80 = tpu.memref_squeeze %dma_start3A_79 : memref<1x128x128xf32, #tpu.memory_space<hbm>> -> memref<128x128xf32, #tpu.memory_space<hbm>>
      tpu.enqueue_dma source(%arg10 : memref<128x128xf32, #tpu.memory_space<vmem>>) target(%dma_start3A_80 : memref<128x128xf32, #tpu.memory_space<hbm>>) target_semaphore(%run_scoped3A : memref<!tpu.dma_semaphore, #tpu.memory_space<semaphore_mem>>)
      %dma_wait3A_81 = arith.constant 0 : i32
      %dma_wait3A_82 = tpu.memref_slice %arg7[%arg0, %add3A_38, %dma_wait3A_81] : memref<2x10240x128xf32, #tpu.memory_space<hbm>> -> memref<1x128x128xf32, #tpu.memory_space<hbm>>
      %dma_wait3A_83 = tpu.memref_squeeze %dma_wait3A_82 : memref<1x128x128xf32, #tpu.memory_space<hbm>> -> memref<128x128xf32, #tpu.memory_space<hbm>>
      %dma_wait3A_84 = arith.constant 0 : i32
      %dma_wait3A_85 = tpu.memref_slice %arg7[%arg0, %add3A_38, %dma_wait3A_84] : memref<2x10240x128xf32, #tpu.memory_space<hbm>> -> memref<1x128x128xf32, #tpu.memory_space<hbm>>
      %dma_wait3A_86 = tpu.memref_squeeze %dma_wait3A_85 : memref<1x128x128xf32, #tpu.memory_space<hbm>> -> memref<128x128xf32, #tpu.memory_space<hbm>>
      tpu.wait_dma2 semaphore(%run_scoped3A : memref<!tpu.dma_semaphore, #tpu.memory_space<semaphore_mem>>) src(%arg10 : memref<128x128xf32, #tpu.memory_space<vmem>>) dst(%dma_wait3A_86 : memref<128x128xf32, #tpu.memory_space<hbm>>)
      tpu.yield
    }) : () -> ()
    %mul3A_45 = arith.constant 640 : i32
    %mul3A_46 = arith.muli %arg1, %mul3A_45 : i32
    %add3A_47 = arith.constant 256 : i32
    %add3A_48 = arith.addi %mul3A_46, %add3A_47 : i32
    "tpu.region"() ({
      %run_scoped3A = tpu.sem_alloc : memref<!tpu.dma_semaphore, #tpu.memory_space<semaphore_mem>>
      %dma_start3A_75 = tpu.memref_slice %arg6[%add3A_48] : memref<10240xi32, #tpu.memory_space<hbm>> -> memref<128xi32, #tpu.memory_space<hbm>>
      %dma_start3A_76 = tpu.memref_slice %arg6[%add3A_48] : memref<10240xi32, #tpu.memory_space<hbm>> -> memref<128xi32, #tpu.memory_space<hbm>>
      tpu.enqueue_dma source(%dma_start3A_76 : memref<128xi32, #tpu.memory_space<hbm>>) target(%arg8 : memref<128xi32, #tpu.memory_space<vmem>>) target_semaphore(%run_scoped3A : memref<!tpu.dma_semaphore, #tpu.memory_space<semaphore_mem>>)
      %dma_wait3A_77 = tpu.memref_slice %arg6[%add3A_48] : memref<10240xi32, #tpu.memory_space<hbm>> -> memref<128xi32, #tpu.memory_space<hbm>>
      %dma_wait3A_78 = tpu.memref_slice %arg6[%add3A_48] : memref<10240xi32, #tpu.memory_space<hbm>> -> memref<128xi32, #tpu.memory_space<hbm>>
      tpu.wait_dma2 semaphore(%run_scoped3A : memref<!tpu.dma_semaphore, #tpu.memory_space<semaphore_mem>>) src(%dma_wait3A_78 : memref<128xi32, #tpu.memory_space<hbm>>) dst(%arg8 : memref<128xi32, #tpu.memory_space<vmem>>)
      tpu.yield
    }) : () -> ()
    %dma_start3A_49 = arith.constant 0 : i32
    %dma_start3A_50 = arith.constant 0 : i32
    %dma_start3A_51 = tpu.memref_slice %arg11[%dma_start3A_49, %dma_start3A_50] : memref<10240x128xf32, #tpu.memory_space<vmem_shared>> -> memref<10240x128xf32, #tpu.memory_space<vmem_shared>>
    tpu.enqueue_indirect_dma source(%dma_start3A_51 : memref<10240x128xf32, #tpu.memory_space<vmem_shared>>) target(%arg10 : memref<128x128xf32, #tpu.memory_space<vmem>>) offsets(%arg8 : memref<128xi32, #tpu.memory_space<vmem>>) semaphore(%arg12 : memref<!tpu.dma_semaphore, #tpu.memory_space<semaphore_mem>>)
    %dma_wait3A_52 = arith.constant 0 : i32
    %dma_wait3A_53 = arith.constant 0 : i32
    %dma_wait3A_54 = tpu.memref_slice %arg11[%dma_wait3A_52, %dma_wait3A_53] : memref<10240x128xf32, #tpu.memory_space<vmem_shared>> -> memref<10240x128xf32, #tpu.memory_space<vmem_shared>>
    tpu.wait_indirect_dma semaphore(%arg12 : memref<!tpu.dma_semaphore, #tpu.memory_space<semaphore_mem>>) src(%dma_wait3A_54 : memref<10240x128xf32, #tpu.memory_space<vmem_shared>>) dst(%arg10 : memref<128x128xf32, #tpu.memory_space<vmem>>)
    "tpu.region"() ({
      %run_scoped3A = tpu.sem_alloc : memref<!tpu.dma_semaphore, #tpu.memory_space<semaphore_mem>>
      %dma_start3A_75 = arith.constant 0 : i32
      %dma_start3A_76 = tpu.memref_slice %arg7[%arg0, %add3A_48, %dma_start3A_75] : memref<2x10240x128xf32, #tpu.memory_space<hbm>> -> memref<1x128x128xf32, #tpu.memory_space<hbm>>
      %dma_start3A_77 = tpu.memref_squeeze %dma_start3A_76 : memref<1x128x128xf32, #tpu.memory_space<hbm>> -> memref<128x128xf32, #tpu.memory_space<hbm>>
      %dma_start3A_78 = arith.constant 0 : i32
      %dma_start3A_79 = tpu.memref_slice %arg7[%arg0, %add3A_48, %dma_start3A_78] : memref<2x10240x128xf32, #tpu.memory_space<hbm>> -> memref<1x128x128xf32, #tpu.memory_space<hbm>>
      %dma_start3A_80 = tpu.memref_squeeze %dma_start3A_79 : memref<1x128x128xf32, #tpu.memory_space<hbm>> -> memref<128x128xf32, #tpu.memory_space<hbm>>
      tpu.enqueue_dma source(%arg10 : memref<128x128xf32, #tpu.memory_space<vmem>>) target(%dma_start3A_80 : memref<128x128xf32, #tpu.memory_space<hbm>>) target_semaphore(%run_scoped3A : memref<!tpu.dma_semaphore, #tpu.memory_space<semaphore_mem>>)
      %dma_wait3A_81 = arith.constant 0 : i32
      %dma_wait3A_82 = tpu.memref_slice %arg7[%arg0, %add3A_48, %dma_wait3A_81] : memref<2x10240x128xf32, #tpu.memory_space<hbm>> -> memref<1x128x128xf32, #tpu.memory_space<hbm>>
      %dma_wait3A_83 = tpu.memref_squeeze %dma_wait3A_82 : memref<1x128x128xf32, #tpu.memory_space<hbm>> -> memref<128x128xf32, #tpu.memory_space<hbm>>
      %dma_wait3A_84 = arith.constant 0 : i32
      %dma_wait3A_85 = tpu.memref_slice %arg7[%arg0, %add3A_48, %dma_wait3A_84] : memref<2x10240x128xf32, #tpu.memory_space<hbm>> -> memref<1x128x128xf32, #tpu.memory_space<hbm>>
      %dma_wait3A_86 = tpu.memref_squeeze %dma_wait3A_85 : memref<1x128x128xf32, #tpu.memory_space<hbm>> -> memref<128x128xf32, #tpu.memory_space<hbm>>
      tpu.wait_dma2 semaphore(%run_scoped3A : memref<!tpu.dma_semaphore, #tpu.memory_space<semaphore_mem>>) src(%arg10 : memref<128x128xf32, #tpu.memory_space<vmem>>) dst(%dma_wait3A_86 : memref<128x128xf32, #tpu.memory_space<hbm>>)
      tpu.yield
    }) : () -> ()
    %mul3A_55 = arith.constant 640 : i32
    %mul3A_56 = arith.muli %arg1, %mul3A_55 : i32
    %add3A_57 = arith.constant 384 : i32
    %add3A_58 = arith.addi %mul3A_56, %add3A_57 : i32
    "tpu.region"() ({
      %run_scoped3A = tpu.sem_alloc : memref<!tpu.dma_semaphore, #tpu.memory_space<semaphore_mem>>
      %dma_start3A_75 = tpu.memref_slice %arg6[%add3A_58] : memref<10240xi32, #tpu.memory_space<hbm>> -> memref<128xi32, #tpu.memory_space<hbm>>
      %dma_start3A_76 = tpu.memref_slice %arg6[%add3A_58] : memref<10240xi32, #tpu.memory_space<hbm>> -> memref<128xi32, #tpu.memory_space<hbm>>
      tpu.enqueue_dma source(%dma_start3A_76 : memref<128xi32, #tpu.memory_space<hbm>>) target(%arg8 : memref<128xi32, #tpu.memory_space<vmem>>) target_semaphore(%run_scoped3A : memref<!tpu.dma_semaphore, #tpu.memory_space<semaphore_mem>>)
      %dma_wait3A_77 = tpu.memref_slice %arg6[%add3A_58] : memref<10240xi32, #tpu.memory_space<hbm>> -> memref<128xi32, #tpu.memory_space<hbm>>
      %dma_wait3A_78 = tpu.memref_slice %arg6[%add3A_58] : memref<10240xi32, #tpu.memory_space<hbm>> -> memref<128xi32, #tpu.memory_space<hbm>>
      tpu.wait_dma2 semaphore(%run_scoped3A : memref<!tpu.dma_semaphore, #tpu.memory_space<semaphore_mem>>) src(%dma_wait3A_78 : memref<128xi32, #tpu.memory_space<hbm>>) dst(%arg8 : memref<128xi32, #tpu.memory_space<vmem>>)
      tpu.yield
    }) : () -> ()
    %dma_start3A_59 = arith.constant 0 : i32
    %dma_start3A_60 = arith.constant 0 : i32
    %dma_start3A_61 = tpu.memref_slice %arg11[%dma_start3A_59, %dma_start3A_60] : memref<10240x128xf32, #tpu.memory_space<vmem_shared>> -> memref<10240x128xf32, #tpu.memory_space<vmem_shared>>
    tpu.enqueue_indirect_dma source(%dma_start3A_61 : memref<10240x128xf32, #tpu.memory_space<vmem_shared>>) target(%arg10 : memref<128x128xf32, #tpu.memory_space<vmem>>) offsets(%arg8 : memref<128xi32, #tpu.memory_space<vmem>>) semaphore(%arg12 : memref<!tpu.dma_semaphore, #tpu.memory_space<semaphore_mem>>)
    %dma_wait3A_62 = arith.constant 0 : i32
    %dma_wait3A_63 = arith.constant 0 : i32
    %dma_wait3A_64 = tpu.memref_slice %arg11[%dma_wait3A_62, %dma_wait3A_63] : memref<10240x128xf32, #tpu.memory_space<vmem_shared>> -> memref<10240x128xf32, #tpu.memory_space<vmem_shared>>
    tpu.wait_indirect_dma semaphore(%arg12 : memref<!tpu.dma_semaphore, #tpu.memory_space<semaphore_mem>>) src(%dma_wait3A_64 : memref<10240x128xf32, #tpu.memory_space<vmem_shared>>) dst(%arg10 : memref<128x128xf32, #tpu.memory_space<vmem>>)
    "tpu.region"() ({
      %run_scoped3A = tpu.sem_alloc : memref<!tpu.dma_semaphore, #tpu.memory_space<semaphore_mem>>
      %dma_start3A_75 = arith.constant 0 : i32
      %dma_start3A_76 = tpu.memref_slice %arg7[%arg0, %add3A_58, %dma_start3A_75] : memref<2x10240x128xf32, #tpu.memory_space<hbm>> -> memref<1x128x128xf32, #tpu.memory_space<hbm>>
      %dma_start3A_77 = tpu.memref_squeeze %dma_start3A_76 : memref<1x128x128xf32, #tpu.memory_space<hbm>> -> memref<128x128xf32, #tpu.memory_space<hbm>>
      %dma_start3A_78 = arith.constant 0 : i32
      %dma_start3A_79 = tpu.memref_slice %arg7[%arg0, %add3A_58, %dma_start3A_78] : memref<2x10240x128xf32, #tpu.memory_space<hbm>> -> memref<1x128x128xf32, #tpu.memory_space<hbm>>
      %dma_start3A_80 = tpu.memref_squeeze %dma_start3A_79 : memref<1x128x128xf32, #tpu.memory_space<hbm>> -> memref<128x128xf32, #tpu.memory_space<hbm>>
      tpu.enqueue_dma source(%arg10 : memref<128x128xf32, #tpu.memory_space<vmem>>) target(%dma_start3A_80 : memref<128x128xf32, #tpu.memory_space<hbm>>) target_semaphore(%run_scoped3A : memref<!tpu.dma_semaphore, #tpu.memory_space<semaphore_mem>>)
      %dma_wait3A_81 = arith.constant 0 : i32
      %dma_wait3A_82 = tpu.memref_slice %arg7[%arg0, %add3A_58, %dma_wait3A_81] : memref<2x10240x128xf32, #tpu.memory_space<hbm>> -> memref<1x128x128xf32, #tpu.memory_space<hbm>>
      %dma_wait3A_83 = tpu.memref_squeeze %dma_wait3A_82 : memref<1x128x128xf32, #tpu.memory_space<hbm>> -> memref<128x128xf32, #tpu.memory_space<hbm>>
      %dma_wait3A_84 = arith.constant 0 : i32
      %dma_wait3A_85 = tpu.memref_slice %arg7[%arg0, %add3A_58, %dma_wait3A_84] : memref<2x10240x128xf32, #tpu.memory_space<hbm>> -> memref<1x128x128xf32, #tpu.memory_space<hbm>>
      %dma_wait3A_86 = tpu.memref_squeeze %dma_wait3A_85 : memref<1x128x128xf32, #tpu.memory_space<hbm>> -> memref<128x128xf32, #tpu.memory_space<hbm>>
      tpu.wait_dma2 semaphore(%run_scoped3A : memref<!tpu.dma_semaphore, #tpu.memory_space<semaphore_mem>>) src(%arg10 : memref<128x128xf32, #tpu.memory_space<vmem>>) dst(%dma_wait3A_86 : memref<128x128xf32, #tpu.memory_space<hbm>>)
      tpu.yield
    }) : () -> ()
    %mul3A_65 = arith.constant 640 : i32
    %mul3A_66 = arith.muli %arg1, %mul3A_65 : i32
    %add3A_67 = arith.constant 512 : i32
    %add3A_68 = arith.addi %mul3A_66, %add3A_67 : i32
    "tpu.region"() ({
      %run_scoped3A = tpu.sem_alloc : memref<!tpu.dma_semaphore, #tpu.memory_space<semaphore_mem>>
      %dma_start3A_75 = tpu.memref_slice %arg6[%add3A_68] : memref<10240xi32, #tpu.memory_space<hbm>> -> memref<128xi32, #tpu.memory_space<hbm>>
      %dma_start3A_76 = tpu.memref_slice %arg6[%add3A_68] : memref<10240xi32, #tpu.memory_space<hbm>> -> memref<128xi32, #tpu.memory_space<hbm>>
      tpu.enqueue_dma source(%dma_start3A_76 : memref<128xi32, #tpu.memory_space<hbm>>) target(%arg8 : memref<128xi32, #tpu.memory_space<vmem>>) target_semaphore(%run_scoped3A : memref<!tpu.dma_semaphore, #tpu.memory_space<semaphore_mem>>)
      %dma_wait3A_77 = tpu.memref_slice %arg6[%add3A_68] : memref<10240xi32, #tpu.memory_space<hbm>> -> memref<128xi32, #tpu.memory_space<hbm>>
      %dma_wait3A_78 = tpu.memref_slice %arg6[%add3A_68] : memref<10240xi32, #tpu.memory_space<hbm>> -> memref<128xi32, #tpu.memory_space<hbm>>
      tpu.wait_dma2 semaphore(%run_scoped3A : memref<!tpu.dma_semaphore, #tpu.memory_space<semaphore_mem>>) src(%dma_wait3A_78 : memref<128xi32, #tpu.memory_space<hbm>>) dst(%arg8 : memref<128xi32, #tpu.memory_space<vmem>>)
      tpu.yield
    }) : () -> ()
    %dma_start3A_69 = arith.constant 0 : i32
    %dma_start3A_70 = arith.constant 0 : i32
    %dma_start3A_71 = tpu.memref_slice %arg11[%dma_start3A_69, %dma_start3A_70] : memref<10240x128xf32, #tpu.memory_space<vmem_shared>> -> memref<10240x128xf32, #tpu.memory_space<vmem_shared>>
    tpu.enqueue_indirect_dma source(%dma_start3A_71 : memref<10240x128xf32, #tpu.memory_space<vmem_shared>>) target(%arg10 : memref<128x128xf32, #tpu.memory_space<vmem>>) offsets(%arg8 : memref<128xi32, #tpu.memory_space<vmem>>) semaphore(%arg12 : memref<!tpu.dma_semaphore, #tpu.memory_space<semaphore_mem>>)
    %dma_wait3A_72 = arith.constant 0 : i32
    %dma_wait3A_73 = arith.constant 0 : i32
    %dma_wait3A_74 = tpu.memref_slice %arg11[%dma_wait3A_72, %dma_wait3A_73] : memref<10240x128xf32, #tpu.memory_space<vmem_shared>> -> memref<10240x128xf32, #tpu.memory_space<vmem_shared>>
    tpu.wait_indirect_dma semaphore(%arg12 : memref<!tpu.dma_semaphore, #tpu.memory_space<semaphore_mem>>) src(%dma_wait3A_74 : memref<10240x128xf32, #tpu.memory_space<vmem_shared>>) dst(%arg10 : memref<128x128xf32, #tpu.memory_space<vmem>>)
    "tpu.region"() ({
      %run_scoped3A = tpu.sem_alloc : memref<!tpu.dma_semaphore, #tpu.memory_space<semaphore_mem>>
      %dma_start3A_75 = arith.constant 0 : i32
      %dma_start3A_76 = tpu.memref_slice %arg7[%arg0, %add3A_68, %dma_start3A_75] : memref<2x10240x128xf32, #tpu.memory_space<hbm>> -> memref<1x128x128xf32, #tpu.memory_space<hbm>>
      %dma_start3A_77 = tpu.memref_squeeze %dma_start3A_76 : memref<1x128x128xf32, #tpu.memory_space<hbm>> -> memref<128x128xf32, #tpu.memory_space<hbm>>
      %dma_start3A_78 = arith.constant 0 : i32
      %dma_start3A_79 = tpu.memref_slice %arg7[%arg0, %add3A_68, %dma_start3A_78] : memref<2x10240x128xf32, #tpu.memory_space<hbm>> -> memref<1x128x128xf32, #tpu.memory_space<hbm>>
      %dma_start3A_80 = tpu.memref_squeeze %dma_start3A_79 : memref<1x128x128xf32, #tpu.memory_space<hbm>> -> memref<128x128xf32, #tpu.memory_space<hbm>>
      tpu.enqueue_dma source(%arg10 : memref<128x128xf32, #tpu.memory_space<vmem>>) target(%dma_start3A_80 : memref<128x128xf32, #tpu.memory_space<hbm>>) target_semaphore(%run_scoped3A : memref<!tpu.dma_semaphore, #tpu.memory_space<semaphore_mem>>)
      %dma_wait3A_81 = arith.constant 0 : i32
      %dma_wait3A_82 = tpu.memref_slice %arg7[%arg0, %add3A_68, %dma_wait3A_81] : memref<2x10240x128xf32, #tpu.memory_space<hbm>> -> memref<1x128x128xf32, #tpu.memory_space<hbm>>
      %dma_wait3A_83 = tpu.memref_squeeze %dma_wait3A_82 : memref<1x128x128xf32, #tpu.memory_space<hbm>> -> memref<128x128xf32, #tpu.memory_space<hbm>>
      %dma_wait3A_84 = arith.constant 0 : i32
      %dma_wait3A_85 = tpu.memref_slice %arg7[%arg0, %add3A_68, %dma_wait3A_84] : memref<2x10240x128xf32, #tpu.memory_space<hbm>> -> memref<1x128x128xf32, #tpu.memory_space<hbm>>
      %dma_wait3A_86 = tpu.memref_squeeze %dma_wait3A_85 : memref<1x128x128xf32, #tpu.memory_space<hbm>> -> memref<128x128xf32, #tpu.memory_space<hbm>>
      tpu.wait_dma2 semaphore(%run_scoped3A : memref<!tpu.dma_semaphore, #tpu.memory_space<semaphore_mem>>) src(%arg10 : memref<128x128xf32, #tpu.memory_space<vmem>>) dst(%dma_wait3A_86 : memref<128x128xf32, #tpu.memory_space<hbm>>)
      tpu.yield
    }) : () -> ()
    return
  }
}

#map = affine_map<(d0, d1) -> (0)>
#map1 = affine_map<(d0, d1) -> (0, 0)>
#map2 = affine_map<(d0, d1) -> (0, 0, 0)>
module attributes {stable_mosaic.version = 14 : i64} {
  func.func @agg_kernel(%arg0: i32, %arg1: i32, %arg2: memref<327680xi32, #tpu.memory_space<hbm>>, %arg3: memref<327680xi32, #tpu.memory_space<hbm>>, %arg4: memref<10240x128xf32, #tpu.memory_space<hbm>>, %arg5: memref<128x128xf32, #tpu.memory_space<hbm>>, %arg6: memref<10240xi32, #tpu.memory_space<hbm>>, %arg7: memref<2x10240x128xf32, #tpu.memory_space<hbm>>, %arg8: memref<128xi32, #tpu.memory_space<vmem>>, %arg9: memref<128xi32, #tpu.memory_space<vmem>>, %arg10: memref<128x128xf32, #tpu.memory_space<vmem>>, %arg11: memref<10240x128xf32, #tpu.memory_space<vmem_shared>>, %arg12: memref<!tpu.dma_semaphore, #tpu.memory_space<semaphore_mem>>) attributes {dimension_semantics = [#tpu.dimension_semantics<core_parallel>, #tpu.dimension_semantics<subcore_parallel>], iteration_bounds = array<i64: 2, 16>, scalar_prefetch = 0 : i64, scratch_operands = 5 : i64, tpu.core_type = #tpu.core_type<sc_vector_subcore>, window_params = [{transform_indices = #map}, {transform_indices = #map}, {transform_indices = #map1}, {transform_indices = #map1}, {transform_indices = #map}, {transform_indices = #map2}]} {
    %mul3A = arith.constant 16 : i32
    %mul3A_0 = arith.muli %arg0, %mul3A : i32
    %add3A = arith.addi %mul3A_0, %arg1 : i32
    "tpu.region"() ({
      %run_scoped3A = tpu.sem_alloc : memref<!tpu.dma_semaphore, #tpu.memory_space<semaphore_mem>>
      tpu.enqueue_dma source(%arg5 : memref<128x128xf32, #tpu.memory_space<hbm>>) target(%arg10 : memref<128x128xf32, #tpu.memory_space<vmem>>) target_semaphore(%run_scoped3A : memref<!tpu.dma_semaphore, #tpu.memory_space<semaphore_mem>>)
      tpu.wait_dma2 semaphore(%run_scoped3A : memref<!tpu.dma_semaphore, #tpu.memory_space<semaphore_mem>>) src(%arg5 : memref<128x128xf32, #tpu.memory_space<hbm>>) dst(%arg10 : memref<128x128xf32, #tpu.memory_space<vmem>>)
      tpu.yield
    }) : () -> ()
    %mul3A_1 = arith.constant 640 : i32
    %mul3A_2 = arith.muli %arg1, %mul3A_1 : i32
    %add3A_3 = arith.constant 0 : i32
    %add3A_4 = arith.addi %mul3A_2, %add3A_3 : i32
    "tpu.region"() ({
      %run_scoped3A = tpu.sem_alloc : memref<!tpu.dma_semaphore, #tpu.memory_space<semaphore_mem>>
      %dma_start3A_75 = tpu.memref_slice %arg6[%add3A_4] : memref<10240xi32, #tpu.memory_space<hbm>> -> memref<128xi32, #tpu.memory_space<hbm>>
      %dma_start3A_76 = tpu.memref_slice %arg6[%add3A_4] : memref<10240xi32, #tpu.memory_space<hbm>> -> memref<128xi32, #tpu.memory_space<hbm>>
      tpu.enqueue_dma source(%dma_start3A_76 : memref<128xi32, #tpu.memory_space<hbm>>) target(%arg8 : memref<128xi32, #tpu.memory_space<vmem>>) target_semaphore(%run_scoped3A : memref<!tpu.dma_semaphore, #tpu.memory_space<semaphore_mem>>)
      %dma_wait3A_77 = tpu.memref_slice %arg6[%add3A_4] : memref<10240xi32, #tpu.memory_space<hbm>> -> memref<128xi32, #tpu.memory_space<hbm>>
      %dma_wait3A_78 = tpu.memref_slice %arg6[%add3A_4] : memref<10240xi32, #tpu.memory_space<hbm>> -> memref<128xi32, #tpu.memory_space<hbm>>
      tpu.wait_dma2 semaphore(%run_scoped3A : memref<!tpu.dma_semaphore, #tpu.memory_space<semaphore_mem>>) src(%dma_wait3A_78 : memref<128xi32, #tpu.memory_space<hbm>>) dst(%arg8 : memref<128xi32, #tpu.memory_space<vmem>>)
      tpu.yield
    }) : () -> ()
    "tpu.region"() ({
      %run_scoped3A = tpu.sem_alloc : memref<!tpu.dma_semaphore, #tpu.memory_space<semaphore_mem>>
      %dma_start3A_75 = arith.constant 0 : i32
      %dma_start3A_76 = arith.constant 0 : i32
      %dma_start3A_77 = tpu.memref_slice %arg11[%dma_start3A_75, %dma_start3A_76] : memref<10240x128xf32, #tpu.memory_space<vmem_shared>> -> memref<10240x128xf32, #tpu.memory_space<vmem_shared>>
      tpu.enqueue_indirect_dma source(%arg10 : memref<128x128xf32, #tpu.memory_space<vmem>>) target(%dma_start3A_77 : memref<10240x128xf32, #tpu.memory_space<vmem_shared>>) offsets(%arg8 : memref<128xi32, #tpu.memory_space<vmem>>) semaphore(%run_scoped3A : memref<!tpu.dma_semaphore, #tpu.memory_space<semaphore_mem>>)
      %dma_wait3A_78 = arith.constant 0 : i32
      %dma_wait3A_79 = arith.constant 0 : i32
      %dma_wait3A_80 = tpu.memref_slice %arg11[%dma_wait3A_78, %dma_wait3A_79] : memref<10240x128xf32, #tpu.memory_space<vmem_shared>> -> memref<10240x128xf32, #tpu.memory_space<vmem_shared>>
      tpu.wait_indirect_dma semaphore(%run_scoped3A : memref<!tpu.dma_semaphore, #tpu.memory_space<semaphore_mem>>) src(%arg10 : memref<128x128xf32, #tpu.memory_space<vmem>>) dst(%dma_wait3A_80 : memref<10240x128xf32, #tpu.memory_space<vmem_shared>>)
      tpu.yield
    }) : () -> ()
    %mul3A_5 = arith.constant 640 : i32
    %mul3A_6 = arith.muli %arg1, %mul3A_5 : i32
    %add3A_7 = arith.constant 128 : i32
    %add3A_8 = arith.addi %mul3A_6, %add3A_7 : i32
    "tpu.region"() ({
      %run_scoped3A = tpu.sem_alloc : memref<!tpu.dma_semaphore, #tpu.memory_space<semaphore_mem>>
      %dma_start3A_75 = tpu.memref_slice %arg6[%add3A_8] : memref<10240xi32, #tpu.memory_space<hbm>> -> memref<128xi32, #tpu.memory_space<hbm>>
      %dma_start3A_76 = tpu.memref_slice %arg6[%add3A_8] : memref<10240xi32, #tpu.memory_space<hbm>> -> memref<128xi32, #tpu.memory_space<hbm>>
      tpu.enqueue_dma source(%dma_start3A_76 : memref<128xi32, #tpu.memory_space<hbm>>) target(%arg8 : memref<128xi32, #tpu.memory_space<vmem>>) target_semaphore(%run_scoped3A : memref<!tpu.dma_semaphore, #tpu.memory_space<semaphore_mem>>)
      %dma_wait3A_77 = tpu.memref_slice %arg6[%add3A_8] : memref<10240xi32, #tpu.memory_space<hbm>> -> memref<128xi32, #tpu.memory_space<hbm>>
      %dma_wait3A_78 = tpu.memref_slice %arg6[%add3A_8] : memref<10240xi32, #tpu.memory_space<hbm>> -> memref<128xi32, #tpu.memory_space<hbm>>
      tpu.wait_dma2 semaphore(%run_scoped3A : memref<!tpu.dma_semaphore, #tpu.memory_space<semaphore_mem>>) src(%dma_wait3A_78 : memref<128xi32, #tpu.memory_space<hbm>>) dst(%arg8 : memref<128xi32, #tpu.memory_space<vmem>>)
      tpu.yield
    }) : () -> ()
    "tpu.region"() ({
      %run_scoped3A = tpu.sem_alloc : memref<!tpu.dma_semaphore, #tpu.memory_space<semaphore_mem>>
      %dma_start3A_75 = arith.constant 0 : i32
      %dma_start3A_76 = arith.constant 0 : i32
      %dma_start3A_77 = tpu.memref_slice %arg11[%dma_start3A_75, %dma_start3A_76] : memref<10240x128xf32, #tpu.memory_space<vmem_shared>> -> memref<10240x128xf32, #tpu.memory_space<vmem_shared>>
      tpu.enqueue_indirect_dma source(%arg10 : memref<128x128xf32, #tpu.memory_space<vmem>>) target(%dma_start3A_77 : memref<10240x128xf32, #tpu.memory_space<vmem_shared>>) offsets(%arg8 : memref<128xi32, #tpu.memory_space<vmem>>) semaphore(%run_scoped3A : memref<!tpu.dma_semaphore, #tpu.memory_space<semaphore_mem>>)
      %dma_wait3A_78 = arith.constant 0 : i32
      %dma_wait3A_79 = arith.constant 0 : i32
      %dma_wait3A_80 = tpu.memref_slice %arg11[%dma_wait3A_78, %dma_wait3A_79] : memref<10240x128xf32, #tpu.memory_space<vmem_shared>> -> memref<10240x128xf32, #tpu.memory_space<vmem_shared>>
      tpu.wait_indirect_dma semaphore(%run_scoped3A : memref<!tpu.dma_semaphore, #tpu.memory_space<semaphore_mem>>) src(%arg10 : memref<128x128xf32, #tpu.memory_space<vmem>>) dst(%dma_wait3A_80 : memref<10240x128xf32, #tpu.memory_space<vmem_shared>>)
      tpu.yield
    }) : () -> ()
    %mul3A_9 = arith.constant 640 : i32
    %mul3A_10 = arith.muli %arg1, %mul3A_9 : i32
    %add3A_11 = arith.constant 256 : i32
    %add3A_12 = arith.addi %mul3A_10, %add3A_11 : i32
    "tpu.region"() ({
      %run_scoped3A = tpu.sem_alloc : memref<!tpu.dma_semaphore, #tpu.memory_space<semaphore_mem>>
      %dma_start3A_75 = tpu.memref_slice %arg6[%add3A_12] : memref<10240xi32, #tpu.memory_space<hbm>> -> memref<128xi32, #tpu.memory_space<hbm>>
      %dma_start3A_76 = tpu.memref_slice %arg6[%add3A_12] : memref<10240xi32, #tpu.memory_space<hbm>> -> memref<128xi32, #tpu.memory_space<hbm>>
      tpu.enqueue_dma source(%dma_start3A_76 : memref<128xi32, #tpu.memory_space<hbm>>) target(%arg8 : memref<128xi32, #tpu.memory_space<vmem>>) target_semaphore(%run_scoped3A : memref<!tpu.dma_semaphore, #tpu.memory_space<semaphore_mem>>)
      %dma_wait3A_77 = tpu.memref_slice %arg6[%add3A_12] : memref<10240xi32, #tpu.memory_space<hbm>> -> memref<128xi32, #tpu.memory_space<hbm>>
      %dma_wait3A_78 = tpu.memref_slice %arg6[%add3A_12] : memref<10240xi32, #tpu.memory_space<hbm>> -> memref<128xi32, #tpu.memory_space<hbm>>
      tpu.wait_dma2 semaphore(%run_scoped3A : memref<!tpu.dma_semaphore, #tpu.memory_space<semaphore_mem>>) src(%dma_wait3A_78 : memref<128xi32, #tpu.memory_space<hbm>>) dst(%arg8 : memref<128xi32, #tpu.memory_space<vmem>>)
      tpu.yield
    }) : () -> ()
    "tpu.region"() ({
      %run_scoped3A = tpu.sem_alloc : memref<!tpu.dma_semaphore, #tpu.memory_space<semaphore_mem>>
      %dma_start3A_75 = arith.constant 0 : i32
      %dma_start3A_76 = arith.constant 0 : i32
      %dma_start3A_77 = tpu.memref_slice %arg11[%dma_start3A_75, %dma_start3A_76] : memref<10240x128xf32, #tpu.memory_space<vmem_shared>> -> memref<10240x128xf32, #tpu.memory_space<vmem_shared>>
      tpu.enqueue_indirect_dma source(%arg10 : memref<128x128xf32, #tpu.memory_space<vmem>>) target(%dma_start3A_77 : memref<10240x128xf32, #tpu.memory_space<vmem_shared>>) offsets(%arg8 : memref<128xi32, #tpu.memory_space<vmem>>) semaphore(%run_scoped3A : memref<!tpu.dma_semaphore, #tpu.memory_space<semaphore_mem>>)
      %dma_wait3A_78 = arith.constant 0 : i32
      %dma_wait3A_79 = arith.constant 0 : i32
      %dma_wait3A_80 = tpu.memref_slice %arg11[%dma_wait3A_78, %dma_wait3A_79] : memref<10240x128xf32, #tpu.memory_space<vmem_shared>> -> memref<10240x128xf32, #tpu.memory_space<vmem_shared>>
      tpu.wait_indirect_dma semaphore(%run_scoped3A : memref<!tpu.dma_semaphore, #tpu.memory_space<semaphore_mem>>) src(%arg10 : memref<128x128xf32, #tpu.memory_space<vmem>>) dst(%dma_wait3A_80 : memref<10240x128xf32, #tpu.memory_space<vmem_shared>>)
      tpu.yield
    }) : () -> ()
    %mul3A_13 = arith.constant 640 : i32
    %mul3A_14 = arith.muli %arg1, %mul3A_13 : i32
    %add3A_15 = arith.constant 384 : i32
    %add3A_16 = arith.addi %mul3A_14, %add3A_15 : i32
    "tpu.region"() ({
      %run_scoped3A = tpu.sem_alloc : memref<!tpu.dma_semaphore, #tpu.memory_space<semaphore_mem>>
      %dma_start3A_75 = tpu.memref_slice %arg6[%add3A_16] : memref<10240xi32, #tpu.memory_space<hbm>> -> memref<128xi32, #tpu.memory_space<hbm>>
      %dma_start3A_76 = tpu.memref_slice %arg6[%add3A_16] : memref<10240xi32, #tpu.memory_space<hbm>> -> memref<128xi32, #tpu.memory_space<hbm>>
      tpu.enqueue_dma source(%dma_start3A_76 : memref<128xi32, #tpu.memory_space<hbm>>) target(%arg8 : memref<128xi32, #tpu.memory_space<vmem>>) target_semaphore(%run_scoped3A : memref<!tpu.dma_semaphore, #tpu.memory_space<semaphore_mem>>)
      %dma_wait3A_77 = tpu.memref_slice %arg6[%add3A_16] : memref<10240xi32, #tpu.memory_space<hbm>> -> memref<128xi32, #tpu.memory_space<hbm>>
      %dma_wait3A_78 = tpu.memref_slice %arg6[%add3A_16] : memref<10240xi32, #tpu.memory_space<hbm>> -> memref<128xi32, #tpu.memory_space<hbm>>
      tpu.wait_dma2 semaphore(%run_scoped3A : memref<!tpu.dma_semaphore, #tpu.memory_space<semaphore_mem>>) src(%dma_wait3A_78 : memref<128xi32, #tpu.memory_space<hbm>>) dst(%arg8 : memref<128xi32, #tpu.memory_space<vmem>>)
      tpu.yield
    }) : () -> ()
    "tpu.region"() ({
      %run_scoped3A = tpu.sem_alloc : memref<!tpu.dma_semaphore, #tpu.memory_space<semaphore_mem>>
      %dma_start3A_75 = arith.constant 0 : i32
      %dma_start3A_76 = arith.constant 0 : i32
      %dma_start3A_77 = tpu.memref_slice %arg11[%dma_start3A_75, %dma_start3A_76] : memref<10240x128xf32, #tpu.memory_space<vmem_shared>> -> memref<10240x128xf32, #tpu.memory_space<vmem_shared>>
      tpu.enqueue_indirect_dma source(%arg10 : memref<128x128xf32, #tpu.memory_space<vmem>>) target(%dma_start3A_77 : memref<10240x128xf32, #tpu.memory_space<vmem_shared>>) offsets(%arg8 : memref<128xi32, #tpu.memory_space<vmem>>) semaphore(%run_scoped3A : memref<!tpu.dma_semaphore, #tpu.memory_space<semaphore_mem>>)
      %dma_wait3A_78 = arith.constant 0 : i32
      %dma_wait3A_79 = arith.constant 0 : i32
      %dma_wait3A_80 = tpu.memref_slice %arg11[%dma_wait3A_78, %dma_wait3A_79] : memref<10240x128xf32, #tpu.memory_space<vmem_shared>> -> memref<10240x128xf32, #tpu.memory_space<vmem_shared>>
      tpu.wait_indirect_dma semaphore(%run_scoped3A : memref<!tpu.dma_semaphore, #tpu.memory_space<semaphore_mem>>) src(%arg10 : memref<128x128xf32, #tpu.memory_space<vmem>>) dst(%dma_wait3A_80 : memref<10240x128xf32, #tpu.memory_space<vmem_shared>>)
      tpu.yield
    }) : () -> ()
    %mul3A_17 = arith.constant 640 : i32
    %mul3A_18 = arith.muli %arg1, %mul3A_17 : i32
    %add3A_19 = arith.constant 512 : i32
    %add3A_20 = arith.addi %mul3A_18, %add3A_19 : i32
    "tpu.region"() ({
      %run_scoped3A = tpu.sem_alloc : memref<!tpu.dma_semaphore, #tpu.memory_space<semaphore_mem>>
      %dma_start3A_75 = tpu.memref_slice %arg6[%add3A_20] : memref<10240xi32, #tpu.memory_space<hbm>> -> memref<128xi32, #tpu.memory_space<hbm>>
      %dma_start3A_76 = tpu.memref_slice %arg6[%add3A_20] : memref<10240xi32, #tpu.memory_space<hbm>> -> memref<128xi32, #tpu.memory_space<hbm>>
      tpu.enqueue_dma source(%dma_start3A_76 : memref<128xi32, #tpu.memory_space<hbm>>) target(%arg8 : memref<128xi32, #tpu.memory_space<vmem>>) target_semaphore(%run_scoped3A : memref<!tpu.dma_semaphore, #tpu.memory_space<semaphore_mem>>)
      %dma_wait3A_77 = tpu.memref_slice %arg6[%add3A_20] : memref<10240xi32, #tpu.memory_space<hbm>> -> memref<128xi32, #tpu.memory_space<hbm>>
      %dma_wait3A_78 = tpu.memref_slice %arg6[%add3A_20] : memref<10240xi32, #tpu.memory_space<hbm>> -> memref<128xi32, #tpu.memory_space<hbm>>
      tpu.wait_dma2 semaphore(%run_scoped3A : memref<!tpu.dma_semaphore, #tpu.memory_space<semaphore_mem>>) src(%dma_wait3A_78 : memref<128xi32, #tpu.memory_space<hbm>>) dst(%arg8 : memref<128xi32, #tpu.memory_space<vmem>>)
      tpu.yield
    }) : () -> ()
    "tpu.region"() ({
      %run_scoped3A = tpu.sem_alloc : memref<!tpu.dma_semaphore, #tpu.memory_space<semaphore_mem>>
      %dma_start3A_75 = arith.constant 0 : i32
      %dma_start3A_76 = arith.constant 0 : i32
      %dma_start3A_77 = tpu.memref_slice %arg11[%dma_start3A_75, %dma_start3A_76] : memref<10240x128xf32, #tpu.memory_space<vmem_shared>> -> memref<10240x128xf32, #tpu.memory_space<vmem_shared>>
      tpu.enqueue_indirect_dma source(%arg10 : memref<128x128xf32, #tpu.memory_space<vmem>>) target(%dma_start3A_77 : memref<10240x128xf32, #tpu.memory_space<vmem_shared>>) offsets(%arg8 : memref<128xi32, #tpu.memory_space<vmem>>) semaphore(%run_scoped3A : memref<!tpu.dma_semaphore, #tpu.memory_space<semaphore_mem>>)
      %dma_wait3A_78 = arith.constant 0 : i32
      %dma_wait3A_79 = arith.constant 0 : i32
      %dma_wait3A_80 = tpu.memref_slice %arg11[%dma_wait3A_78, %dma_wait3A_79] : memref<10240x128xf32, #tpu.memory_space<vmem_shared>> -> memref<10240x128xf32, #tpu.memory_space<vmem_shared>>
      tpu.wait_indirect_dma semaphore(%run_scoped3A : memref<!tpu.dma_semaphore, #tpu.memory_space<semaphore_mem>>) src(%arg10 : memref<128x128xf32, #tpu.memory_space<vmem>>) dst(%dma_wait3A_80 : memref<10240x128xf32, #tpu.memory_space<vmem_shared>>)
      tpu.yield
    }) : () -> ()
    %barrier3A = arith.constant 0 : index
    tpu.barrier barrier_id(%barrier3A)
    %scan3A = arith.constant 0 : i32
    %scan3A_21 = arith.constant 0 : i32
    %scan3A_22 = arith.constant 80 : i32
    %scan3A_23 = arith.addi %scan3A_21, %scan3A_22 : i32
    %scan3A_24 = arith.constant 1 : i32
    scf.for %scan3A_75 = %scan3A_21 to %scan3A_23 step %scan3A_24  : i32 {
      %mul3A_76 = arith.constant 10240 : i32
      %mul3A_77 = arith.muli %add3A, %mul3A_76 : i32
      %mul3A_78 = arith.constant 128 : i32
      %mul3A_79 = arith.muli %scan3A_75, %mul3A_78 : i32
      %add3A_80 = arith.addi %mul3A_77, %mul3A_79 : i32
      "tpu.region"() ({
        %run_scoped3A = tpu.sem_alloc : memref<!tpu.dma_semaphore, #tpu.memory_space<semaphore_mem>>
        %dma_start3A_87 = tpu.memref_slice %arg2[%add3A_80] : memref<327680xi32, #tpu.memory_space<hbm>> -> memref<128xi32, #tpu.memory_space<hbm>>
        %dma_start3A_88 = tpu.memref_slice %arg2[%add3A_80] : memref<327680xi32, #tpu.memory_space<hbm>> -> memref<128xi32, #tpu.memory_space<hbm>>
        tpu.enqueue_dma source(%dma_start3A_88 : memref<128xi32, #tpu.memory_space<hbm>>) target(%arg8 : memref<128xi32, #tpu.memory_space<vmem>>) target_semaphore(%run_scoped3A : memref<!tpu.dma_semaphore, #tpu.memory_space<semaphore_mem>>)
        %dma_wait3A_89 = tpu.memref_slice %arg2[%add3A_80] : memref<327680xi32, #tpu.memory_space<hbm>> -> memref<128xi32, #tpu.memory_space<hbm>>
        %dma_wait3A_90 = tpu.memref_slice %arg2[%add3A_80] : memref<327680xi32, #tpu.memory_space<hbm>> -> memref<128xi32, #tpu.memory_space<hbm>>
        tpu.wait_dma2 semaphore(%run_scoped3A : memref<!tpu.dma_semaphore, #tpu.memory_space<semaphore_mem>>) src(%dma_wait3A_90 : memref<128xi32, #tpu.memory_space<hbm>>) dst(%arg8 : memref<128xi32, #tpu.memory_space<vmem>>)
        tpu.yield
      }) : () -> ()
      "tpu.region"() ({
        %run_scoped3A = tpu.sem_alloc : memref<!tpu.dma_semaphore, #tpu.memory_space<semaphore_mem>>
        %dma_start3A_87 = tpu.memref_slice %arg3[%add3A_80] : memref<327680xi32, #tpu.memory_space<hbm>> -> memref<128xi32, #tpu.memory_space<hbm>>
        %dma_start3A_88 = tpu.memref_slice %arg3[%add3A_80] : memref<327680xi32, #tpu.memory_space<hbm>> -> memref<128xi32, #tpu.memory_space<hbm>>
        tpu.enqueue_dma source(%dma_start3A_88 : memref<128xi32, #tpu.memory_space<hbm>>) target(%arg9 : memref<128xi32, #tpu.memory_space<vmem>>) target_semaphore(%run_scoped3A : memref<!tpu.dma_semaphore, #tpu.memory_space<semaphore_mem>>)
        %dma_wait3A_89 = tpu.memref_slice %arg3[%add3A_80] : memref<327680xi32, #tpu.memory_space<hbm>> -> memref<128xi32, #tpu.memory_space<hbm>>
        %dma_wait3A_90 = tpu.memref_slice %arg3[%add3A_80] : memref<327680xi32, #tpu.memory_space<hbm>> -> memref<128xi32, #tpu.memory_space<hbm>>
        tpu.wait_dma2 semaphore(%run_scoped3A : memref<!tpu.dma_semaphore, #tpu.memory_space<semaphore_mem>>) src(%dma_wait3A_90 : memref<128xi32, #tpu.memory_space<hbm>>) dst(%arg9 : memref<128xi32, #tpu.memory_space<vmem>>)
        tpu.yield
      }) : () -> ()
      %dma_start3A_81 = arith.constant 0 : i32
      %dma_start3A_82 = arith.constant 0 : i32
      %dma_start3A_83 = tpu.memref_slice %arg4[%dma_start3A_81, %dma_start3A_82] : memref<10240x128xf32, #tpu.memory_space<hbm>> -> memref<10240x128xf32, #tpu.memory_space<hbm>>
      tpu.enqueue_indirect_dma source(%dma_start3A_83 : memref<10240x128xf32, #tpu.memory_space<hbm>>) target(%arg10 : memref<128x128xf32, #tpu.memory_space<vmem>>) offsets(%arg8 : memref<128xi32, #tpu.memory_space<vmem>>) semaphore(%arg12 : memref<!tpu.dma_semaphore, #tpu.memory_space<semaphore_mem>>)
      %dma_wait3A_84 = arith.constant 0 : i32
      %dma_wait3A_85 = arith.constant 0 : i32
      %dma_wait3A_86 = tpu.memref_slice %arg4[%dma_wait3A_84, %dma_wait3A_85] : memref<10240x128xf32, #tpu.memory_space<hbm>> -> memref<10240x128xf32, #tpu.memory_space<hbm>>
      tpu.wait_indirect_dma semaphore(%arg12 : memref<!tpu.dma_semaphore, #tpu.memory_space<semaphore_mem>>) src(%dma_wait3A_86 : memref<10240x128xf32, #tpu.memory_space<hbm>>) dst(%arg10 : memref<128x128xf32, #tpu.memory_space<vmem>>)
      "tpu.region"() ({
        %run_scoped3A = tpu.sem_alloc : memref<!tpu.dma_semaphore, #tpu.memory_space<semaphore_mem>>
        %dma_start3A_87 = arith.constant 0 : i32
        %dma_start3A_88 = arith.constant 0 : i32
        %dma_start3A_89 = tpu.memref_slice %arg11[%dma_start3A_87, %dma_start3A_88] : memref<10240x128xf32, #tpu.memory_space<vmem_shared>> -> memref<10240x128xf32, #tpu.memory_space<vmem_shared>>
        tpu.enqueue_indirect_dma source(%arg10 : memref<128x128xf32, #tpu.memory_space<vmem>>) target(%dma_start3A_89 : memref<10240x128xf32, #tpu.memory_space<vmem_shared>>) offsets(%arg9 : memref<128xi32, #tpu.memory_space<vmem>>) semaphore(%run_scoped3A : memref<!tpu.dma_semaphore, #tpu.memory_space<semaphore_mem>>) {add = true}
        %dma_wait3A_90 = arith.constant 0 : i32
        %dma_wait3A_91 = arith.constant 0 : i32
        %dma_wait3A_92 = tpu.memref_slice %arg11[%dma_wait3A_90, %dma_wait3A_91] : memref<10240x128xf32, #tpu.memory_space<vmem_shared>> -> memref<10240x128xf32, #tpu.memory_space<vmem_shared>>
        tpu.wait_indirect_dma semaphore(%run_scoped3A : memref<!tpu.dma_semaphore, #tpu.memory_space<semaphore_mem>>) src(%arg10 : memref<128x128xf32, #tpu.memory_space<vmem>>) dst(%dma_wait3A_92 : memref<10240x128xf32, #tpu.memory_space<vmem_shared>>)
        tpu.yield
      }) : () -> ()
    }
    %scan3A_25 = arith.constant 80 : i32
    %barrier3A_26 = arith.constant 0 : index
    tpu.barrier barrier_id(%barrier3A_26)
    %mul3A_27 = arith.constant 640 : i32
    %mul3A_28 = arith.muli %arg1, %mul3A_27 : i32
    %add3A_29 = arith.constant 0 : i32
    %add3A_30 = arith.addi %mul3A_28, %add3A_29 : i32
    "tpu.region"() ({
      %run_scoped3A = tpu.sem_alloc : memref<!tpu.dma_semaphore, #tpu.memory_space<semaphore_mem>>
      %dma_start3A_75 = tpu.memref_slice %arg6[%add3A_30] : memref<10240xi32, #tpu.memory_space<hbm>> -> memref<128xi32, #tpu.memory_space<hbm>>
      %dma_start3A_76 = tpu.memref_slice %arg6[%add3A_30] : memref<10240xi32, #tpu.memory_space<hbm>> -> memref<128xi32, #tpu.memory_space<hbm>>
      tpu.enqueue_dma source(%dma_start3A_76 : memref<128xi32, #tpu.memory_space<hbm>>) target(%arg8 : memref<128xi32, #tpu.memory_space<vmem>>) target_semaphore(%run_scoped3A : memref<!tpu.dma_semaphore, #tpu.memory_space<semaphore_mem>>)
      %dma_wait3A_77 = tpu.memref_slice %arg6[%add3A_30] : memref<10240xi32, #tpu.memory_space<hbm>> -> memref<128xi32, #tpu.memory_space<hbm>>
      %dma_wait3A_78 = tpu.memref_slice %arg6[%add3A_30] : memref<10240xi32, #tpu.memory_space<hbm>> -> memref<128xi32, #tpu.memory_space<hbm>>
      tpu.wait_dma2 semaphore(%run_scoped3A : memref<!tpu.dma_semaphore, #tpu.memory_space<semaphore_mem>>) src(%dma_wait3A_78 : memref<128xi32, #tpu.memory_space<hbm>>) dst(%arg8 : memref<128xi32, #tpu.memory_space<vmem>>)
      tpu.yield
    }) : () -> ()
    %dma_start3A = arith.constant 0 : i32
    %dma_start3A_31 = arith.constant 0 : i32
    %dma_start3A_32 = tpu.memref_slice %arg11[%dma_start3A, %dma_start3A_31] : memref<10240x128xf32, #tpu.memory_space<vmem_shared>> -> memref<10240x128xf32, #tpu.memory_space<vmem_shared>>
    tpu.enqueue_indirect_dma source(%dma_start3A_32 : memref<10240x128xf32, #tpu.memory_space<vmem_shared>>) target(%arg10 : memref<128x128xf32, #tpu.memory_space<vmem>>) offsets(%arg8 : memref<128xi32, #tpu.memory_space<vmem>>) semaphore(%arg12 : memref<!tpu.dma_semaphore, #tpu.memory_space<semaphore_mem>>)
    %dma_wait3A = arith.constant 0 : i32
    %dma_wait3A_33 = arith.constant 0 : i32
    %dma_wait3A_34 = tpu.memref_slice %arg11[%dma_wait3A, %dma_wait3A_33] : memref<10240x128xf32, #tpu.memory_space<vmem_shared>> -> memref<10240x128xf32, #tpu.memory_space<vmem_shared>>
    tpu.wait_indirect_dma semaphore(%arg12 : memref<!tpu.dma_semaphore, #tpu.memory_space<semaphore_mem>>) src(%dma_wait3A_34 : memref<10240x128xf32, #tpu.memory_space<vmem_shared>>) dst(%arg10 : memref<128x128xf32, #tpu.memory_space<vmem>>)
    "tpu.region"() ({
      %run_scoped3A = tpu.sem_alloc : memref<!tpu.dma_semaphore, #tpu.memory_space<semaphore_mem>>
      %dma_start3A_75 = arith.constant 0 : i32
      %dma_start3A_76 = tpu.memref_slice %arg7[%arg0, %add3A_30, %dma_start3A_75] : memref<2x10240x128xf32, #tpu.memory_space<hbm>> -> memref<1x128x128xf32, #tpu.memory_space<hbm>>
      %dma_start3A_77 = tpu.memref_squeeze %dma_start3A_76 : memref<1x128x128xf32, #tpu.memory_space<hbm>> -> memref<128x128xf32, #tpu.memory_space<hbm>>
      %dma_start3A_78 = arith.constant 0 : i32
      %dma_start3A_79 = tpu.memref_slice %arg7[%arg0, %add3A_30, %dma_start3A_78] : memref<2x10240x128xf32, #tpu.memory_space<hbm>> -> memref<1x128x128xf32, #tpu.memory_space<hbm>>
      %dma_start3A_80 = tpu.memref_squeeze %dma_start3A_79 : memref<1x128x128xf32, #tpu.memory_space<hbm>> -> memref<128x128xf32, #tpu.memory_space<hbm>>
      tpu.enqueue_dma source(%arg10 : memref<128x128xf32, #tpu.memory_space<vmem>>) target(%dma_start3A_80 : memref<128x128xf32, #tpu.memory_space<hbm>>) target_semaphore(%run_scoped3A : memref<!tpu.dma_semaphore, #tpu.memory_space<semaphore_mem>>)
      %dma_wait3A_81 = arith.constant 0 : i32
      %dma_wait3A_82 = tpu.memref_slice %arg7[%arg0, %add3A_30, %dma_wait3A_81] : memref<2x10240x128xf32, #tpu.memory_space<hbm>> -> memref<1x128x128xf32, #tpu.memory_space<hbm>>
      %dma_wait3A_83 = tpu.memref_squeeze %dma_wait3A_82 : memref<1x128x128xf32, #tpu.memory_space<hbm>> -> memref<128x128xf32, #tpu.memory_space<hbm>>
      %dma_wait3A_84 = arith.constant 0 : i32
      %dma_wait3A_85 = tpu.memref_slice %arg7[%arg0, %add3A_30, %dma_wait3A_84] : memref<2x10240x128xf32, #tpu.memory_space<hbm>> -> memref<1x128x128xf32, #tpu.memory_space<hbm>>
      %dma_wait3A_86 = tpu.memref_squeeze %dma_wait3A_85 : memref<1x128x128xf32, #tpu.memory_space<hbm>> -> memref<128x128xf32, #tpu.memory_space<hbm>>
      tpu.wait_dma2 semaphore(%run_scoped3A : memref<!tpu.dma_semaphore, #tpu.memory_space<semaphore_mem>>) src(%arg10 : memref<128x128xf32, #tpu.memory_space<vmem>>) dst(%dma_wait3A_86 : memref<128x128xf32, #tpu.memory_space<hbm>>)
      tpu.yield
    }) : () -> ()
    %mul3A_35 = arith.constant 640 : i32
    %mul3A_36 = arith.muli %arg1, %mul3A_35 : i32
    %add3A_37 = arith.constant 128 : i32
    %add3A_38 = arith.addi %mul3A_36, %add3A_37 : i32
    "tpu.region"() ({
      %run_scoped3A = tpu.sem_alloc : memref<!tpu.dma_semaphore, #tpu.memory_space<semaphore_mem>>
      %dma_start3A_75 = tpu.memref_slice %arg6[%add3A_38] : memref<10240xi32, #tpu.memory_space<hbm>> -> memref<128xi32, #tpu.memory_space<hbm>>
      %dma_start3A_76 = tpu.memref_slice %arg6[%add3A_38] : memref<10240xi32, #tpu.memory_space<hbm>> -> memref<128xi32, #tpu.memory_space<hbm>>
      tpu.enqueue_dma source(%dma_start3A_76 : memref<128xi32, #tpu.memory_space<hbm>>) target(%arg8 : memref<128xi32, #tpu.memory_space<vmem>>) target_semaphore(%run_scoped3A : memref<!tpu.dma_semaphore, #tpu.memory_space<semaphore_mem>>)
      %dma_wait3A_77 = tpu.memref_slice %arg6[%add3A_38] : memref<10240xi32, #tpu.memory_space<hbm>> -> memref<128xi32, #tpu.memory_space<hbm>>
      %dma_wait3A_78 = tpu.memref_slice %arg6[%add3A_38] : memref<10240xi32, #tpu.memory_space<hbm>> -> memref<128xi32, #tpu.memory_space<hbm>>
      tpu.wait_dma2 semaphore(%run_scoped3A : memref<!tpu.dma_semaphore, #tpu.memory_space<semaphore_mem>>) src(%dma_wait3A_78 : memref<128xi32, #tpu.memory_space<hbm>>) dst(%arg8 : memref<128xi32, #tpu.memory_space<vmem>>)
      tpu.yield
    }) : () -> ()
    %dma_start3A_39 = arith.constant 0 : i32
    %dma_start3A_40 = arith.constant 0 : i32
    %dma_start3A_41 = tpu.memref_slice %arg11[%dma_start3A_39, %dma_start3A_40] : memref<10240x128xf32, #tpu.memory_space<vmem_shared>> -> memref<10240x128xf32, #tpu.memory_space<vmem_shared>>
    tpu.enqueue_indirect_dma source(%dma_start3A_41 : memref<10240x128xf32, #tpu.memory_space<vmem_shared>>) target(%arg10 : memref<128x128xf32, #tpu.memory_space<vmem>>) offsets(%arg8 : memref<128xi32, #tpu.memory_space<vmem>>) semaphore(%arg12 : memref<!tpu.dma_semaphore, #tpu.memory_space<semaphore_mem>>)
    %dma_wait3A_42 = arith.constant 0 : i32
    %dma_wait3A_43 = arith.constant 0 : i32
    %dma_wait3A_44 = tpu.memref_slice %arg11[%dma_wait3A_42, %dma_wait3A_43] : memref<10240x128xf32, #tpu.memory_space<vmem_shared>> -> memref<10240x128xf32, #tpu.memory_space<vmem_shared>>
    tpu.wait_indirect_dma semaphore(%arg12 : memref<!tpu.dma_semaphore, #tpu.memory_space<semaphore_mem>>) src(%dma_wait3A_44 : memref<10240x128xf32, #tpu.memory_space<vmem_shared>>) dst(%arg10 : memref<128x128xf32, #tpu.memory_space<vmem>>)
    "tpu.region"() ({
      %run_scoped3A = tpu.sem_alloc : memref<!tpu.dma_semaphore, #tpu.memory_space<semaphore_mem>>
      %dma_start3A_75 = arith.constant 0 : i32
      %dma_start3A_76 = tpu.memref_slice %arg7[%arg0, %add3A_38, %dma_start3A_75] : memref<2x10240x128xf32, #tpu.memory_space<hbm>> -> memref<1x128x128xf32, #tpu.memory_space<hbm>>
      %dma_start3A_77 = tpu.memref_squeeze %dma_start3A_76 : memref<1x128x128xf32, #tpu.memory_space<hbm>> -> memref<128x128xf32, #tpu.memory_space<hbm>>
      %dma_start3A_78 = arith.constant 0 : i32
      %dma_start3A_79 = tpu.memref_slice %arg7[%arg0, %add3A_38, %dma_start3A_78] : memref<2x10240x128xf32, #tpu.memory_space<hbm>> -> memref<1x128x128xf32, #tpu.memory_space<hbm>>
      %dma_start3A_80 = tpu.memref_squeeze %dma_start3A_79 : memref<1x128x128xf32, #tpu.memory_space<hbm>> -> memref<128x128xf32, #tpu.memory_space<hbm>>
      tpu.enqueue_dma source(%arg10 : memref<128x128xf32, #tpu.memory_space<vmem>>) target(%dma_start3A_80 : memref<128x128xf32, #tpu.memory_space<hbm>>) target_semaphore(%run_scoped3A : memref<!tpu.dma_semaphore, #tpu.memory_space<semaphore_mem>>)
      %dma_wait3A_81 = arith.constant 0 : i32
      %dma_wait3A_82 = tpu.memref_slice %arg7[%arg0, %add3A_38, %dma_wait3A_81] : memref<2x10240x128xf32, #tpu.memory_space<hbm>> -> memref<1x128x128xf32, #tpu.memory_space<hbm>>
      %dma_wait3A_83 = tpu.memref_squeeze %dma_wait3A_82 : memref<1x128x128xf32, #tpu.memory_space<hbm>> -> memref<128x128xf32, #tpu.memory_space<hbm>>
      %dma_wait3A_84 = arith.constant 0 : i32
      %dma_wait3A_85 = tpu.memref_slice %arg7[%arg0, %add3A_38, %dma_wait3A_84] : memref<2x10240x128xf32, #tpu.memory_space<hbm>> -> memref<1x128x128xf32, #tpu.memory_space<hbm>>
      %dma_wait3A_86 = tpu.memref_squeeze %dma_wait3A_85 : memref<1x128x128xf32, #tpu.memory_space<hbm>> -> memref<128x128xf32, #tpu.memory_space<hbm>>
      tpu.wait_dma2 semaphore(%run_scoped3A : memref<!tpu.dma_semaphore, #tpu.memory_space<semaphore_mem>>) src(%arg10 : memref<128x128xf32, #tpu.memory_space<vmem>>) dst(%dma_wait3A_86 : memref<128x128xf32, #tpu.memory_space<hbm>>)
      tpu.yield
    }) : () -> ()
    %mul3A_45 = arith.constant 640 : i32
    %mul3A_46 = arith.muli %arg1, %mul3A_45 : i32
    %add3A_47 = arith.constant 256 : i32
    %add3A_48 = arith.addi %mul3A_46, %add3A_47 : i32
    "tpu.region"() ({
      %run_scoped3A = tpu.sem_alloc : memref<!tpu.dma_semaphore, #tpu.memory_space<semaphore_mem>>
      %dma_start3A_75 = tpu.memref_slice %arg6[%add3A_48] : memref<10240xi32, #tpu.memory_space<hbm>> -> memref<128xi32, #tpu.memory_space<hbm>>
      %dma_start3A_76 = tpu.memref_slice %arg6[%add3A_48] : memref<10240xi32, #tpu.memory_space<hbm>> -> memref<128xi32, #tpu.memory_space<hbm>>
      tpu.enqueue_dma source(%dma_start3A_76 : memref<128xi32, #tpu.memory_space<hbm>>) target(%arg8 : memref<128xi32, #tpu.memory_space<vmem>>) target_semaphore(%run_scoped3A : memref<!tpu.dma_semaphore, #tpu.memory_space<semaphore_mem>>)
      %dma_wait3A_77 = tpu.memref_slice %arg6[%add3A_48] : memref<10240xi32, #tpu.memory_space<hbm>> -> memref<128xi32, #tpu.memory_space<hbm>>
      %dma_wait3A_78 = tpu.memref_slice %arg6[%add3A_48] : memref<10240xi32, #tpu.memory_space<hbm>> -> memref<128xi32, #tpu.memory_space<hbm>>
      tpu.wait_dma2 semaphore(%run_scoped3A : memref<!tpu.dma_semaphore, #tpu.memory_space<semaphore_mem>>) src(%dma_wait3A_78 : memref<128xi32, #tpu.memory_space<hbm>>) dst(%arg8 : memref<128xi32, #tpu.memory_space<vmem>>)
      tpu.yield
    }) : () -> ()
    %dma_start3A_49 = arith.constant 0 : i32
    %dma_start3A_50 = arith.constant 0 : i32
    %dma_start3A_51 = tpu.memref_slice %arg11[%dma_start3A_49, %dma_start3A_50] : memref<10240x128xf32, #tpu.memory_space<vmem_shared>> -> memref<10240x128xf32, #tpu.memory_space<vmem_shared>>
    tpu.enqueue_indirect_dma source(%dma_start3A_51 : memref<10240x128xf32, #tpu.memory_space<vmem_shared>>) target(%arg10 : memref<128x128xf32, #tpu.memory_space<vmem>>) offsets(%arg8 : memref<128xi32, #tpu.memory_space<vmem>>) semaphore(%arg12 : memref<!tpu.dma_semaphore, #tpu.memory_space<semaphore_mem>>)
    %dma_wait3A_52 = arith.constant 0 : i32
    %dma_wait3A_53 = arith.constant 0 : i32
    %dma_wait3A_54 = tpu.memref_slice %arg11[%dma_wait3A_52, %dma_wait3A_53] : memref<10240x128xf32, #tpu.memory_space<vmem_shared>> -> memref<10240x128xf32, #tpu.memory_space<vmem_shared>>
    tpu.wait_indirect_dma semaphore(%arg12 : memref<!tpu.dma_semaphore, #tpu.memory_space<semaphore_mem>>) src(%dma_wait3A_54 : memref<10240x128xf32, #tpu.memory_space<vmem_shared>>) dst(%arg10 : memref<128x128xf32, #tpu.memory_space<vmem>>)
    "tpu.region"() ({
      %run_scoped3A = tpu.sem_alloc : memref<!tpu.dma_semaphore, #tpu.memory_space<semaphore_mem>>
      %dma_start3A_75 = arith.constant 0 : i32
      %dma_start3A_76 = tpu.memref_slice %arg7[%arg0, %add3A_48, %dma_start3A_75] : memref<2x10240x128xf32, #tpu.memory_space<hbm>> -> memref<1x128x128xf32, #tpu.memory_space<hbm>>
      %dma_start3A_77 = tpu.memref_squeeze %dma_start3A_76 : memref<1x128x128xf32, #tpu.memory_space<hbm>> -> memref<128x128xf32, #tpu.memory_space<hbm>>
      %dma_start3A_78 = arith.constant 0 : i32
      %dma_start3A_79 = tpu.memref_slice %arg7[%arg0, %add3A_48, %dma_start3A_78] : memref<2x10240x128xf32, #tpu.memory_space<hbm>> -> memref<1x128x128xf32, #tpu.memory_space<hbm>>
      %dma_start3A_80 = tpu.memref_squeeze %dma_start3A_79 : memref<1x128x128xf32, #tpu.memory_space<hbm>> -> memref<128x128xf32, #tpu.memory_space<hbm>>
      tpu.enqueue_dma source(%arg10 : memref<128x128xf32, #tpu.memory_space<vmem>>) target(%dma_start3A_80 : memref<128x128xf32, #tpu.memory_space<hbm>>) target_semaphore(%run_scoped3A : memref<!tpu.dma_semaphore, #tpu.memory_space<semaphore_mem>>)
      %dma_wait3A_81 = arith.constant 0 : i32
      %dma_wait3A_82 = tpu.memref_slice %arg7[%arg0, %add3A_48, %dma_wait3A_81] : memref<2x10240x128xf32, #tpu.memory_space<hbm>> -> memref<1x128x128xf32, #tpu.memory_space<hbm>>
      %dma_wait3A_83 = tpu.memref_squeeze %dma_wait3A_82 : memref<1x128x128xf32, #tpu.memory_space<hbm>> -> memref<128x128xf32, #tpu.memory_space<hbm>>
      %dma_wait3A_84 = arith.constant 0 : i32
      %dma_wait3A_85 = tpu.memref_slice %arg7[%arg0, %add3A_48, %dma_wait3A_84] : memref<2x10240x128xf32, #tpu.memory_space<hbm>> -> memref<1x128x128xf32, #tpu.memory_space<hbm>>
      %dma_wait3A_86 = tpu.memref_squeeze %dma_wait3A_85 : memref<1x128x128xf32, #tpu.memory_space<hbm>> -> memref<128x128xf32, #tpu.memory_space<hbm>>
      tpu.wait_dma2 semaphore(%run_scoped3A : memref<!tpu.dma_semaphore, #tpu.memory_space<semaphore_mem>>) src(%arg10 : memref<128x128xf32, #tpu.memory_space<vmem>>) dst(%dma_wait3A_86 : memref<128x128xf32, #tpu.memory_space<hbm>>)
      tpu.yield
    }) : () -> ()
    %mul3A_55 = arith.constant 640 : i32
    %mul3A_56 = arith.muli %arg1, %mul3A_55 : i32
    %add3A_57 = arith.constant 384 : i32
    %add3A_58 = arith.addi %mul3A_56, %add3A_57 : i32
    "tpu.region"() ({
      %run_scoped3A = tpu.sem_alloc : memref<!tpu.dma_semaphore, #tpu.memory_space<semaphore_mem>>
      %dma_start3A_75 = tpu.memref_slice %arg6[%add3A_58] : memref<10240xi32, #tpu.memory_space<hbm>> -> memref<128xi32, #tpu.memory_space<hbm>>
      %dma_start3A_76 = tpu.memref_slice %arg6[%add3A_58] : memref<10240xi32, #tpu.memory_space<hbm>> -> memref<128xi32, #tpu.memory_space<hbm>>
      tpu.enqueue_dma source(%dma_start3A_76 : memref<128xi32, #tpu.memory_space<hbm>>) target(%arg8 : memref<128xi32, #tpu.memory_space<vmem>>) target_semaphore(%run_scoped3A : memref<!tpu.dma_semaphore, #tpu.memory_space<semaphore_mem>>)
      %dma_wait3A_77 = tpu.memref_slice %arg6[%add3A_58] : memref<10240xi32, #tpu.memory_space<hbm>> -> memref<128xi32, #tpu.memory_space<hbm>>
      %dma_wait3A_78 = tpu.memref_slice %arg6[%add3A_58] : memref<10240xi32, #tpu.memory_space<hbm>> -> memref<128xi32, #tpu.memory_space<hbm>>
      tpu.wait_dma2 semaphore(%run_scoped3A : memref<!tpu.dma_semaphore, #tpu.memory_space<semaphore_mem>>) src(%dma_wait3A_78 : memref<128xi32, #tpu.memory_space<hbm>>) dst(%arg8 : memref<128xi32, #tpu.memory_space<vmem>>)
      tpu.yield
    }) : () -> ()
    %dma_start3A_59 = arith.constant 0 : i32
    %dma_start3A_60 = arith.constant 0 : i32
    %dma_start3A_61 = tpu.memref_slice %arg11[%dma_start3A_59, %dma_start3A_60] : memref<10240x128xf32, #tpu.memory_space<vmem_shared>> -> memref<10240x128xf32, #tpu.memory_space<vmem_shared>>
    tpu.enqueue_indirect_dma source(%dma_start3A_61 : memref<10240x128xf32, #tpu.memory_space<vmem_shared>>) target(%arg10 : memref<128x128xf32, #tpu.memory_space<vmem>>) offsets(%arg8 : memref<128xi32, #tpu.memory_space<vmem>>) semaphore(%arg12 : memref<!tpu.dma_semaphore, #tpu.memory_space<semaphore_mem>>)
    %dma_wait3A_62 = arith.constant 0 : i32
    %dma_wait3A_63 = arith.constant 0 : i32
    %dma_wait3A_64 = tpu.memref_slice %arg11[%dma_wait3A_62, %dma_wait3A_63] : memref<10240x128xf32, #tpu.memory_space<vmem_shared>> -> memref<10240x128xf32, #tpu.memory_space<vmem_shared>>
    tpu.wait_indirect_dma semaphore(%arg12 : memref<!tpu.dma_semaphore, #tpu.memory_space<semaphore_mem>>) src(%dma_wait3A_64 : memref<10240x128xf32, #tpu.memory_space<vmem_shared>>) dst(%arg10 : memref<128x128xf32, #tpu.memory_space<vmem>>)
    "tpu.region"() ({
      %run_scoped3A = tpu.sem_alloc : memref<!tpu.dma_semaphore, #tpu.memory_space<semaphore_mem>>
      %dma_start3A_75 = arith.constant 0 : i32
      %dma_start3A_76 = tpu.memref_slice %arg7[%arg0, %add3A_58, %dma_start3A_75] : memref<2x10240x128xf32, #tpu.memory_space<hbm>> -> memref<1x128x128xf32, #tpu.memory_space<hbm>>
      %dma_start3A_77 = tpu.memref_squeeze %dma_start3A_76 : memref<1x128x128xf32, #tpu.memory_space<hbm>> -> memref<128x128xf32, #tpu.memory_space<hbm>>
      %dma_start3A_78 = arith.constant 0 : i32
      %dma_start3A_79 = tpu.memref_slice %arg7[%arg0, %add3A_58, %dma_start3A_78] : memref<2x10240x128xf32, #tpu.memory_space<hbm>> -> memref<1x128x128xf32, #tpu.memory_space<hbm>>
      %dma_start3A_80 = tpu.memref_squeeze %dma_start3A_79 : memref<1x128x128xf32, #tpu.memory_space<hbm>> -> memref<128x128xf32, #tpu.memory_space<hbm>>
      tpu.enqueue_dma source(%arg10 : memref<128x128xf32, #tpu.memory_space<vmem>>) target(%dma_start3A_80 : memref<128x128xf32, #tpu.memory_space<hbm>>) target_semaphore(%run_scoped3A : memref<!tpu.dma_semaphore, #tpu.memory_space<semaphore_mem>>)
      %dma_wait3A_81 = arith.constant 0 : i32
      %dma_wait3A_82 = tpu.memref_slice %arg7[%arg0, %add3A_58, %dma_wait3A_81] : memref<2x10240x128xf32, #tpu.memory_space<hbm>> -> memref<1x128x128xf32, #tpu.memory_space<hbm>>
      %dma_wait3A_83 = tpu.memref_squeeze %dma_wait3A_82 : memref<1x128x128xf32, #tpu.memory_space<hbm>> -> memref<128x128xf32, #tpu.memory_space<hbm>>
      %dma_wait3A_84 = arith.constant 0 : i32
      %dma_wait3A_85 = tpu.memref_slice %arg7[%arg0, %add3A_58, %dma_wait3A_84] : memref<2x10240x128xf32, #tpu.memory_space<hbm>> -> memref<1x128x128xf32, #tpu.memory_space<hbm>>
      %dma_wait3A_86 = tpu.memref_squeeze %dma_wait3A_85 : memref<1x128x128xf32, #tpu.memory_space<hbm>> -> memref<128x128xf32, #tpu.memory_space<hbm>>
      tpu.wait_dma2 semaphore(%run_scoped3A : memref<!tpu.dma_semaphore, #tpu.memory_space<semaphore_mem>>) src(%arg10 : memref<128x128xf32, #tpu.memory_space<vmem>>) dst(%dma_wait3A_86 : memref<128x128xf32, #tpu.memory_space<hbm>>)
      tpu.yield
    }) : () -> ()
    %mul3A_65 = arith.constant 640 : i32
    %mul3A_66 = arith.muli %arg1, %mul3A_65 : i32
    %add3A_67 = arith.constant 512 : i32
    %add3A_68 = arith.addi %mul3A_66, %add3A_67 : i32
    "tpu.region"() ({
      %run_scoped3A = tpu.sem_alloc : memref<!tpu.dma_semaphore, #tpu.memory_space<semaphore_mem>>
      %dma_start3A_75 = tpu.memref_slice %arg6[%add3A_68] : memref<10240xi32, #tpu.memory_space<hbm>> -> memref<128xi32, #tpu.memory_space<hbm>>
      %dma_start3A_76 = tpu.memref_slice %arg6[%add3A_68] : memref<10240xi32, #tpu.memory_space<hbm>> -> memref<128xi32, #tpu.memory_space<hbm>>
      tpu.enqueue_dma source(%dma_start3A_76 : memref<128xi32, #tpu.memory_space<hbm>>) target(%arg8 : memref<128xi32, #tpu.memory_space<vmem>>) target_semaphore(%run_scoped3A : memref<!tpu.dma_semaphore, #tpu.memory_space<semaphore_mem>>)
      %dma_wait3A_77 = tpu.memref_slice %arg6[%add3A_68] : memref<10240xi32, #tpu.memory_space<hbm>> -> memref<128xi32, #tpu.memory_space<hbm>>
      %dma_wait3A_78 = tpu.memref_slice %arg6[%add3A_68] : memref<10240xi32, #tpu.memory_space<hbm>> -> memref<128xi32, #tpu.memory_space<hbm>>
      tpu.wait_dma2 semaphore(%run_scoped3A : memref<!tpu.dma_semaphore, #tpu.memory_space<semaphore_mem>>) src(%dma_wait3A_78 : memref<128xi32, #tpu.memory_space<hbm>>) dst(%arg8 : memref<128xi32, #tpu.memory_space<vmem>>)
      tpu.yield
    }) : () -> ()
    %dma_start3A_69 = arith.constant 0 : i32
    %dma_start3A_70 = arith.constant 0 : i32
    %dma_start3A_71 = tpu.memref_slice %arg11[%dma_start3A_69, %dma_start3A_70] : memref<10240x128xf32, #tpu.memory_space<vmem_shared>> -> memref<10240x128xf32, #tpu.memory_space<vmem_shared>>
    tpu.enqueue_indirect_dma source(%dma_start3A_71 : memref<10240x128xf32, #tpu.memory_space<vmem_shared>>) target(%arg10 : memref<128x128xf32, #tpu.memory_space<vmem>>) offsets(%arg8 : memref<128xi32, #tpu.memory_space<vmem>>) semaphore(%arg12 : memref<!tpu.dma_semaphore, #tpu.memory_space<semaphore_mem>>)
    %dma_wait3A_72 = arith.constant 0 : i32
    %dma_wait3A_73 = arith.constant 0 : i32
    %dma_wait3A_74 = tpu.memref_slice %arg11[%dma_wait3A_72, %dma_wait3A_73] : memref<10240x128xf32, #tpu.memory_space<vmem_shared>> -> memref<10240x128xf32, #tpu.memory_space<vmem_shared>>
    tpu.wait_indirect_dma semaphore(%arg12 : memref<!tpu.dma_semaphore, #tpu.memory_space<semaphore_mem>>) src(%dma_wait3A_74 : memref<10240x128xf32, #tpu.memory_space<vmem_shared>>) dst(%arg10 : memref<128x128xf32, #tpu.memory_space<vmem>>)
    "tpu.region"() ({
      %run_scoped3A = tpu.sem_alloc : memref<!tpu.dma_semaphore, #tpu.memory_space<semaphore_mem>>
      %dma_start3A_75 = arith.constant 0 : i32
      %dma_start3A_76 = tpu.memref_slice %arg7[%arg0, %add3A_68, %dma_start3A_75] : memref<2x10240x128xf32, #tpu.memory_space<hbm>> -> memref<1x128x128xf32, #tpu.memory_space<hbm>>
      %dma_start3A_77 = tpu.memref_squeeze %dma_start3A_76 : memref<1x128x128xf32, #tpu.memory_space<hbm>> -> memref<128x128xf32, #tpu.memory_space<hbm>>
      %dma_start3A_78 = arith.constant 0 : i32
      %dma_start3A_79 = tpu.memref_slice %arg7[%arg0, %add3A_68, %dma_start3A_78] : memref<2x10240x128xf32, #tpu.memory_space<hbm>> -> memref<1x128x128xf32, #tpu.memory_space<hbm>>
      %dma_start3A_80 = tpu.memref_squeeze %dma_start3A_79 : memref<1x128x128xf32, #tpu.memory_space<hbm>> -> memref<128x128xf32, #tpu.memory_space<hbm>>
      tpu.enqueue_dma source(%arg10 : memref<128x128xf32, #tpu.memory_space<vmem>>) target(%dma_start3A_80 : memref<128x128xf32, #tpu.memory_space<hbm>>) target_semaphore(%run_scoped3A : memref<!tpu.dma_semaphore, #tpu.memory_space<semaphore_mem>>)
      %dma_wait3A_81 = arith.constant 0 : i32
      %dma_wait3A_82 = tpu.memref_slice %arg7[%arg0, %add3A_68, %dma_wait3A_81] : memref<2x10240x128xf32, #tpu.memory_space<hbm>> -> memref<1x128x128xf32, #tpu.memory_space<hbm>>
      %dma_wait3A_83 = tpu.memref_squeeze %dma_wait3A_82 : memref<1x128x128xf32, #tpu.memory_space<hbm>> -> memref<128x128xf32, #tpu.memory_space<hbm>>
      %dma_wait3A_84 = arith.constant 0 : i32
      %dma_wait3A_85 = tpu.memref_slice %arg7[%arg0, %add3A_68, %dma_wait3A_84] : memref<2x10240x128xf32, #tpu.memory_space<hbm>> -> memref<1x128x128xf32, #tpu.memory_space<hbm>>
      %dma_wait3A_86 = tpu.memref_squeeze %dma_wait3A_85 : memref<1x128x128xf32, #tpu.memory_space<hbm>> -> memref<128x128xf32, #tpu.memory_space<hbm>>
      tpu.wait_dma2 semaphore(%run_scoped3A : memref<!tpu.dma_semaphore, #tpu.memory_space<semaphore_mem>>) src(%arg10 : memref<128x128xf32, #tpu.memory_space<vmem>>) dst(%dma_wait3A_86 : memref<128x128xf32, #tpu.memory_space<hbm>>)
      tpu.yield
    }) : () -> ()
    return
  }
}

module attributes {stable_mosaic.version = 14 : i64} {
  func.func @_mm_body(%arg0: i32, %arg1: memref<200x128xf32, #tpu.memory_space<vmem>>, %arg2: memref<128x128xf32, #tpu.memory_space<vmem>>, %arg3: memref<200x128xf32, #tpu.memory_space<vmem>>) attributes {dimension_semantics = [#tpu.dimension_semantics<arbitrary>], iteration_bounds = array<i64: 50>, scalar_prefetch = 0 : i64, scratch_operands = 0 : i64, tpu.core_type = #tpu.core_type<tc>, window_params = [{transform_indices = @transform_0, window_bounds = array<i64: 200, 128>}, {pipeline_mode = #tpu.pipeline_mode<synchronous>, transform_indices = @transform_1, window_bounds = array<i64: 128, 128>}, {transform_indices = @transform_2, window_bounds = array<i64: 200, 128>}]} {
    %get3A = arith.constant 0 : index
    %get3A_0 = arith.constant 0 : index
    %get3A_1 = vector.load %arg1[%get3A, %get3A_0] : memref<200x128xf32, #tpu.memory_space<vmem>>, vector<200x128xf32>
    %get3A_2 = arith.constant 0 : index
    %get3A_3 = arith.constant 0 : index
    %get3A_4 = vector.load %arg2[%get3A_2, %get3A_3] : memref<128x128xf32, #tpu.memory_space<vmem>>, vector<128x128xf32>
    %dot_general3A = arith.constant dense<0.000000e+00> : vector<200x128xf32>
    %dot_general3A_5 = tpu.matmul %get3A_1, %get3A_4, %dot_general3A {dimension_numbers = #tpu.dot_dimension_numbers<[1], [0], [0], [1], [0, 0, 1, 1], [], []>, transpose_lhs_hint = false} : vector<200x128xf32>, vector<128x128xf32>, vector<200x128xf32> -> vector<200x128xf32>
    %swap3A = arith.constant 0 : index
    %swap3A_6 = arith.constant 0 : index
    %swap3A_7 = vector.load %arg3[%swap3A, %swap3A_6] : memref<200x128xf32, #tpu.memory_space<vmem>>, vector<200x128xf32>
    tpu.vector_store %arg3[%swap3A, %swap3A_6], %dot_general3A_5 {strides = array<i32>} : memref<200x128xf32, #tpu.memory_space<vmem>>, vector<200x128xf32>,
    return
  }
  func.func @transform_0(%arg0: i32) -> (i32, i32) {
    %c0_i32 = arith.constant 0 : i32
    %c0_i32_0 = arith.constant 0 : i32
    return %arg0, %c0_i32 : i32, i32
  }
  func.func @transform_1(%arg0: i32) -> (i32, i32) {
    %c0_i32 = arith.constant 0 : i32
    %c0_i32_0 = arith.constant 0 : i32
    %c0_i32_1 = arith.constant 0 : i32
    return %c0_i32, %c0_i32_0 : i32, i32
  }
  func.func @transform_2(%arg0: i32) -> (i32, i32) {
    %c0_i32 = arith.constant 0 : i32
    %c0_i32_0 = arith.constant 0 : i32
    return %arg0, %c0_i32 : i32, i32
  }
}

module attributes {stable_mosaic.version = 14 : i64} {
  func.func @_scale1_body(%arg0: i32, %arg1: memref<2x200x128xf32, #tpu.memory_space<vmem>>, %arg2: memref<200x128xf32, #tpu.memory_space<vmem>>, %arg3: memref<200x128xf32, #tpu.memory_space<vmem>>, %arg4: memref<200x1xf32, #tpu.memory_space<vmem>>) attributes {dimension_semantics = [#tpu.dimension_semantics<arbitrary>], iteration_bounds = array<i64: 50>, scalar_prefetch = 0 : i64, scratch_operands = 0 : i64, tpu.core_type = #tpu.core_type<tc>, window_params = [{transform_indices = @transform_0, window_bounds = array<i64: 2, 200, 128>}, {transform_indices = @transform_1, window_bounds = array<i64: 200, 128>}, {transform_indices = @transform_2, window_bounds = array<i64: 200, 128>}, {transform_indices = @transform_3, window_bounds = array<i64: 200, 1>}]} {
    %get3A = arith.constant 0 : index
    %get3A_0 = arith.constant 0 : index
    %get3A_1 = arith.constant 0 : index
    %get3A_2 = vector.load %arg1[%get3A, %get3A_0, %get3A_1] : memref<2x200x128xf32, #tpu.memory_space<vmem>>, vector<1x200x128xf32>
    %get3A_3 = vector.shape_cast %get3A_2 : vector<1x200x128xf32> to vector<200x128xf32>
    %slice3A = vector.extract_strided_slice %get3A_3 {offsets = [0, 0], sizes = [200, 1], strides = [1, 1]} : vector<200x128xf32> to vector<200x1xf32>
    %get3A_4 = arith.constant 1 : index
    %get3A_5 = arith.constant 0 : index
    %get3A_6 = arith.constant 0 : index
    %get3A_7 = vector.load %arg1[%get3A_4, %get3A_5, %get3A_6] : memref<2x200x128xf32, #tpu.memory_space<vmem>>, vector<1x200x128xf32>
    %get3A_8 = vector.shape_cast %get3A_7 : vector<1x200x128xf32> to vector<200x128xf32>
    %slice3A_9 = vector.extract_strided_slice %get3A_8 {offsets = [0, 0], sizes = [200, 1], strides = [1, 1]} : vector<200x128xf32> to vector<200x1xf32>
    %add3A = arith.addf %slice3A, %slice3A_9 : vector<200x1xf32>
    %add3A_10 = arith.constant 1.000000e+00 : f32
    %add3A_11 = vector.broadcast %add3A_10 : f32 to vector<200x1xf32>
    %add3A_12 = arith.addf %add3A, %add3A_11 : vector<200x1xf32>
    %rsqrt3A = math.rsqrt %add3A_12 : vector<200x1xf32>
    %swap3A = arith.constant 0 : index
    %swap3A_13 = arith.constant 0 : index
    %swap3A_14 = vector.load %arg4[%swap3A, %swap3A_13] : memref<200x1xf32, #tpu.memory_space<vmem>>, vector<200x1xf32>
    tpu.vector_store %arg4[%swap3A, %swap3A_13], %rsqrt3A {strides = array<i32>} : memref<200x1xf32, #tpu.memory_space<vmem>>, vector<200x1xf32>,
    %get3A_15 = arith.constant 0 : index
    %get3A_16 = arith.constant 0 : index
    %get3A_17 = vector.load %arg2[%get3A_15, %get3A_16] : memref<200x128xf32, #tpu.memory_space<vmem>>, vector<200x128xf32>
    %mul3A = vector.broadcast %rsqrt3A : vector<200x1xf32> to vector<200x128xf32>
    %mul3A_18 = arith.mulf %get3A_17, %mul3A : vector<200x128xf32>
    %swap3A_19 = arith.constant 0 : index
    %swap3A_20 = arith.constant 0 : index
    %swap3A_21 = vector.load %arg3[%swap3A_19, %swap3A_20] : memref<200x128xf32, #tpu.memory_space<vmem>>, vector<200x128xf32>
    tpu.vector_store %arg3[%swap3A_19, %swap3A_20], %mul3A_18 {strides = array<i32>} : memref<200x128xf32, #tpu.memory_space<vmem>>, vector<200x128xf32>,
    return
  }
  func.func @transform_0(%arg0: i32) -> (i32, i32, i32) {
    %c0_i32 = arith.constant 0 : i32
    %c0_i32_0 = arith.constant 0 : i32
    %c0_i32_1 = arith.constant 0 : i32
    return %c0_i32, %arg0, %c0_i32_0 : i32, i32, i32
  }
  func.func @transform_1(%arg0: i32) -> (i32, i32) {
    %c0_i32 = arith.constant 0 : i32
    %c0_i32_0 = arith.constant 0 : i32
    return %arg0, %c0_i32 : i32, i32
  }
  func.func @transform_2(%arg0: i32) -> (i32, i32) {
    %c0_i32 = arith.constant 0 : i32
    %c0_i32_0 = arith.constant 0 : i32
    return %arg0, %c0_i32 : i32, i32
  }
  func.func @transform_3(%arg0: i32) -> (i32, i32) {
    %c0_i32 = arith.constant 0 : i32
    %c0_i32_0 = arith.constant 0 : i32
    return %arg0, %c0_i32 : i32, i32
  }
}

module attributes {stable_mosaic.version = 14 : i64} {
  func.func @_layer_body(%arg0: i32, %arg1: memref<2x200x128xf32, #tpu.memory_space<vmem>>, %arg2: memref<200x128xf32, #tpu.memory_space<vmem>>, %arg3: memref<200x1xf32, #tpu.memory_space<vmem>>, %arg4: memref<1x128xf32, #tpu.memory_space<vmem>>, %arg5: memref<128x128xf32, #tpu.memory_space<vmem>>, %arg6: memref<200x128xf32, #tpu.memory_space<vmem>>) attributes {dimension_semantics = [#tpu.dimension_semantics<arbitrary>], iteration_bounds = array<i64: 50>, scalar_prefetch = 0 : i64, scratch_operands = 0 : i64, tpu.core_type = #tpu.core_type<tc>, window_params = [{transform_indices = @transform_0, window_bounds = array<i64: 2, 200, 128>}, {transform_indices = @transform_1, window_bounds = array<i64: 200, 128>}, {transform_indices = @transform_2, window_bounds = array<i64: 200, 1>}, {pipeline_mode = #tpu.pipeline_mode<synchronous>, transform_indices = @transform_3, window_bounds = array<i64: 1, 128>}, {pipeline_mode = #tpu.pipeline_mode<synchronous>, transform_indices = @transform_4, window_bounds = array<i64: 128, 128>}, {transform_indices = @transform_5, window_bounds = array<i64: 200, 128>}]} {
    %get3A = arith.constant 0 : index
    %get3A_0 = arith.constant 0 : index
    %get3A_1 = vector.load %arg3[%get3A, %get3A_0] : memref<200x1xf32, #tpu.memory_space<vmem>>, vector<200x1xf32>
    %get3A_2 = arith.constant 0 : index
    %get3A_3 = arith.constant 0 : index
    %get3A_4 = arith.constant 0 : index
    %get3A_5 = vector.load %arg1[%get3A_2, %get3A_3, %get3A_4] : memref<2x200x128xf32, #tpu.memory_space<vmem>>, vector<1x200x128xf32>
    %get3A_6 = vector.shape_cast %get3A_5 : vector<1x200x128xf32> to vector<200x128xf32>
    %get3A_7 = arith.constant 1 : index
    %get3A_8 = arith.constant 0 : index
    %get3A_9 = arith.constant 0 : index
    %get3A_10 = vector.load %arg1[%get3A_7, %get3A_8, %get3A_9] : memref<2x200x128xf32, #tpu.memory_space<vmem>>, vector<1x200x128xf32>
    %get3A_11 = vector.shape_cast %get3A_10 : vector<1x200x128xf32> to vector<200x128xf32>
    %add3A = arith.addf %get3A_6, %get3A_11 : vector<200x128xf32>
    %get3A_12 = arith.constant 0 : index
    %get3A_13 = arith.constant 0 : index
    %get3A_14 = vector.load %arg2[%get3A_12, %get3A_13] : memref<200x128xf32, #tpu.memory_space<vmem>>, vector<200x128xf32>
    %add3A_15 = arith.addf %add3A, %get3A_14 : vector<200x128xf32>
    %mul3A = vector.broadcast %get3A_1 : vector<200x1xf32> to vector<200x128xf32>
    %mul3A_16 = arith.mulf %mul3A, %add3A_15 : vector<200x128xf32>
    %get3A_17 = arith.constant 0 : index
    %get3A_18 = arith.constant 0 : index
    %get3A_19 = vector.load %arg4[%get3A_17, %get3A_18] : memref<1x128xf32, #tpu.memory_space<vmem>>, vector<1x128xf32>
    %add3A_20 = vector.broadcast %get3A_19 : vector<1x128xf32> to vector<200x128xf32>
    %add3A_21 = arith.addf %mul3A_16, %add3A_20 : vector<200x128xf32>
    %max3A = arith.constant 0.000000e+00 : f32
    %max3A_22 = vector.broadcast %max3A : f32 to vector<200x128xf32>
    %max3A_23 = arith.maximumf %add3A_21, %max3A_22 : vector<200x128xf32>
    %get3A_24 = arith.constant 0 : index
    %get3A_25 = arith.constant 0 : index
    %get3A_26 = vector.load %arg5[%get3A_24, %get3A_25] : memref<128x128xf32, #tpu.memory_space<vmem>>, vector<128x128xf32>
    %dot_general3A = arith.constant dense<0.000000e+00> : vector<200x128xf32>
    %dot_general3A_27 = tpu.matmul %max3A_23, %get3A_26, %dot_general3A {dimension_numbers = #tpu.dot_dimension_numbers<[1], [0], [0], [1], [0, 0, 1, 1], [], []>, transpose_lhs_hint = false} : vector<200x128xf32>, vector<128x128xf32>, vector<200x128xf32> -> vector<200x128xf32>
    %mul3A_28 = vector.broadcast %get3A_1 : vector<200x1xf32> to vector<200x128xf32>
    %mul3A_29 = arith.mulf %mul3A_28, %dot_general3A_27 : vector<200x128xf32>
    %swap3A = arith.constant 0 : index
    %swap3A_30 = arith.constant 0 : index
    %swap3A_31 = vector.load %arg6[%swap3A, %swap3A_30] : memref<200x128xf32, #tpu.memory_space<vmem>>, vector<200x128xf32>
    tpu.vector_store %arg6[%swap3A, %swap3A_30], %mul3A_29 {strides = array<i32>} : memref<200x128xf32, #tpu.memory_space<vmem>>, vector<200x128xf32>,
    return
  }
  func.func @transform_0(%arg0: i32) -> (i32, i32, i32) {
    %c0_i32 = arith.constant 0 : i32
    %c0_i32_0 = arith.constant 0 : i32
    %c0_i32_1 = arith.constant 0 : i32
    return %c0_i32, %arg0, %c0_i32_0 : i32, i32, i32
  }
  func.func @transform_1(%arg0: i32) -> (i32, i32) {
    %c0_i32 = arith.constant 0 : i32
    %c0_i32_0 = arith.constant 0 : i32
    return %arg0, %c0_i32 : i32, i32
  }
  func.func @transform_2(%arg0: i32) -> (i32, i32) {
    %c0_i32 = arith.constant 0 : i32
    %c0_i32_0 = arith.constant 0 : i32
    return %arg0, %c0_i32 : i32, i32
  }
  func.func @transform_3(%arg0: i32) -> (i32, i32) {
    %c0_i32 = arith.constant 0 : i32
    %c0_i32_0 = arith.constant 0 : i32
    %c0_i32_1 = arith.constant 0 : i32
    return %c0_i32, %c0_i32_0 : i32, i32
  }
  func.func @transform_4(%arg0: i32) -> (i32, i32) {
    %c0_i32 = arith.constant 0 : i32
    %c0_i32_0 = arith.constant 0 : i32
    %c0_i32_1 = arith.constant 0 : i32
    return %c0_i32, %c0_i32_0 : i32, i32
  }
  func.func @transform_5(%arg0: i32) -> (i32, i32) {
    %c0_i32 = arith.constant 0 : i32
    %c0_i32_0 = arith.constant 0 : i32
    return %arg0, %c0_i32 : i32, i32
  }
}

module attributes {stable_mosaic.version = 14 : i64} {
  func.func @_final_body(%arg0: i32, %arg1: memref<2x200x128xf32, #tpu.memory_space<vmem>>, %arg2: memref<200x128xf32, #tpu.memory_space<vmem>>, %arg3: memref<200x1xf32, #tpu.memory_space<vmem>>, %arg4: memref<1x32xf32, #tpu.memory_space<vmem>>, %arg5: memref<200x32xf32, #tpu.memory_space<vmem>>) attributes {dimension_semantics = [#tpu.dimension_semantics<arbitrary>], iteration_bounds = array<i64: 50>, scalar_prefetch = 0 : i64, scratch_operands = 0 : i64, tpu.core_type = #tpu.core_type<tc>, window_params = [{transform_indices = @transform_0, window_bounds = array<i64: 2, 200, 128>}, {transform_indices = @transform_1, window_bounds = array<i64: 200, 128>}, {transform_indices = @transform_2, window_bounds = array<i64: 200, 1>}, {pipeline_mode = #tpu.pipeline_mode<synchronous>, transform_indices = @transform_3, window_bounds = array<i64: 1, 32>}, {transform_indices = @transform_4, window_bounds = array<i64: 200, 32>}]} {
    %get3A = arith.constant 0 : index
    %get3A_0 = arith.constant 0 : index
    %get3A_1 = vector.load %arg3[%get3A, %get3A_0] : memref<200x1xf32, #tpu.memory_space<vmem>>, vector<200x1xf32>
    %get3A_2 = arith.constant 0 : index
    %get3A_3 = arith.constant 0 : index
    %get3A_4 = arith.constant 0 : index
    %get3A_5 = vector.load %arg1[%get3A_2, %get3A_3, %get3A_4] : memref<2x200x128xf32, #tpu.memory_space<vmem>>, vector<1x200x128xf32>
    %get3A_6 = vector.shape_cast %get3A_5 : vector<1x200x128xf32> to vector<200x128xf32>
    %get3A_7 = arith.constant 1 : index
    %get3A_8 = arith.constant 0 : index
    %get3A_9 = arith.constant 0 : index
    %get3A_10 = vector.load %arg1[%get3A_7, %get3A_8, %get3A_9] : memref<2x200x128xf32, #tpu.memory_space<vmem>>, vector<1x200x128xf32>
    %get3A_11 = vector.shape_cast %get3A_10 : vector<1x200x128xf32> to vector<200x128xf32>
    %add3A = arith.addf %get3A_6, %get3A_11 : vector<200x128xf32>
    %get3A_12 = arith.constant 0 : index
    %get3A_13 = arith.constant 0 : index
    %get3A_14 = vector.load %arg2[%get3A_12, %get3A_13] : memref<200x128xf32, #tpu.memory_space<vmem>>, vector<200x128xf32>
    %add3A_15 = arith.addf %add3A, %get3A_14 : vector<200x128xf32>
    %mul3A = vector.broadcast %get3A_1 : vector<200x1xf32> to vector<200x128xf32>
    %mul3A_16 = arith.mulf %mul3A, %add3A_15 : vector<200x128xf32>
    %slice3A = vector.extract_strided_slice %mul3A_16 {offsets = [0, 0], sizes = [200, 32], strides = [1, 1]} : vector<200x128xf32> to vector<200x32xf32>
    %get3A_17 = arith.constant 0 : index
    %get3A_18 = arith.constant 0 : index
    %get3A_19 = vector.load %arg4[%get3A_17, %get3A_18] : memref<1x32xf32, #tpu.memory_space<vmem>>, vector<1x32xf32>
    %add3A_20 = vector.broadcast %get3A_19 : vector<1x32xf32> to vector<200x32xf32>
    %add3A_21 = arith.addf %slice3A, %add3A_20 : vector<200x32xf32>
    %reduce_max3A = arith.constant dense<0xFF800000> : vector<200xf32>
    %reduce_max3A_22 = vector.multi_reduction <maximumf>, %add3A_21, %reduce_max3A [1] : vector<200x32xf32> to vector<200xf32>
    %broadcast_in_dim3A = vector.shape_cast %reduce_max3A_22 : vector<200xf32> to vector<200x1xf32>
    %sub3A = vector.broadcast %broadcast_in_dim3A : vector<200x1xf32> to vector<200x32xf32>
    %sub3A_23 = arith.subf %add3A_21, %sub3A : vector<200x32xf32>
    %exp3A = math.exp %sub3A_23 : vector<200x32xf32>
    %reduce_sum3A = arith.constant dense<0.000000e+00> : vector<200xf32>
    %reduce_sum3A_24 = vector.multi_reduction <add>, %exp3A, %reduce_sum3A [1] : vector<200x32xf32> to vector<200xf32>
    %broadcast_in_dim3A_25 = vector.shape_cast %reduce_sum3A_24 : vector<200xf32> to vector<200x1xf32>
    %log3A = math.log %broadcast_in_dim3A_25 : vector<200x1xf32>
    %add3A_26 = arith.addf %log3A, %broadcast_in_dim3A : vector<200x1xf32>
    %sub3A_27 = vector.broadcast %add3A_26 : vector<200x1xf32> to vector<200x32xf32>
    %sub3A_28 = arith.subf %add3A_21, %sub3A_27 : vector<200x32xf32>
    %swap3A = arith.constant 0 : index
    %swap3A_29 = arith.constant 0 : index
    %swap3A_30 = vector.load %arg5[%swap3A, %swap3A_29] : memref<200x32xf32, #tpu.memory_space<vmem>>, vector<200x32xf32>
    tpu.vector_store %arg5[%swap3A, %swap3A_29], %sub3A_28 {strides = array<i32>} : memref<200x32xf32, #tpu.memory_space<vmem>>, vector<200x32xf32>,
    return
  }
  func.func @transform_0(%arg0: i32) -> (i32, i32, i32) {
    %c0_i32 = arith.constant 0 : i32
    %c0_i32_0 = arith.constant 0 : i32
    %c0_i32_1 = arith.constant 0 : i32
    return %c0_i32, %arg0, %c0_i32_0 : i32, i32, i32
  }
  func.func @transform_1(%arg0: i32) -> (i32, i32) {
    %c0_i32 = arith.constant 0 : i32
    %c0_i32_0 = arith.constant 0 : i32
    return %arg0, %c0_i32 : i32, i32
  }
  func.func @transform_2(%arg0: i32) -> (i32, i32) {
    %c0_i32 = arith.constant 0 : i32
    %c0_i32_0 = arith.constant 0 : i32
    return %arg0, %c0_i32 : i32, i32
  }
  func.func @transform_3(%arg0: i32) -> (i32, i32) {
    %c0_i32 = arith.constant 0 : i32
    %c0_i32_0 = arith.constant 0 : i32
    %c0_i32_1 = arith.constant 0 : i32
    return %c0_i32, %c0_i32_0 : i32, i32
  }
  func.func @transform_4(%arg0: i32) -> (i32, i32) {
    %c0_i32 = arith.constant 0 : i32
    %c0_i32_0 = arith.constant 0 : i32
    return %arg0, %c0_i32 : i32, i32
  }
}

</mosaic_0001>

<sc_bundles>
// kernel: kernel.11.cloned.1.call-start
scs
__scs_entry_jumppad:
0x0: {  	(pc) =	sbr.rel $0x88, $3  }
0x1: {  	(tag) =	ssettag $0x0;
	lr =	simm.s32 $0x1  }
0x2: {  	[smem:$0x3F99] =	sst lr;
	_ =	strace $0xD0000000  }
0x3: {  	_ = 	snop  }
0x4: {  	_ = 	snop  }
0x5: {  	_ = 	snop  }
0x6: {  	_ = 	snop  }
0x7: {  	_ = 	snop  }
__scs_overlays_trampoline_lowered:
0x8: {  	[smem:$0x3FA8] =	sst s0  }
0x9: {  	[smem:$0x3FA9] =	sst s1  }
0xa: {  	[smem:$0x3FAA] =	sst s2  }
0xb: {  	[smem:$0x3FAB] =	sst s3  }
0xc: {  	[smem:$0x3FAC] =	sst s4  }
0xd: {  	[smem:$0x3FAD] =	sst s5  }
0xe: {  	[smem:$0x3FAE] =	sst s6  }
0xf: {  	[smem:$0x3FAF] =	sst s7  }
0x10: {  	[smem:$0x3FB0] =	sst s8  }
0x11: {  	[smem:$0x3FB1] =	sst s9;
	s0 =	simm.s32 @!p0 $0x0  }
0x12: {  	s1 =	sld [smem:$0x3F97];
	s0 =	simm.s32 @p0 $0x1  }
0x13: {  	[smem:$0x3FB2] =	sst s0;
	s0 =	simm.s32 @!p1 $0x0  }
0x14: {  	s2 =	sld [smem:$0x3F96];
	s0 =	simm.s32 @p1 $0x1  }
0x15: {  	[smem:$0x3FB3] =	sst s0;
	s0 =	simm.s32 @!p2 $0x0  }
0x16: {  	s3 =	sld [smem:$0x3FDB];
	s0 =	simm.s32 @p2 $0x1  }
0x17: {  	s4 =	simm.s32 $0x1BF5;
	[smem:$0x3FB5] =	sst s0  }
0x18: {  	s0 =	sld [smem:$0x3F98];
	_ =	swait.ge [sflag:s4], $0x0  }
0x19: {  	s7 =	sld [smem:$0x3F99]  }
0x1a: {  	s8 =	sadd.s32 $0xFFFFE003, lr  }
0x1b: {  	s9 =	sadd.s32 $0xFFFFFEF7, lr;
	s5 =	simm.s32 $0xFFFFFFFF;
	p2 =	slt.u32 s8, $0xFFFFF086  }
0x1c: {  	p1 =	slt.u32 s9, $0xF7A;
	s5 =	simm.s32 @!p2 $0x0  }
0x1d: {  	s5 =	simm.s32 @p1 $0x1;
	p0 =	seq.s32 s7, s2  }
0x1e: {  	s7 =	smul.u32 @!p0 $0xF7A, s2;
	p2 =	seq.s32 @!p0 s5, $0x0  }
0x1f: {  	s9 =	smul.u32 $0xF7A, s1;
	s8 =	simm.s32 @!p0 $0x1BF5;
	p2 =	por !p2, p0  }
0x20: {  	[sflag:s8] =	ssyncset.s32 @!p0 $0xFFFFF086;
	s6 =	sadd.s32 @!p0 s3, s7;
	s7 =	simm.s32 @!p0 $0x108  }
0x21: {  	s3 =	sadd.s32 s3, s9;
	s6 =	sadd.s32 @!p0 $0x88, s6;
	s7 =	simm.s32 @p2 $0x1082  }
0x22: {  	[simem:s7], [sflag:s8] =	dma.local @!p0 [hbm:s6], $0xF7A  }
0x23: {  	s9 =	sor.u32 $0xD0000000, s2;
	s6 =	simm.s32 $0x108;
	_ =	swait.ge @!p0 [sflag:s8], $0x0  }
0x24: {  	s3 =	sadd.s32 $0x88, s3;
	s6 =	simm.s32 @!p1 $0x1082;
	[sflag:s4] =	ssyncset.s32 $0xFFFFF086  }
0x25: {  	[simem:s6], [sflag:s4] =	dma.local [hbm:s3], $0xF7A  }
0x26: {  	[smem:$0x3F99] =	sst s1;
	(tag) =	ssettag s2;
	_ =	strace s9  }
0x27: {  	s1 =	sld [smem:$0x3FA9]  }
0x28: {  	s2 =	sld [smem:$0x3FAA]  }
0x29: {  	s4 =	sld [smem:$0x3FAC]  }
0x2a: {  	p0 =	seq.s32 s5, $0x0;
	s5 =	sld [smem:$0x3FAD]  }
0x2b: {  	s6 =	sld [smem:$0x3FAE]  }
0x2c: {  	s7 =	sld [smem:$0x3FAF]  }
0x2d: {  	s3 =	simm.s32 $0x108;
	s8 =	sld [smem:$0x3FB0]  }
0x2e: {  	s3 =	simm.s32 @!p0 $0x1082;
	s9 =	sld [smem:$0x3FB1]  }
0x2f: {  	lr =	sadd.s32 s0, s3;
	s0 =	sld [smem:$0x3FA8]  }
0x30: {  	s3 =	sld [smem:$0x3FAB]  }
0x31: {  	[smem:$0x3FB4] =	sst s10  }
0x32: {  	s10 =	sld [smem:$0x3FB2];
	_ =	sdelay $0x3  }
0x33: {  	p0 =	seq.s32 s10, $0x1;
	s10 =	sld [smem:$0x3FB4];
	_ =	sdelay $0x3  }
0x34: {  	[smem:$0x3FB4] =	sst s10  }
0x35: {  	s10 =	sld [smem:$0x3FB3];
	_ =	sdelay $0x3  }
0x36: {  	p1 =	seq.s32 s10, $0x1;
	s10 =	sld [smem:$0x3FB4];
	_ =	sdelay $0x3  }
0x37: {  	[smem:$0x3FB4] =	sst s10  }
0x38: {  	s10 =	sld [smem:$0x3FB5]  }
0x39: {  	_ = 	snop;
	(pc) =	sbr.ind lr, $3  }
0x3a: {  	_ = 	snop  }
0x3b: {  	_ = 	snop  }
0x3c: {  	p2 =	seq.s32 s10, $0x1;
	s10 =	sld [smem:$0x3FB4]  }
0x3d: {  	_ =	shalt  }
0x3e: {  	_ =	shalt  }
0x3f: {  	_ =	shalt  }
0x40: {  	_ =	shalt  }
0x41: {  	_ =	shalt  }
0x42: {  	_ =	shalt  }
0x43: {  	_ =	shalt  }
0x44: {  	_ =	shalt  }
0x45: {  	_ =	shalt  }
0x46: {  	_ =	shalt  }
0x47: {  	_ =	shalt  }
0x48: {  	_ =	shalt  }
0x49: {  	_ =	shalt  }
0x4a: {  	_ =	shalt  }
0x4b: {  	_ =	shalt  }
0x4c: {  	_ =	shalt  }
0x4d: {  	_ =	shalt  }
0x4e: {  	_ =	shalt  }
0x4f: {  	_ =	shalt  }
0x50: {  	_ =	shalt  }
0x51: {  	_ =	shalt  }
0x52: {  	_ =	shalt  }
0x53: {  	_ =	shalt  }
0x54: {  	_ =	shalt  }
0x55: {  	_ =	shalt  }
0x56: {  	_ =	shalt  }
0x57: {  	_ =	shalt  }
0x58: {  	_ =	shalt  }
0x59: {  	_ =	shalt  }
0x5a: {  	_ =	shalt  }
0x5b: {  	_ =	shalt  }
0x5c: {  	_ =	shalt  }
0x5d: {  	_ =	shalt  }
0x5e: {  	_ =	shalt  }
0x5f: {  	_ =	shalt  }
0x60: {  	_ =	shalt  }
0x61: {  	_ =	shalt  }
0x62: {  	_ =	shalt  }
0x63: {  	_ =	shalt  }
0x64: {  	_ =	shalt  }
0x65: {  	_ =	shalt  }
0x66: {  	_ =	shalt  }
0x67: {  	_ =	shalt  }
0x68: {  	_ =	shalt  }
0x69: {  	_ =	shalt  }
0x6a: {  	_ =	shalt  }
0x6b: {  	_ =	shalt  }
0x6c: {  	_ =	shalt  }
0x6d: {  	_ =	shalt  }
0x6e: {  	_ =	shalt  }
0x6f: {  	_ =	shalt  }
0x70: {  	_ =	shalt  }
0x71: {  	_ =	shalt  }
0x72: {  	_ =	shalt  }
0x73: {  	_ =	shalt  }
0x74: {  	_ =	shalt  }
0x75: {  	_ =	shalt  }
0x76: {  	_ =	shalt  }
0x77: {  	_ =	shalt  }
0x78: {  	_ =	shalt  }
0x79: {  	_ =	shalt  }
0x7a: {  	_ =	shalt  }
0x7b: {  	_ =	shalt  }
0x7c: {  	_ =	shalt  }
0x7d: {  	_ =	shalt  }
0x7e: {  	_ =	shalt  }
0x7f: {  	_ =	shalt  }
0x80: {  	_ =	shalt  }
0x81: {  	_ =	shalt  }
0x82: {  	_ =	shalt  }
0x83: {  	_ =	shalt  }
0x84: {  	_ =	shalt  }
0x85: {  	_ =	shalt  }
0x86: {  	_ =	shalt  }
0x87: {  	_ =	shalt  }
.Lfunc_end0:
.L_simem_size_0:
called_computation_lowered:
.L_overlay_start_0:
0x88: {  	s2 =	sld [smem:$0x3FD9]  }
0x89: {  	s3 =	sld [smem:$0x3FFE];
	_ =	sdelay $0x1  }
0x8a: {  	s1 =	srdreg.scid  }
0x8b: {  	s0 =	sand.u32 $0x1, s1  }
0x8c: {  	s17 =	sshll.u32 s0, $0xA;
	s2 =	sadd.s32 s3, s2  }
0x8d: {  	s2 =	sadd.s32 s2, s17  }
0x8e: {  	[smem:$0x3FC0] =	sst s2  }
0x8f: {  	_ = 	snop  }
0x90: {  	s2 =	sld [smem:$0x3FD0];
	(tm) =	ssettm $0x1  }
0x91: {  	s18 =	sld [smem:$0x3FFB];
	_ =	sdelay $0x3  }
0x92: {  	_ =	strace s18  }
0x93: {  	s3 =	sld [smem:$0x3FFC];
	_ =	sdelay $0x3  }
0x94: {  	_ =	strace s3  }
0x95: {  	s3 =	sld [smem:$0x3FFD];
	_ =	sdelay $0x3  }
0x96: {  	_ =	strace s3  }
0x97: {  	_ =	strace $0x8FFFFFFF  }
0x98: {  	s19 =	sld [smem:$0x3FDB];
	_ =	sdelay $0x1  }
0x99: {  	s4 =	simm.s32 $_scs_section_size  }
0x9a: {  	s5 =	simm.s32 $_size__tile_overlayer_lowered;
	s6 =	simm.s32 $_tile_overlayer_lowered  }
0x9b: {  	s22 =	simm.s32 $0x1BFF;
	s21 =	sshll.u32 s6, $0x1;
	s3 =	sadd.s32 s4, s19  }
0x9c: {  	s7 =	simm.s32 $0x0;
	s20 =	sshll.u32 s5, $0x1;
	s5 =	sadd.s32 s21, s3  }
0x9d: {  	[timem:s7], [sflag:s22] =	dma.local [hbm:s5], s20  }
0x9e: {  	_ =	swait.ge [sflag:s22], s20  }
0x9f: {  	s4 =	ssub.s32 $0x0, s20;
	[sflag:s22] =	ssyncset.done $0x0  }
0xa0: {  	[sflag:s22] =	ssyncadd.s32 s4;
	_ =	sdelay $0x1  }
0xa1: {  	s23 =	simm.s32 $0x1B8B  }
0xa2: {  	_ =	swait.ge [sflag:s23], $0x1  }
0xa3: {  	[sflag:s23] =	ssyncset.done $0x0  }
0xa4: {  	s25 =	simm.s32 $0x1B8E;
	s24 =	sld [smem:$0x3FFE];
	[sflag:s23] =	ssyncadd.s32 $0xFFFFFFFF  }
0xa5: {  	s26 =	simm.s32 $execute0_lowered;
	[smem:$0x3FD2] =	sst s25  }
0xa6: {  	s5 =	sshll.u32 s26, $0x1;
	_ =	strace $0x80000046;
	[dreg:$0x1] =	wrdreg $0xFFFFFFFF  }
0xa7: {  	s28 =	simm.s32 $_size_execute0_lowered;
	s3 =	sadd.s32 s3, s5;
	[dreg:$0x0] =	wrdreg $0x0  }
0xa8: {  	s5 =	sshll.u32 s28, $0x1;
	[dreg:$0x2] =	wrdreg s3  }
0xa9: {  	[dreg:$0x3] =	wrdreg s5  }
0xaa: {  	[dreg:$0x4] =	wrdreg $0xC0  }
0xab: {  	_ =	task [dreg:s7], $0x5FFFF  }
0xac: {  	[dreg:$0x1] =	wrdreg $0xFFFFFFFF  }
0xad: {  	[dreg:$0x0] =	wrdreg $0x60  }
0xae: {  	[dreg:$0x2] =	wrdreg s24  }
0xaf: {  	[dreg:$0x3] =	wrdreg s2  }
0xb0: {  	[dreg:$0x4] =	wrdreg $0x80800  }
0xb1: {  	[dreg:$0x5] =	wrdreg $0x9  }
0xb2: {  	_ =	task.clear_ibuf [dreg:s7], $0x6FFFF;
	_ =	strace $0x90000046  }
0xb3: {  	s29 =	simm.s32 $0x9;
	_ =	strace $0x80000048  }
0xb4: {  	_ =	swait.ge [sflag:s29], $0x1  }
0xb5: {  	[sflag:s29] =	ssyncadd.s32 $0xFFFFFFFF  }
0xb6: {  	_ =	strace $0x90000048  }
0xb7: {  	_ =	sfence  }
0xb8: {  	s30 =	sld [smem:$0x0];
	_ =	sdelay $0x2  }
0xb9: {  	s31 =	sshll.u32 s1, $0xD;
	s1 =	sshrl.u32 s1, $0x2  }
0xba: {  	s3 =	sand.u32 $0x4000, s31;
	s1 =	sadd.s32 s1, s30  }
0xbb: {  	s0 =	sor.u32 s3, s0;
	s1 =	sshll.u32 s1, $0x11  }
0xbc: {  	s0 =	sor.u32 s1, s0  }
0xbd: {  	s0 =	sadd.s32 $0x8F2B, s0  }
0xbe: {  	[sflag:s0] =	ssyncadd.remote.s32 $0x1  }
0xbf: {  	_ =	sfence.sel $0xFFFF  }
0xc0: {  	[dreg:$0x0] =	wrdreg $0xFFFFFFFF;
	(pc) =	sbr.abs _section_cstart, $3  }
0xc1: {  	[dreg:$0x1] =	wrdreg $0xFFFFFFFF  }
0xc2: {  	_ =	task.clear_ibuf [dreg:s7], $0x2FFFF;
	_ =	strace $0x9FFFFFFF  }
0xc3: {  	(tm) =	ssettm $0x7FFFFFFF  }
tec
execute0_lowered:
.L_overlay_start_1:
0x0: {  	(tag) =	ssettag $0x1  }
0x1: {  	s6 =	rddreg [dreg:$0x0]  }
0x2: {  	s1 =	rddreg [dreg:$0x1]  }
0x3: {  	s2 =	rddreg [dreg:$0x2];
	s4 =	srdreg.scid  }
0x4: {  	s0 =	rddreg [dreg:$0x3];
	s8 =	sand.u32 $0x1, s4  }
0x5: {  	s3 =	simm.s32 $0x0;
	s4 =	stileid.u32;
	s5 =	smul.u32 $0x5000, s8  }
0x6: {  	s21 =	simm.s32 $0x1;
	s22 =	simm.s32 $0x0;
	s10 =	smul.u32 $0x280, s4  }
0x7: {  	[smem:$0x7FF] =	sst s3;
	s11 =	sadd.s32 $0xD000, s6;
	s18 =	smul.u32 $0x140000, s8  }
0x8: {  	s15 =	sadd.s32 $0xDE00, s6;
	s24 =	ssub.s32 $0x2, s8;
	s19 =	smul.u32 $0x14000, s4  }
0x9: {  	_ =	strace $0x80000047;
	s31 =	smul.u32 $0x500, s4;
	s7 =	sshrl.u32 s24, $0x1  }
0xa: {  	s17 =	sadd.s32 s5, s6;
	s5 =	sadd.s32 $0xD600, s6;
	s12 =	sadd.s32 $0x80, s10  }
0xb: {  	s9 =	sshrl.u32 s10, $0x3;
	s16 =	ssub.s32 s24, s7;
	s25 =	sadd.s32 $0x100, s10  }
0xc: {  	s14 =	sadd.s32 $0x180, s10;
	s20 =	sadd.s32 $0x200, s10;
	s19 =	sadd.s32 s19, s18  }
0xd: {  	s13 =	sshrl.u32 s12, $0x3;
	s6 =	sadd.s32 s11, s9;
	s26 =	sshrl.u32 s25, $0x3  }
0xe: {  	s28 =	sshrl.u32 s14, $0x3;
	s10 =	sshrl.u32 s20, $0x3;
	s12 =	sshll.u32 s12, $0x7  }
0xf: {  	s29 =	sshrl.u32 s19, $0x3;
	s14 =	sshll.u32 s14, $0x7;
	s30 =	sshll.u32 s20, $0x7  }
0x10: {  	s16 =	smax.u32 s16, $0x1;
	s17 =	sadd.s32 s31, s17;
	s19 =	simm.s32 $0x2  }
0x11: {  	s20 =	simm.s32 $0x80;
	s7 =	sadd.s32 s11, s13;
	s8 =	sadd.s32 s11, s26  }
0x12: {  	s9 =	sadd.s32 s11, s28;
	s10 =	sadd.s32 s11, s10;
	s12 =	sadd.s32 s18, s12  }
0x13: {  	s11 =	sadd.s32 s15, s29;
	s13 =	sshll.u32 s25, $0x7;
	s14 =	sadd.s32 s18, s14  }
0x14: {  	s17 =	sadd.s32 $0x3000, s17;
	s12 =	sshrl.u32 s12, $0x3;
	s13 =	sadd.s32 s18, s13  }
0x15: {  	s14 =	sshrl.u32 s14, $0x3;
	s18 =	sadd.s32 s18, s30;
	s12 =	sadd.s32 s15, s12  }
0x16: {  	s13 =	sshrl.u32 s13, $0x3;
	s14 =	sadd.s32 s15, s14;
	s18 =	sshrl.u32 s18, $0x3  }
0x17: {  	s13 =	sadd.s32 s15, s13;
	s15 =	sadd.s32 s15, s18;
	s18 =	simm.s32 $0x4080  }
.LBB2_1:
0x18: {  	[tilespmem:s18], [sflag:$0x2] =	stream.linear.gather [hbm4b:s5+s3], $0x4000, $0x38;
	[tilespmem:$0x1C080] =	vst v63  }
0x19: {  	_ =	swait.ge [sflag:s19], $0x4000  }
0x1a: {  	[sflag:s19] =	ssyncset.done $0x0  }
0x1b: {  	[sflag:s19] =	ssyncadd.s32 $0xFFFFC000  }
0x1c: {  	[tilespmem:s20], [sflag:$0x2] =	stream.linear.gather [hbm4b:s1+s3], $0x4000, $0x38;
	[tilespmem:$0x1C080] =	vst v63  }
0x1d: {  	_ =	swait.ge [sflag:s19], $0x4000  }
0x1e: {  	[sflag:s19] =	ssyncset.done $0x0  }
0x1f: {  	[sflag:s19] =	ssyncadd.s32 $0xFFFFC000  }
0x20: {  	[tilespmem:s3], [sflag:$0x2] =	stream.linear.gather [hbm4b:s6+s3], $0x80, $0x38;
	[tilespmem:$0x1C080] =	vst v63  }
0x21: {  	_ =	swait.ge [sflag:s19], $0x80  }
0x22: {  	[sflag:s19] =	ssyncset.done $0x0  }
0x23: {  	[sflag:s19] =	ssyncadd.s32 $0xFFFFFF80  }
0x24: {  	[spmem:s2] =	stream.indirect.scatter [tilespmem:s18], [sflag:$0x2], $0x80, s3, s20, $0xb8;
	[tilespmem:$0x1C080] =	vst v63  }
0x25: {  	_ =	swait.ge [sflag:s19], $0x4000  }
0x26: {  	[sflag:s19] =	ssyncset.done $0x0  }
0x27: {  	[sflag:s19] =	ssyncadd.s32 $0xFFFFC000  }
0x28: {  	[tilespmem:s3], [sflag:$0x2] =	stream.linear.gather [hbm4b:s7+s3], $0x80, $0x38;
	[tilespmem:$0x1C080] =	vst v63  }
0x29: {  	_ =	swait.ge [sflag:s19], $0x80  }
0x2a: {  	[sflag:s19] =	ssyncset.done $0x0  }
0x2b: {  	[sflag:s19] =	ssyncadd.s32 $0xFFFFFF80  }
0x2c: {  	[spmem:s2] =	stream.indirect.scatter [tilespmem:s18], [sflag:$0x2], $0x80, s3, s20, $0xb8;
	[tilespmem:$0x1C080] =	vst v63  }
0x2d: {  	_ =	swait.ge [sflag:s19], $0x4000  }
0x2e: {  	[sflag:s19] =	ssyncset.done $0x0  }
0x2f: {  	[sflag:s19] =	ssyncadd.s32 $0xFFFFC000  }
0x30: {  	[tilespmem:s3], [sflag:$0x2] =	stream.linear.gather [hbm4b:s8+s3], $0x80, $0x38;
	[tilespmem:$0x1C080] =	vst v63  }
0x31: {  	_ =	swait.ge [sflag:s19], $0x80  }
0x32: {  	[sflag:s19] =	ssyncset.done $0x0  }
0x33: {  	[sflag:s19] =	ssyncadd.s32 $0xFFFFFF80  }
0x34: {  	[spmem:s2] =	stream.indirect.scatter [tilespmem:s18], [sflag:$0x2], $0x80, s3, s20, $0xb8;
	[tilespmem:$0x1C080] =	vst v63  }
0x35: {  	_ =	swait.ge [sflag:s19], $0x4000  }
0x36: {  	[sflag:s19] =	ssyncset.done $0x0  }
0x37: {  	[sflag:s19] =	ssyncadd.s32 $0xFFFFC000  }
0x38: {  	[tilespmem:s3], [sflag:$0x2] =	stream.linear.gather [hbm4b:s9+s3], $0x80, $0x38;
	[tilespmem:$0x1C080] =	vst v63  }
0x39: {  	_ =	swait.ge [sflag:s19], $0x80  }
0x3a: {  	[sflag:s19] =	ssyncset.done $0x0  }
0x3b: {  	[sflag:s19] =	ssyncadd.s32 $0xFFFFFF80  }
0x3c: {  	[spmem:s2] =	stream.indirect.scatter [tilespmem:s18], [sflag:$0x2], $0x80, s3, s20, $0xb8;
	[tilespmem:$0x1C080] =	vst v63  }
0x3d: {  	_ =	swait.ge [sflag:s19], $0x4000  }
0x3e: {  	[sflag:s19] =	ssyncset.done $0x0  }
0x3f: {  	[sflag:s19] =	ssyncadd.s32 $0xFFFFC000  }
0x40: {  	[tilespmem:s3], [sflag:$0x2] =	stream.linear.gather [hbm4b:s10+s3], $0x80, $0x38;
	[tilespmem:$0x1C080] =	vst v63  }
0x41: {  	_ =	swait.ge [sflag:s19], $0x80  }
0x42: {  	[sflag:s19] =	ssyncset.done $0x0  }
0x43: {  	[sflag:s19] =	ssyncadd.s32 $0xFFFFFF80  }
0x44: {  	[spmem:s2] =	stream.indirect.scatter [tilespmem:s18], [sflag:$0x2], $0x80, s3, s20, $0xb8;
	[tilespmem:$0x1C080] =	vst v63  }
0x45: {  	_ =	swait.ge [sflag:s19], $0x4000  }
0x46: {  	[sflag:s19] =	ssyncset.done $0x0  }
0x47: {  	[sflag:s19] =	ssyncadd.s32 $0xFFFFC000  }
0x48: {  	s23 =	sadd.s32 $0x0, s17;
	[bflag:$0x0] =	sbarrier.arrive $0xFFFF  }
0x49: {  	[tilespmem:s3], [sflag:$0x2] =	stream.linear.gather [hbm4b:s23+s3], $0x80, $0x38;
	[tilespmem:$0x1C080] =	vst v63  }
0x4a: {  	_ =	swait.ge [sflag:s19], $0x80  }
0x4b: {  	[sflag:s19] =	ssyncset.done $0x0  }
0x4c: {  	[sflag:s19] =	ssyncadd.s32 $0xFFFFFF80  }
0x4d: {  	[spmem:s2] =	stream.indirect.scatter.add.f32 [tilespmem:s20], [sflag:$0x2], $0x80, s3, s20, $0xb8;
	[tilespmem:$0x1C080] =	vst v63  }
0x4e: {  	_ =	swait.ge [sflag:s19], $0x4000  }
0x4f: {  	s24 =	simm.s32 $0x20;
	s23 =	simm.s32 $0x10;
	[sflag:s19] =	ssyncset.done $0x0  }
.LBB2_2:
0x50: {  	s25 =	sadd.s32 s23, s17  }
0x51: {  	[sflag:s19] =	ssyncadd.s32 $0xFFFFC000;
	s23 =	smov.u32 s24;
	s26 =	sadd.s32 $0x10, s24  }
0x52: {  	[tilespmem:s3], [sflag:$0x2] =	stream.linear.gather [hbm4b:s25+s3], $0x80, $0x38;
	[tilespmem:$0x1C080] =	vst v63  }
0x53: {  	p0 =	sne.s32 s24, $0x4F0;
	_ =	swait.ge [sflag:s19], $0x80  }
.Ltmp0:
0x54: {  	[sflag:s19] =	ssyncset.done $0x0;
	(pc) =	sbr.rel @p0 .LBB2_2-.Ltmp0, $4  }
0x55: {  	[sflag:s19] =	ssyncadd.s32 $0xFFFFFF80  }
0x56: {  	[spmem:s2] =	stream.indirect.scatter.add.f32 [tilespmem:s20], [sflag:$0x2], $0x80, s3, s20, $0xb8;
	[tilespmem:$0x1C080] =	vst v63  }
0x57: {  	_ =	swait.ge [sflag:s19], $0x4000  }
0x58: {  	s24 =	smov.u32 s26;
	[sflag:s19] =	ssyncset.done $0x0  }
0x59: {  	s23 =	sadd.s32 s23, s17;
	[sflag:s19] =	ssyncadd.s32 $0xFFFFC000  }
0x5a: {  	[tilespmem:s3], [sflag:$0x2] =	stream.linear.gather [hbm4b:s23+s3], $0x80, $0x38;
	[tilespmem:$0x1C080] =	vst v63  }
0x5b: {  	_ =	swait.ge [sflag:s19], $0x80  }
0x5c: {  	[sflag:s19] =	ssyncset.done $0x0  }
0x5d: {  	[sflag:s19] =	ssyncadd.s32 $0xFFFFFF80  }
0x5e: {  	[spmem:s2] =	stream.indirect.scatter.add.f32 [tilespmem:s20], [sflag:$0x2], $0x80, s3, s20, $0xb8;
	[tilespmem:$0x1C080] =	vst v63  }
0x5f: {  	_ =	swait.ge [sflag:s19], $0x4000  }
0x60: {  	[sflag:s19] =	ssyncset.done $0x0  }
0x61: {  	[sflag:s19] =	ssyncadd.s32 $0xFFFFC000  }
0x62: {  	[bflag:$0x0] =	sbarrier.arrive $0xFFFF  }
0x63: {  	[tilespmem:s3], [sflag:$0x2] =	stream.linear.gather [hbm4b:s6+s3], $0x80, $0x38;
	[tilespmem:$0x1C080] =	vst v63  }
0x64: {  	_ =	swait.ge [sflag:s19], $0x80  }
0x65: {  	[sflag:s19] =	ssyncset.done $0x0  }
0x66: {  	[sflag:s19] =	ssyncadd.s32 $0xFFFFFF80  }
0x67: {  	[tilespmem:s18], [sflag:$0x1] =	stream.indirect.gather [spmem:s2], $0x80, s3, s20, $0xb8;
	[tilespmem:$0x1C080] =	vst v63  }
0x68: {  	_ =	swait.ge [sflag:s21], $0x4000  }
0x69: {  	[sflag:s21] =	ssyncset.done $0x0  }
0x6a: {  	[sflag:s21] =	ssyncadd.s32 $0xFFFFC000  }
0x6b: {  	[hbm4b:s11+s3] =	stream.linear.scatter [tilespmem:s18], [sflag:$0x2], $0x4000, $0x38;
	[tilespmem:$0x1C080] =	vst v63  }
0x6c: {  	_ =	swait.ge [sflag:s19], $0x4000  }
0x6d: {  	[sflag:s19] =	ssyncset.done $0x0  }
0x6e: {  	[sflag:s19] =	ssyncadd.s32 $0xFFFFC000  }
0x6f: {  	[tilespmem:s3], [sflag:$0x2] =	stream.linear.gather [hbm4b:s7+s3], $0x80, $0x38;
	[tilespmem:$0x1C080] =	vst v63  }
0x70: {  	_ =	swait.ge [sflag:s19], $0x80  }
0x71: {  	[sflag:s19] =	ssyncset.done $0x0  }
0x72: {  	[sflag:s19] =	ssyncadd.s32 $0xFFFFFF80  }
0x73: {  	[tilespmem:s18], [sflag:$0x1] =	stream.indirect.gather [spmem:s2], $0x80, s3, s20, $0xb8;
	[tilespmem:$0x1C080] =	vst v63  }
0x74: {  	_ =	swait.ge [sflag:s21], $0x4000  }
0x75: {  	[sflag:s21] =	ssyncset.done $0x0  }
0x76: {  	[sflag:s21] =	ssyncadd.s32 $0xFFFFC000  }
0x77: {  	[hbm4b:s12+s3] =	stream.linear.scatter [tilespmem:s18], [sflag:$0x2], $0x4000, $0x38;
	[tilespmem:$0x1C080] =	vst v63  }
0x78: {  	_ =	swait.ge [sflag:s19], $0x4000  }
0x79: {  	[sflag:s19] =	ssyncset.done $0x0  }
0x7a: {  	[sflag:s19] =	ssyncadd.s32 $0xFFFFC000  }
0x7b: {  	[tilespmem:s3], [sflag:$0x2] =	stream.linear.gather [hbm4b:s8+s3], $0x80, $0x38;
	[tilespmem:$0x1C080] =	vst v63  }
0x7c: {  	_ =	swait.ge [sflag:s19], $0x80  }
0x7d: {  	[sflag:s19] =	ssyncset.done $0x0  }
0x7e: {  	[sflag:s19] =	ssyncadd.s32 $0xFFFFFF80  }
0x7f: {  	[tilespmem:s18], [sflag:$0x1] =	stream.indirect.gather [spmem:s2], $0x80, s3, s20, $0xb8;
	[tilespmem:$0x1C080] =	vst v63  }
0x80: {  	_ =	swait.ge [sflag:s21], $0x4000  }
0x81: {  	[sflag:s21] =	ssyncset.done $0x0  }
0x82: {  	[sflag:s21] =	ssyncadd.s32 $0xFFFFC000  }
0x83: {  	[hbm4b:s13+s3] =	stream.linear.scatter [tilespmem:s18], [sflag:$0x2], $0x4000, $0x38;
	[tilespmem:$0x1C080] =	vst v63  }
0x84: {  	_ =	swait.ge [sflag:s19], $0x4000  }
0x85: {  	[sflag:s19] =	ssyncset.done $0x0  }
0x86: {  	[sflag:s19] =	ssyncadd.s32 $0xFFFFC000  }
0x87: {  	[tilespmem:s3], [sflag:$0x2] =	stream.linear.gather [hbm4b:s9+s3], $0x80, $0x38;
	[tilespmem:$0x1C080] =	vst v63  }
0x88: {  	_ =	swait.ge [sflag:s19], $0x80  }
0x89: {  	[sflag:s19] =	ssyncset.done $0x0  }
0x8a: {  	[sflag:s19] =	ssyncadd.s32 $0xFFFFFF80  }
0x8b: {  	[tilespmem:s18], [sflag:$0x1] =	stream.indirect.gather [spmem:s2], $0x80, s3, s20, $0xb8;
	[tilespmem:$0x1C080] =	vst v63  }
0x8c: {  	_ =	swait.ge [sflag:s21], $0x4000  }
0x8d: {  	[sflag:s21] =	ssyncset.done $0x0  }
0x8e: {  	[sflag:s21] =	ssyncadd.s32 $0xFFFFC000  }
0x8f: {  	[hbm4b:s14+s3] =	stream.linear.scatter [tilespmem:s18], [sflag:$0x2], $0x4000, $0x38;
	[tilespmem:$0x1C080] =	vst v63  }
0x90: {  	_ =	swait.ge [sflag:s19], $0x4000  }
0x91: {  	[sflag:s19] =	ssyncset.done $0x0  }
0x92: {  	[sflag:s19] =	ssyncadd.s32 $0xFFFFC000  }
0x93: {  	[tilespmem:s3], [sflag:$0x2] =	stream.linear.gather [hbm4b:s10+s3], $0x80, $0x38;
	[tilespmem:$0x1C080] =	vst v63  }
0x94: {  	_ =	swait.ge [sflag:s19], $0x80  }
0x95: {  	[sflag:s19] =	ssyncset.done $0x0  }
0x96: {  	[sflag:s19] =	ssyncadd.s32 $0xFFFFFF80  }
0x97: {  	[tilespmem:s18], [sflag:$0x1] =	stream.indirect.gather [spmem:s2], $0x80, s3, s20, $0xb8;
	[tilespmem:$0x1C080] =	vst v63  }
0x98: {  	s22 =	sadd.s32 $0x1, s22;
	_ =	swait.ge [sflag:s21], $0x4000  }
0x99: {  	p0 =	sne.s32 s22, s16;
	[sflag:s21] =	ssyncset.done $0x0  }
.Ltmp1:
0x9a: {  	[sflag:s21] =	ssyncadd.s32 $0xFFFFC000;
	(pc) =	sbr.rel @p0 .LBB2_1-.Ltmp1, $4  }
0x9b: {  	[hbm4b:s15+s3] =	stream.linear.scatter [tilespmem:s18], [sflag:$0x2], $0x4000, $0x38;
	[tilespmem:$0x1C080] =	vst v63  }
0x9c: {  	_ =	swait.ge [sflag:s19], $0x4000  }
0x9d: {  	[sflag:s19] =	ssyncset.done $0x0  }
0x9e: {  	[sflag:s19] =	ssyncadd.s32 $0xFFFFC000  }
0x9f: {  	_ =	sfence.sel $0x180000  }
0xa0: {  	[bflag:$0x0] =	sbarrier.arrive $0xFFFF  }
0xa1: {  	p0 =	sne.s32 s4, $0x0;
	_ =	strace $0x90000047  }
0xa2: {  	s0 =	sadd.s32 @!p0 $0x100000, s0;
	[bflag:$0x2] =	sbarrier.arrive $0xFFFF  }
0xa3: {  	[sflag:s0] =	ssyncadd.tile.s32 @!p0 $0x1;
	_ =	shalt  }
.Lfunc_end2:
_tile_overlayer_lowered:
.L_overlay_start_2:
0xa4: {  	(tag) =	ssettag $0x2  }
0xa5: {  	s0 =	rddreg [dreg:$0x0];
	s2 =	stileid.u32  }
0xa6: {  	s1 =	rddreg [dreg:$0x1];
	p0 =	sne.s32 s2, $0x0  }
0xa7: {  	s3 =	rddreg [dreg:$0x2];
	[bflag:$0x3] =	sbarrier.arrive $0xFFFF;
	s2 =	simm.s32 @!p0 $0x1C02  }
0xa8: {  	[timem:s3], [sflag:s2] =	dma.local @!p0 [hbm:s0], s1  }
0xa9: {  	s0 =	simm.s32 @!p0 $0x2  }
0xaa: {  	_ =	swait.ge @!p0 [sflag:s0], s1  }
0xab: {  	s1 =	ssub.s32 @!p0 $0x0, s1;
	[sflag:s0] =	ssyncset.done @!p0 $0x0  }
0xac: {  	[sflag:s0] =	ssyncadd.s32 @!p0 s1  }
0xad: {  	[bflag:$0x3] =	sbarrier.arrive $0xFFFF  }
0xae: {  	_ =	shalt  }

// kernel: kernel.14.cloned.1.call-start
scs
__scs_entry_jumppad:
0x0: {  	(pc) =	sbr.rel $0x88, $3  }
0x1: {  	(tag) =	ssettag $0x0;
	lr =	simm.s32 $0x1  }
0x2: {  	[smem:$0x3F99] =	sst lr;
	_ =	strace $0xD0000000  }
0x3: {  	_ = 	snop  }
0x4: {  	_ = 	snop  }
0x5: {  	_ = 	snop  }
0x6: {  	_ = 	snop  }
0x7: {  	_ = 	snop  }
__scs_overlays_trampoline_lowered:
0x8: {  	[smem:$0x3FA8] =	sst s0  }
0x9: {  	[smem:$0x3FA9] =	sst s1  }
0xa: {  	[smem:$0x3FAA] =	sst s2  }
0xb: {  	[smem:$0x3FAB] =	sst s3  }
0xc: {  	[smem:$0x3FAC] =	sst s4  }
0xd: {  	[smem:$0x3FAD] =	sst s5  }
0xe: {  	[smem:$0x3FAE] =	sst s6  }
0xf: {  	[smem:$0x3FAF] =	sst s7  }
0x10: {  	[smem:$0x3FB0] =	sst s8  }
0x11: {  	[smem:$0x3FB1] =	sst s9;
	s0 =	simm.s32 @!p0 $0x0  }
0x12: {  	s1 =	sld [smem:$0x3F97];
	s0 =	simm.s32 @p0 $0x1  }
0x13: {  	[smem:$0x3FB2] =	sst s0;
	s0 =	simm.s32 @!p1 $0x0  }
0x14: {  	s2 =	sld [smem:$0x3F96];
	s0 =	simm.s32 @p1 $0x1  }
0x15: {  	[smem:$0x3FB3] =	sst s0;
	s0 =	simm.s32 @!p2 $0x0  }
0x16: {  	s3 =	sld [smem:$0x3FDB];
	s0 =	simm.s32 @p2 $0x1  }
0x17: {  	s4 =	simm.s32 $0x1BF5;
	[smem:$0x3FB5] =	sst s0  }
0x18: {  	s0 =	sld [smem:$0x3F98];
	_ =	swait.ge [sflag:s4], $0x0  }
0x19: {  	s7 =	sld [smem:$0x3F99]  }
0x1a: {  	s8 =	sadd.s32 $0xFFFFE003, lr  }
0x1b: {  	s9 =	sadd.s32 $0xFFFFFEF7, lr;
	s5 =	simm.s32 $0xFFFFFFFF;
	p2 =	slt.u32 s8, $0xFFFFF086  }
0x1c: {  	p1 =	slt.u32 s9, $0xF7A;
	s5 =	simm.s32 @!p2 $0x0  }
0x1d: {  	s5 =	simm.s32 @p1 $0x1;
	p0 =	seq.s32 s7, s2  }
0x1e: {  	s7 =	smul.u32 @!p0 $0xF7A, s2;
	p2 =	seq.s32 @!p0 s5, $0x0  }
0x1f: {  	s9 =	smul.u32 $0xF7A, s1;
	s8 =	simm.s32 @!p0 $0x1BF5;
	p2 =	por !p2, p0  }
0x20: {  	[sflag:s8] =	ssyncset.s32 @!p0 $0xFFFFF086;
	s6 =	sadd.s32 @!p0 s3, s7;
	s7 =	simm.s32 @!p0 $0x108  }
0x21: {  	s3 =	sadd.s32 s3, s9;
	s6 =	sadd.s32 @!p0 $0x88, s6;
	s7 =	simm.s32 @p2 $0x1082  }
0x22: {  	[simem:s7], [sflag:s8] =	dma.local @!p0 [hbm:s6], $0xF7A  }
0x23: {  	s9 =	sor.u32 $0xD0000000, s2;
	s6 =	simm.s32 $0x108;
	_ =	swait.ge @!p0 [sflag:s8], $0x0  }
0x24: {  	s3 =	sadd.s32 $0x88, s3;
	s6 =	simm.s32 @!p1 $0x1082;
	[sflag:s4] =	ssyncset.s32 $0xFFFFF086  }
0x25: {  	[simem:s6], [sflag:s4] =	dma.local [hbm:s3], $0xF7A  }
0x26: {  	[smem:$0x3F99] =	sst s1;
	(tag) =	ssettag s2;
	_ =	strace s9  }
0x27: {  	s1 =	sld [smem:$0x3FA9]  }
0x28: {  	s2 =	sld [smem:$0x3FAA]  }
0x29: {  	s4 =	sld [smem:$0x3FAC]  }
0x2a: {  	p0 =	seq.s32 s5, $0x0;
	s5 =	sld [smem:$0x3FAD]  }
0x2b: {  	s6 =	sld [smem:$0x3FAE]  }
0x2c: {  	s7 =	sld [smem:$0x3FAF]  }
0x2d: {  	s3 =	simm.s32 $0x108;
	s8 =	sld [smem:$0x3FB0]  }
0x2e: {  	s3 =	simm.s32 @!p0 $0x1082;
	s9 =	sld [smem:$0x3FB1]  }
0x2f: {  	lr =	sadd.s32 s0, s3;
	s0 =	sld [smem:$0x3FA8]  }
0x30: {  	s3 =	sld [smem:$0x3FAB]  }
0x31: {  	[smem:$0x3FB4] =	sst s10  }
0x32: {  	s10 =	sld [smem:$0x3FB2];
	_ =	sdelay $0x3  }
0x33: {  	p0 =	seq.s32 s10, $0x1;
	s10 =	sld [smem:$0x3FB4];
	_ =	sdelay $0x3  }
0x34: {  	[smem:$0x3FB4] =	sst s10  }
0x35: {  	s10 =	sld [smem:$0x3FB3];
	_ =	sdelay $0x3  }
0x36: {  	p1 =	seq.s32 s10, $0x1;
	s10 =	sld [smem:$0x3FB4];
	_ =	sdelay $0x3  }
0x37: {  	[smem:$0x3FB4] =	sst s10  }
0x38: {  	s10 =	sld [smem:$0x3FB5]  }
0x39: {  	_ = 	snop;
	(pc) =	sbr.ind lr, $3  }
0x3a: {  	_ = 	snop  }
0x3b: {  	_ = 	snop  }
0x3c: {  	p2 =	seq.s32 s10, $0x1;
	s10 =	sld [smem:$0x3FB4]  }
0x3d: {  	_ =	shalt  }
0x3e: {  	_ =	shalt  }
0x3f: {  	_ =	shalt  }
0x40: {  	_ =	shalt  }
0x41: {  	_ =	shalt  }
0x42: {  	_ =	shalt  }
0x43: {  	_ =	shalt  }
0x44: {  	_ =	shalt  }
0x45: {  	_ =	shalt  }
0x46: {  	_ =	shalt  }
0x47: {  	_ =	shalt  }
0x48: {  	_ =	shalt  }
0x49: {  	_ =	shalt  }
0x4a: {  	_ =	shalt  }
0x4b: {  	_ =	shalt  }
0x4c: {  	_ =	shalt  }
0x4d: {  	_ =	shalt  }
0x4e: {  	_ =	shalt  }
0x4f: {  	_ =	shalt  }
0x50: {  	_ =	shalt  }
0x51: {  	_ =	shalt  }
0x52: {  	_ =	shalt  }
0x53: {  	_ =	shalt  }
0x54: {  	_ =	shalt  }
0x55: {  	_ =	shalt  }
0x56: {  	_ =	shalt  }
0x57: {  	_ =	shalt  }
0x58: {  	_ =	shalt  }
0x59: {  	_ =	shalt  }
0x5a: {  	_ =	shalt  }
0x5b: {  	_ =	shalt  }
0x5c: {  	_ =	shalt  }
0x5d: {  	_ =	shalt  }
0x5e: {  	_ =	shalt  }
0x5f: {  	_ =	shalt  }
0x60: {  	_ =	shalt  }
0x61: {  	_ =	shalt  }
0x62: {  	_ =	shalt  }
0x63: {  	_ =	shalt  }
0x64: {  	_ =	shalt  }
0x65: {  	_ =	shalt  }
0x66: {  	_ =	shalt  }
0x67: {  	_ =	shalt  }
0x68: {  	_ =	shalt  }
0x69: {  	_ =	shalt  }
0x6a: {  	_ =	shalt  }
0x6b: {  	_ =	shalt  }
0x6c: {  	_ =	shalt  }
0x6d: {  	_ =	shalt  }
0x6e: {  	_ =	shalt  }
0x6f: {  	_ =	shalt  }
0x70: {  	_ =	shalt  }
0x71: {  	_ =	shalt  }
0x72: {  	_ =	shalt  }
0x73: {  	_ =	shalt  }
0x74: {  	_ =	shalt  }
0x75: {  	_ =	shalt  }
0x76: {  	_ =	shalt  }
0x77: {  	_ =	shalt  }
0x78: {  	_ =	shalt  }
0x79: {  	_ =	shalt  }
0x7a: {  	_ =	shalt  }
0x7b: {  	_ =	shalt  }
0x7c: {  	_ =	shalt  }
0x7d: {  	_ =	shalt  }
0x7e: {  	_ =	shalt  }
0x7f: {  	_ =	shalt  }
0x80: {  	_ =	shalt  }
0x81: {  	_ =	shalt  }
0x82: {  	_ =	shalt  }
0x83: {  	_ =	shalt  }
0x84: {  	_ =	shalt  }
0x85: {  	_ =	shalt  }
0x86: {  	_ =	shalt  }
0x87: {  	_ =	shalt  }
.Lfunc_end0:
.L_simem_size_0:
called_computation.1_lowered:
.L_overlay_start_0:
0x88: {  	s2 =	sld [smem:$0x3FD9]  }
0x89: {  	s3 =	sld [smem:$0x3FFE];
	_ =	sdelay $0x1  }
0x8a: {  	s1 =	srdreg.scid  }
0x8b: {  	s0 =	sand.u32 $0x1, s1  }
0x8c: {  	s16 =	sshll.u32 s0, $0xA;
	s2 =	sadd.s32 s3, s2  }
0x8d: {  	s2 =	sadd.s32 s2, s16  }
0x8e: {  	[smem:$0x3FC0] =	sst s2  }
0x8f: {  	_ = 	snop  }
0x90: {  	(tm) =	ssettm $0x1  }
0x91: {  	s17 =	sld [smem:$0x3FFB];
	_ =	sdelay $0x3  }
0x92: {  	_ =	strace s17  }
0x93: {  	s2 =	sld [smem:$0x3FFC];
	_ =	sdelay $0x3  }
0x94: {  	_ =	strace s2  }
0x95: {  	s2 =	sld [smem:$0x3FFD];
	_ =	sdelay $0x3  }
0x96: {  	_ =	strace s2  }
0x97: {  	_ =	strace $0x8FFFFFFF  }
0x98: {  	s18 =	sld [smem:$0x3FDB];
	_ =	sdelay $0x1  }
0x99: {  	s19 =	simm.s32 $_scs_section_size  }
0x9a: {  	s4 =	simm.s32 $_size__tile_overlayer_lowered;
	s5 =	simm.s32 $_tile_overlayer_lowered  }
0x9b: {  	s22 =	simm.s32 $0x1BFF;
	s21 =	sshll.u32 s5, $0x1;
	s2 =	sadd.s32 s19, s18  }
0x9c: {  	s6 =	simm.s32 $0x0;
	s20 =	sshll.u32 s4, $0x1;
	s4 =	sadd.s32 s21, s2  }
0x9d: {  	[timem:s6], [sflag:s22] =	dma.local [hbm:s4], s20  }
0x9e: {  	_ =	swait.ge [sflag:s22], s20  }
0x9f: {  	s3 =	ssub.s32 $0x0, s20;
	[sflag:s22] =	ssyncset.done $0x0  }
0xa0: {  	[sflag:s22] =	ssyncadd.s32 s3;
	_ =	sdelay $0x1  }
0xa1: {  	s23 =	simm.s32 $0x1B8B  }
0xa2: {  	_ =	swait.ge [sflag:s23], $0x1  }
0xa3: {  	[sflag:s23] =	ssyncset.done $0x0  }
0xa4: {  	s25 =	simm.s32 $0x1B8E;
	s24 =	sld [smem:$0x3FFE];
	[sflag:s23] =	ssyncadd.s32 $0xFFFFFFFF  }
0xa5: {  	s26 =	simm.s32 $execute0_lowered;
	[smem:$0x3FD2] =	sst s25  }
0xa6: {  	s4 =	sshll.u32 s26, $0x1;
	_ =	strace $0x80000049;
	[dreg:$0x1] =	wrdreg $0xFFFFFFFF  }
0xa7: {  	s28 =	simm.s32 $_size_execute0_lowered;
	s2 =	sadd.s32 s2, s4;
	[dreg:$0x0] =	wrdreg $0x0  }
0xa8: {  	s4 =	sshll.u32 s28, $0x1;
	[dreg:$0x2] =	wrdreg s2  }
0xa9: {  	[dreg:$0x3] =	wrdreg s4  }
0xaa: {  	[dreg:$0x4] =	wrdreg $0xC0  }
0xab: {  	_ =	task [dreg:s6], $0x5FFFF  }
0xac: {  	[dreg:$0x1] =	wrdreg $0xFFFFFFFF  }
0xad: {  	[dreg:$0x0] =	wrdreg $0x60  }
0xae: {  	[dreg:$0x2] =	wrdreg s24  }
0xaf: {  	[dreg:$0x3] =	wrdreg $0x41000  }
0xb0: {  	[dreg:$0x4] =	wrdreg $0x9  }
0xb1: {  	_ =	task.clear_ibuf [dreg:s6], $0x5FFFF;
	_ =	strace $0x90000049  }
0xb2: {  	s29 =	simm.s32 $0x9;
	_ =	strace $0x8000004B  }
0xb3: {  	_ =	swait.ge [sflag:s29], $0x1  }
0xb4: {  	[sflag:s29] =	ssyncadd.s32 $0xFFFFFFFF  }
0xb5: {  	_ =	strace $0x9000004B  }
0xb6: {  	_ =	sfence  }
0xb7: {  	s30 =	sld [smem:$0x0];
	_ =	sdelay $0x2  }
0xb8: {  	s31 =	sshll.u32 s1, $0xD;
	s1 =	sshrl.u32 s1, $0x2  }
0xb9: {  	s3 =	sand.u32 $0x4000, s31;
	s1 =	sadd.s32 s1, s30  }
0xba: {  	s0 =	sor.u32 s3, s0;
	s1 =	sshll.u32 s1, $0x11  }
0xbb: {  	s0 =	sor.u32 s1, s0  }
0xbc: {  	s0 =	sadd.s32 $0x8F2B, s0  }
0xbd: {  	[sflag:s0] =	ssyncadd.remote.s32 $0x1  }
0xbe: {  	_ =	sfence.sel $0xFFFF  }
0xbf: {  	[dreg:$0x0] =	wrdreg $0xFFFFFFFF;
	(pc) =	sbr.abs _section_cstart, $3  }
0xc0: {  	[dreg:$0x1] =	wrdreg $0xFFFFFFFF  }
0xc1: {  	_ =	task.clear_ibuf [dreg:s6], $0x2FFFF;
	_ =	strace $0x9FFFFFFF  }
0xc2: {  	(tm) =	ssettm $0x7FFFFFFF  }
0xc3: {  	_ =	shalt  }
tec
execute0_lowered:
.L_overlay_start_1:
0x0: {  	(tag) =	ssettag $0x1  }
0x1: {  	s6 =	rddreg [dreg:$0x0]  }
0x2: {  	s1 =	rddreg [dreg:$0x1]  }
0x3: {  	s3 =	srdreg.scid;
	s0 =	rddreg [dreg:$0x2];
	s2 =	simm.s32 $0x0  }
0x4: {  	s8 =	sand.u32 $0x1, s3;
	[smem:$0x7FF] =	sst s2  }
0x5: {  	s3 =	stileid.u32;
	s5 =	sadd.s32 $0xD600, s6;
	s4 =	smul.u32 $0x5000, s8  }
0x6: {  	s10 =	sadd.s32 $0xD000, s6;
	s16 =	sadd.s32 $0x67E00, s6;
	s9 =	smul.u32 $0x280, s3  }
0x7: {  	_ =	strace $0x8000004A;
	s7 =	ssub.s32 $0x2, s8;
	s18 =	smul.u32 $0x140000, s8  }
0x8: {  	s30 =	smul.u32 $0x500, s3;
	s19 =	sshrl.u32 s7, $0x1;
	s15 =	sadd.s32 s4, s6  }
0x9: {  	s4 =	sadd.s32 $0xDE00, s6;
	s11 =	sadd.s32 $0x80, s9;
	s17 =	ssub.s32 s7, s19  }
0xa: {  	s20 =	sshrl.u32 s9, $0x3;
	s12 =	sadd.s32 $0x100, s9;
	s14 =	sadd.s32 $0x180, s9  }
0xb: {  	s21 =	sshrl.u32 s11, $0x3;
	s6 =	sadd.s32 s10, s20;
	s13 =	sshrl.u32 s12, $0x3  }
0xc: {  	s19 =	sshrl.u32 s14, $0x3;
	s20 =	sadd.s32 $0x200, s9;
	s11 =	sshll.u32 s11, $0x7  }
0xd: {  	s12 =	sshll.u32 s12, $0x7;
	s14 =	sshll.u32 s14, $0x7;
	s31 =	sadd.s32 s30, s15  }
0xe: {  	s7 =	sadd.s32 s10, s21;
	s21 =	smul.u32 $0x14000, s3;
	s8 =	sadd.s32 s10, s13  }
0xf: {  	s9 =	sadd.s32 s10, s19;
	s22 =	sshrl.u32 s20, $0x3;
	s24 =	sadd.s32 s18, s11  }
0x10: {  	s26 =	sadd.s32 s18, s12;
	s14 =	sadd.s32 s18, s14;
	s29 =	sshll.u32 s20, $0x7  }
0x11: {  	s19 =	simm.s32 $0x100;
	s20 =	simm.s32 $0x2;
	s10 =	sadd.s32 s10, s22  }
0x12: {  	s25 =	sshrl.u32 s24, $0x3;
	s28 =	sshrl.u32 s26, $0x3;
	s14 =	sshrl.u32 s14, $0x3  }
0x13: {  	s22 =	simm.s32 $0x1;
	s23 =	sadd.s32 s21, s18;
	s12 =	sadd.s32 s16, s25  }
0x14: {  	s18 =	sadd.s32 s18, s29;
	s14 =	sadd.s32 s16, s14;
	s21 =	simm.s32 $0x80  }
0x15: {  	s13 =	sshrl.u32 s23, $0x3;
	s18 =	sshrl.u32 s18, $0x3;
	s23 =	simm.s32 $0x0  }
0x16: {  	s11 =	sadd.s32 s16, s13;
	s13 =	sadd.s32 s16, s28;
	s15 =	sadd.s32 s16, s18  }
0x17: {  	s16 =	smax.u32 s17, $0x1;
	s17 =	sadd.s32 $0x3000, s31;
	s18 =	sadd.s32 $0x5DE00, s31  }
.LBB2_1:
0x18: {  	[tilespmem:s19], [sflag:$0x2] =	stream.linear.gather [hbm4b:s5+s2], $0x4000, $0x38;
	[tilespmem:$0x18100] =	vst v63  }
0x19: {  	_ =	swait.ge [sflag:s20], $0x4000  }
0x1a: {  	[sflag:s20] =	ssyncset.done $0x0  }
0x1b: {  	[sflag:s20] =	ssyncadd.s32 $0xFFFFC000  }
0x1c: {  	[tilespmem:s2], [sflag:$0x2] =	stream.linear.gather [hbm4b:s6+s2], $0x80, $0x38;
	[tilespmem:$0x18100] =	vst v63  }
0x1d: {  	_ =	swait.ge [sflag:s20], $0x80  }
0x1e: {  	[sflag:s20] =	ssyncset.done $0x0  }
0x1f: {  	[sflag:s20] =	ssyncadd.s32 $0xFFFFFF80  }
0x20: {  	[spmem:s1] =	stream.indirect.scatter [tilespmem:s19], [sflag:$0x2], $0x80, s2, s21, $0xb8;
	[tilespmem:$0x18100] =	vst v63  }
0x21: {  	_ =	swait.ge [sflag:s20], $0x4000  }
0x22: {  	[sflag:s20] =	ssyncset.done $0x0  }
0x23: {  	[sflag:s20] =	ssyncadd.s32 $0xFFFFC000  }
0x24: {  	[tilespmem:s2], [sflag:$0x2] =	stream.linear.gather [hbm4b:s7+s2], $0x80, $0x38;
	[tilespmem:$0x18100] =	vst v63  }
0x25: {  	_ =	swait.ge [sflag:s20], $0x80  }
0x26: {  	[sflag:s20] =	ssyncset.done $0x0  }
0x27: {  	[sflag:s20] =	ssyncadd.s32 $0xFFFFFF80  }
0x28: {  	[spmem:s1] =	stream.indirect.scatter [tilespmem:s19], [sflag:$0x2], $0x80, s2, s21, $0xb8;
	[tilespmem:$0x18100] =	vst v63  }
0x29: {  	_ =	swait.ge [sflag:s20], $0x4000  }
0x2a: {  	[sflag:s20] =	ssyncset.done $0x0  }
0x2b: {  	[sflag:s20] =	ssyncadd.s32 $0xFFFFC000  }
0x2c: {  	[tilespmem:s2], [sflag:$0x2] =	stream.linear.gather [hbm4b:s8+s2], $0x80, $0x38;
	[tilespmem:$0x18100] =	vst v63  }
0x2d: {  	_ =	swait.ge [sflag:s20], $0x80  }
0x2e: {  	[sflag:s20] =	ssyncset.done $0x0  }
0x2f: {  	[sflag:s20] =	ssyncadd.s32 $0xFFFFFF80  }
0x30: {  	[spmem:s1] =	stream.indirect.scatter [tilespmem:s19], [sflag:$0x2], $0x80, s2, s21, $0xb8;
	[tilespmem:$0x18100] =	vst v63  }
0x31: {  	_ =	swait.ge [sflag:s20], $0x4000  }
0x32: {  	[sflag:s20] =	ssyncset.done $0x0  }
0x33: {  	[sflag:s20] =	ssyncadd.s32 $0xFFFFC000  }
0x34: {  	[tilespmem:s2], [sflag:$0x2] =	stream.linear.gather [hbm4b:s9+s2], $0x80, $0x38;
	[tilespmem:$0x18100] =	vst v63  }
0x35: {  	_ =	swait.ge [sflag:s20], $0x80  }
0x36: {  	[sflag:s20] =	ssyncset.done $0x0  }
0x37: {  	[sflag:s20] =	ssyncadd.s32 $0xFFFFFF80  }
0x38: {  	[spmem:s1] =	stream.indirect.scatter [tilespmem:s19], [sflag:$0x2], $0x80, s2, s21, $0xb8;
	[tilespmem:$0x18100] =	vst v63  }
0x39: {  	_ =	swait.ge [sflag:s20], $0x4000  }
0x3a: {  	[sflag:s20] =	ssyncset.done $0x0  }
0x3b: {  	[sflag:s20] =	ssyncadd.s32 $0xFFFFC000  }
0x3c: {  	[tilespmem:s2], [sflag:$0x2] =	stream.linear.gather [hbm4b:s10+s2], $0x80, $0x38;
	[tilespmem:$0x18100] =	vst v63  }
0x3d: {  	_ =	swait.ge [sflag:s20], $0x80  }
0x3e: {  	[sflag:s20] =	ssyncset.done $0x0  }
0x3f: {  	[sflag:s20] =	ssyncadd.s32 $0xFFFFFF80  }
0x40: {  	[spmem:s1] =	stream.indirect.scatter [tilespmem:s19], [sflag:$0x2], $0x80, s2, s21, $0xb8;
	[tilespmem:$0x18100] =	vst v63  }
0x41: {  	_ =	swait.ge [sflag:s20], $0x4000  }
0x42: {  	[sflag:s20] =	ssyncset.done $0x0  }
0x43: {  	[sflag:s20] =	ssyncadd.s32 $0xFFFFC000  }
0x44: {  	s24 =	sadd.s32 $0x0, s18;
	[bflag:$0x0] =	sbarrier.arrive $0xFFFF  }
0x45: {  	[tilespmem:s2], [sflag:$0x2] =	stream.linear.gather [hbm4b:s24+s2], $0x80, $0x38;
	[tilespmem:$0x18100] =	vst v63  }
0x46: {  	_ =	swait.ge [sflag:s20], $0x80  }
0x47: {  	[sflag:s20] =	ssyncset.done $0x0  }
0x48: {  	s31 =	sadd.s32 $0x0, s17;
	[sflag:s20] =	ssyncadd.s32 $0xFFFFFF80  }
0x49: {  	[tilespmem:s21], [sflag:$0x2] =	stream.linear.gather [hbm4b:s31+s2], $0x80, $0x38;
	[tilespmem:$0x18100] =	vst v63  }
0x4a: {  	_ =	swait.ge [sflag:s20], $0x80  }
0x4b: {  	[sflag:s20] =	ssyncset.done $0x0  }
0x4c: {  	[sflag:s20] =	ssyncadd.s32 $0xFFFFFF80  }
0x4d: {  	[tilespmem:s19], [sflag:$0x1] =	stream.indirect.gather [hbm4b:s4+s21], $0x80, s2, s21, $0xb8;
	[tilespmem:$0x18100] =	vst v63  }
0x4e: {  	_ =	swait.ge [sflag:s22], $0x4000  }
0x4f: {  	[sflag:s22] =	ssyncset.done $0x0  }
0x50: {  	[sflag:s22] =	ssyncadd.s32 $0xFFFFC000  }
0x51: {  	[spmem:s1] =	stream.indirect.scatter.add.f32 [tilespmem:s19], [sflag:$0x2], $0x80, s21, s21, $0xb8;
	[tilespmem:$0x18100] =	vst v63  }
0x52: {  	_ =	swait.ge [sflag:s20], $0x4000  }
0x53: {  	s25 =	simm.s32 $0x20;
	s24 =	simm.s32 $0x10;
	[sflag:s20] =	ssyncset.done $0x0  }
.LBB2_2:
0x54: {  	s26 =	sadd.s32 s24, s18  }
0x55: {  	[sflag:s20] =	ssyncadd.s32 $0xFFFFC000;
	s28 =	smov.u32 s25;
	s29 =	sadd.s32 $0x10, s25  }
0x56: {  	[tilespmem:s2], [sflag:$0x2] =	stream.linear.gather [hbm4b:s26+s2], $0x80, $0x38;
	[tilespmem:$0x18100] =	vst v63  }
0x57: {  	p0 =	sne.s32 s25, $0x4F0;
	_ =	swait.ge [sflag:s20], $0x80  }
0x58: {  	[sflag:s20] =	ssyncset.done $0x0  }
0x59: {  	s25 =	sadd.s32 s24, s17;
	s24 =	smov.u32 s28;
	[sflag:s20] =	ssyncadd.s32 $0xFFFFFF80  }
0x5a: {  	[tilespmem:s21], [sflag:$0x2] =	stream.linear.gather [hbm4b:s25+s2], $0x80, $0x38;
	[tilespmem:$0x18100] =	vst v63  }
0x5b: {  	_ =	swait.ge [sflag:s20], $0x80  }
0x5c: {  	[sflag:s20] =	ssyncset.done $0x0  }
0x5d: {  	[sflag:s20] =	ssyncadd.s32 $0xFFFFFF80  }
0x5e: {  	[tilespmem:s19], [sflag:$0x1] =	stream.indirect.gather [hbm4b:s4+s21], $0x80, s2, s21, $0xb8;
	[tilespmem:$0x18100] =	vst v63  }
0x5f: {  	_ =	swait.ge [sflag:s22], $0x4000  }
.Ltmp0:
0x60: {  	[sflag:s22] =	ssyncset.done $0x0;
	(pc) =	sbr.rel @p0 .LBB2_2-.Ltmp0, $4  }
0x61: {  	[sflag:s22] =	ssyncadd.s32 $0xFFFFC000  }
0x62: {  	[spmem:s1] =	stream.indirect.scatter.add.f32 [tilespmem:s19], [sflag:$0x2], $0x80, s21, s21, $0xb8;
	[tilespmem:$0x18100] =	vst v63  }
0x63: {  	_ =	swait.ge [sflag:s20], $0x4000  }
0x64: {  	s25 =	smov.u32 s29;
	[sflag:s20] =	ssyncset.done $0x0  }
0x65: {  	s25 =	sadd.s32 s24, s18;
	[sflag:s20] =	ssyncadd.s32 $0xFFFFC000  }
0x66: {  	[tilespmem:s2], [sflag:$0x2] =	stream.linear.gather [hbm4b:s25+s2], $0x80, $0x38;
	[tilespmem:$0x18100] =	vst v63  }
0x67: {  	_ =	swait.ge [sflag:s20], $0x80  }
0x68: {  	[sflag:s20] =	ssyncset.done $0x0  }
0x69: {  	s31 =	sadd.s32 s24, s17;
	[sflag:s20] =	ssyncadd.s32 $0xFFFFFF80  }
0x6a: {  	[tilespmem:s21], [sflag:$0x2] =	stream.linear.gather [hbm4b:s31+s2], $0x80, $0x38;
	[tilespmem:$0x18100] =	vst v63  }
0x6b: {  	_ =	swait.ge [sflag:s20], $0x80  }
0x6c: {  	[sflag:s20] =	ssyncset.done $0x0  }
0x6d: {  	[sflag:s20] =	ssyncadd.s32 $0xFFFFFF80  }
0x6e: {  	[tilespmem:s19], [sflag:$0x1] =	stream.indirect.gather [hbm4b:s4+s21], $0x80, s2, s21, $0xb8;
	[tilespmem:$0x18100] =	vst v63  }
0x6f: {  	_ =	swait.ge [sflag:s22], $0x4000  }
0x70: {  	[sflag:s22] =	ssyncset.done $0x0  }
0x71: {  	[sflag:s22] =	ssyncadd.s32 $0xFFFFC000  }
0x72: {  	[spmem:s1] =	stream.indirect.scatter.add.f32 [tilespmem:s19], [sflag:$0x2], $0x80, s21, s21, $0xb8;
	[tilespmem:$0x18100] =	vst v63  }
0x73: {  	_ =	swait.ge [sflag:s20], $0x4000  }
0x74: {  	[sflag:s20] =	ssyncset.done $0x0  }
0x75: {  	[sflag:s20] =	ssyncadd.s32 $0xFFFFC000  }
0x76: {  	[bflag:$0x0] =	sbarrier.arrive $0xFFFF  }
0x77: {  	[tilespmem:s2], [sflag:$0x2] =	stream.linear.gather [hbm4b:s6+s2], $0x80, $0x38;
	[tilespmem:$0x18100] =	vst v63  }
0x78: {  	_ =	swait.ge [sflag:s20], $0x80  }
0x79: {  	[sflag:s20] =	ssyncset.done $0x0  }
0x7a: {  	[sflag:s20] =	ssyncadd.s32 $0xFFFFFF80  }
0x7b: {  	[tilespmem:s19], [sflag:$0x1] =	stream.indirect.gather [spmem:s1], $0x80, s2, s21, $0xb8;
	[tilespmem:$0x18100] =	vst v63  }
0x7c: {  	_ =	swait.ge [sflag:s22], $0x4000  }
0x7d: {  	[sflag:s22] =	ssyncset.done $0x0  }
0x7e: {  	[sflag:s22] =	ssyncadd.s32 $0xFFFFC000  }
0x7f: {  	[hbm4b:s11+s2] =	stream.linear.scatter [tilespmem:s19], [sflag:$0x2], $0x4000, $0x38;
	[tilespmem:$0x18100] =	vst v63  }
0x80: {  	_ =	swait.ge [sflag:s20], $0x4000  }
0x81: {  	[sflag:s20] =	ssyncset.done $0x0  }
0x82: {  	[sflag:s20] =	ssyncadd.s32 $0xFFFFC000  }
0x83: {  	[tilespmem:s2], [sflag:$0x2] =	stream.linear.gather [hbm4b:s7+s2], $0x80, $0x38;
	[tilespmem:$0x18100] =	vst v63  }
0x84: {  	_ =	swait.ge [sflag:s20], $0x80  }
0x85: {  	[sflag:s20] =	ssyncset.done $0x0  }
0x86: {  	[sflag:s20] =	ssyncadd.s32 $0xFFFFFF80  }
0x87: {  	[tilespmem:s19], [sflag:$0x1] =	stream.indirect.gather [spmem:s1], $0x80, s2, s21, $0xb8;
	[tilespmem:$0x18100] =	vst v63  }
0x88: {  	_ =	swait.ge [sflag:s22], $0x4000  }
0x89: {  	[sflag:s22] =	ssyncset.done $0x0  }
0x8a: {  	[sflag:s22] =	ssyncadd.s32 $0xFFFFC000  }
0x8b: {  	[hbm4b:s12+s2] =	stream.linear.scatter [tilespmem:s19], [sflag:$0x2], $0x4000, $0x38;
	[tilespmem:$0x18100] =	vst v63  }
0x8c: {  	_ =	swait.ge [sflag:s20], $0x4000  }
0x8d: {  	[sflag:s20] =	ssyncset.done $0x0  }
0x8e: {  	[sflag:s20] =	ssyncadd.s32 $0xFFFFC000  }
0x8f: {  	[tilespmem:s2], [sflag:$0x2] =	stream.linear.gather [hbm4b:s8+s2], $0x80, $0x38;
	[tilespmem:$0x18100] =	vst v63  }
0x90: {  	_ =	swait.ge [sflag:s20], $0x80  }
0x91: {  	[sflag:s20] =	ssyncset.done $0x0  }
0x92: {  	[sflag:s20] =	ssyncadd.s32 $0xFFFFFF80  }
0x93: {  	[tilespmem:s19], [sflag:$0x1] =	stream.indirect.gather [spmem:s1], $0x80, s2, s21, $0xb8;
	[tilespmem:$0x18100] =	vst v63  }
0x94: {  	_ =	swait.ge [sflag:s22], $0x4000  }
0x95: {  	[sflag:s22] =	ssyncset.done $0x0  }
0x96: {  	[sflag:s22] =	ssyncadd.s32 $0xFFFFC000  }
0x97: {  	[hbm4b:s13+s2] =	stream.linear.scatter [tilespmem:s19], [sflag:$0x2], $0x4000, $0x38;
	[tilespmem:$0x18100] =	vst v63  }
0x98: {  	_ =	swait.ge [sflag:s20], $0x4000  }
0x99: {  	[sflag:s20] =	ssyncset.done $0x0  }
0x9a: {  	[sflag:s20] =	ssyncadd.s32 $0xFFFFC000  }
0x9b: {  	[tilespmem:s2], [sflag:$0x2] =	stream.linear.gather [hbm4b:s9+s2], $0x80, $0x38;
	[tilespmem:$0x18100] =	vst v63  }
0x9c: {  	_ =	swait.ge [sflag:s20], $0x80  }
0x9d: {  	[sflag:s20] =	ssyncset.done $0x0  }
0x9e: {  	[sflag:s20] =	ssyncadd.s32 $0xFFFFFF80  }
0x9f: {  	[tilespmem:s19], [sflag:$0x1] =	stream.indirect.gather [spmem:s1], $0x80, s2, s21, $0xb8;
	[tilespmem:$0x18100] =	vst v63  }
0xa0: {  	_ =	swait.ge [sflag:s22], $0x4000  }
0xa1: {  	[sflag:s22] =	ssyncset.done $0x0  }
0xa2: {  	[sflag:s22] =	ssyncadd.s32 $0xFFFFC000  }
0xa3: {  	[hbm4b:s14+s2] =	stream.linear.scatter [tilespmem:s19], [sflag:$0x2], $0x4000, $0x38;
	[tilespmem:$0x18100] =	vst v63  }
0xa4: {  	_ =	swait.ge [sflag:s20], $0x4000  }
0xa5: {  	[sflag:s20] =	ssyncset.done $0x0  }
0xa6: {  	[sflag:s20] =	ssyncadd.s32 $0xFFFFC000  }
0xa7: {  	[tilespmem:s2], [sflag:$0x2] =	stream.linear.gather [hbm4b:s10+s2], $0x80, $0x38;
	[tilespmem:$0x18100] =	vst v63  }
0xa8: {  	_ =	swait.ge [sflag:s20], $0x80  }
0xa9: {  	[sflag:s20] =	ssyncset.done $0x0  }
0xaa: {  	[sflag:s20] =	ssyncadd.s32 $0xFFFFFF80  }
0xab: {  	[tilespmem:s19], [sflag:$0x1] =	stream.indirect.gather [spmem:s1], $0x80, s2, s21, $0xb8;
	[tilespmem:$0x18100] =	vst v63  }
0xac: {  	s23 =	sadd.s32 $0x1, s23;
	_ =	swait.ge [sflag:s22], $0x4000  }
0xad: {  	p0 =	sne.s32 s23, s16;
	[sflag:s22] =	ssyncset.done $0x0  }
.Ltmp1:
0xae: {  	[sflag:s22] =	ssyncadd.s32 $0xFFFFC000;
	(pc) =	sbr.rel @p0 .LBB2_1-.Ltmp1, $4  }
0xaf: {  	[hbm4b:s15+s2] =	stream.linear.scatter [tilespmem:s19], [sflag:$0x2], $0x4000, $0x38;
	[tilespmem:$0x18100] =	vst v63  }
0xb0: {  	_ =	swait.ge [sflag:s20], $0x4000  }
0xb1: {  	[sflag:s20] =	ssyncset.done $0x0  }
0xb2: {  	[sflag:s20] =	ssyncadd.s32 $0xFFFFC000  }
0xb3: {  	_ =	sfence.sel $0x180000  }
0xb4: {  	[bflag:$0x0] =	sbarrier.arrive $0xFFFF  }
0xb5: {  	p0 =	sne.s32 s3, $0x0;
	_ =	strace $0x9000004A  }
0xb6: {  	s0 =	sadd.s32 @!p0 $0x100000, s0;
	[bflag:$0x2] =	sbarrier.arrive $0xFFFF  }
0xb7: {  	[sflag:s0] =	ssyncadd.tile.s32 @!p0 $0x1;
	_ =	shalt  }
.Lfunc_end2:
_tile_overlayer_lowered:
.L_overlay_start_2:
0xb8: {  	(tag) =	ssettag $0x2  }
0xb9: {  	s0 =	rddreg [dreg:$0x0];
	s2 =	stileid.u32  }
0xba: {  	s1 =	rddreg [dreg:$0x1];
	p0 =	sne.s32 s2, $0x0  }
0xbb: {  	s3 =	rddreg [dreg:$0x2];
	[bflag:$0x3] =	sbarrier.arrive $0xFFFF;
	s2 =	simm.s32 @!p0 $0x1C02  }
0xbc: {  	[timem:s3], [sflag:s2] =	dma.local @!p0 [hbm:s0], s1  }
0xbd: {  	s0 =	simm.s32 @!p0 $0x2  }
0xbe: {  	_ =	swait.ge @!p0 [sflag:s0], s1  }
0xbf: {  	s1 =	ssub.s32 @!p0 $0x0, s1;
	[sflag:s0] =	ssyncset.done @!p0 $0x0  }
0xc0: {  	[sflag:s0] =	ssyncadd.s32 @!p0 s1  }
0xc1: {  	[bflag:$0x3] =	sbarrier.arrive $0xFFFF  }
0xc2: {  	_ =	shalt  }

// kernel: kernel.17.cloned.1.call-start
scs
__scs_entry_jumppad:
0x0: {  	(pc) =	sbr.rel $0x88, $3  }
0x1: {  	(tag) =	ssettag $0x0;
	lr =	simm.s32 $0x1  }
0x2: {  	[smem:$0x3F99] =	sst lr;
	_ =	strace $0xD0000000  }
0x3: {  	_ = 	snop  }
0x4: {  	_ = 	snop  }
0x5: {  	_ = 	snop  }
0x6: {  	_ = 	snop  }
0x7: {  	_ = 	snop  }
__scs_overlays_trampoline_lowered:
0x8: {  	[smem:$0x3FA8] =	sst s0  }
0x9: {  	[smem:$0x3FA9] =	sst s1  }
0xa: {  	[smem:$0x3FAA] =	sst s2  }
0xb: {  	[smem:$0x3FAB] =	sst s3  }
0xc: {  	[smem:$0x3FAC] =	sst s4  }
0xd: {  	[smem:$0x3FAD] =	sst s5  }
0xe: {  	[smem:$0x3FAE] =	sst s6  }
0xf: {  	[smem:$0x3FAF] =	sst s7  }
0x10: {  	[smem:$0x3FB0] =	sst s8  }
0x11: {  	[smem:$0x3FB1] =	sst s9;
	s0 =	simm.s32 @!p0 $0x0  }
0x12: {  	s1 =	sld [smem:$0x3F97];
	s0 =	simm.s32 @p0 $0x1  }
0x13: {  	[smem:$0x3FB2] =	sst s0;
	s0 =	simm.s32 @!p1 $0x0  }
0x14: {  	s2 =	sld [smem:$0x3F96];
	s0 =	simm.s32 @p1 $0x1  }
0x15: {  	[smem:$0x3FB3] =	sst s0;
	s0 =	simm.s32 @!p2 $0x0  }
0x16: {  	s3 =	sld [smem:$0x3FDB];
	s0 =	simm.s32 @p2 $0x1  }
0x17: {  	s4 =	simm.s32 $0x1BF5;
	[smem:$0x3FB5] =	sst s0  }
0x18: {  	s0 =	sld [smem:$0x3F98];
	_ =	swait.ge [sflag:s4], $0x0  }
0x19: {  	s7 =	sld [smem:$0x3F99]  }
0x1a: {  	s8 =	sadd.s32 $0xFFFFE003, lr  }
0x1b: {  	s9 =	sadd.s32 $0xFFFFFEF7, lr;
	s5 =	simm.s32 $0xFFFFFFFF;
	p2 =	slt.u32 s8, $0xFFFFF086  }
0x1c: {  	p1 =	slt.u32 s9, $0xF7A;
	s5 =	simm.s32 @!p2 $0x0  }
0x1d: {  	s5 =	simm.s32 @p1 $0x1;
	p0 =	seq.s32 s7, s2  }
0x1e: {  	s7 =	smul.u32 @!p0 $0xF7A, s2;
	p2 =	seq.s32 @!p0 s5, $0x0  }
0x1f: {  	s9 =	smul.u32 $0xF7A, s1;
	s8 =	simm.s32 @!p0 $0x1BF5;
	p2 =	por !p2, p0  }
0x20: {  	[sflag:s8] =	ssyncset.s32 @!p0 $0xFFFFF086;
	s6 =	sadd.s32 @!p0 s3, s7;
	s7 =	simm.s32 @!p0 $0x108  }
0x21: {  	s3 =	sadd.s32 s3, s9;
	s6 =	sadd.s32 @!p0 $0x88, s6;
	s7 =	simm.s32 @p2 $0x1082  }
0x22: {  	[simem:s7], [sflag:s8] =	dma.local @!p0 [hbm:s6], $0xF7A  }
0x23: {  	s9 =	sor.u32 $0xD0000000, s2;
	s6 =	simm.s32 $0x108;
	_ =	swait.ge @!p0 [sflag:s8], $0x0  }
0x24: {  	s3 =	sadd.s32 $0x88, s3;
	s6 =	simm.s32 @!p1 $0x1082;
	[sflag:s4] =	ssyncset.s32 $0xFFFFF086  }
0x25: {  	[simem:s6], [sflag:s4] =	dma.local [hbm:s3], $0xF7A  }
0x26: {  	[smem:$0x3F99] =	sst s1;
	(tag) =	ssettag s2;
	_ =	strace s9  }
0x27: {  	s1 =	sld [smem:$0x3FA9]  }
0x28: {  	s2 =	sld [smem:$0x3FAA]  }
0x29: {  	s4 =	sld [smem:$0x3FAC]  }
0x2a: {  	p0 =	seq.s32 s5, $0x0;
	s5 =	sld [smem:$0x3FAD]  }
0x2b: {  	s6 =	sld [smem:$0x3FAE]  }
0x2c: {  	s7 =	sld [smem:$0x3FAF]  }
0x2d: {  	s3 =	simm.s32 $0x108;
	s8 =	sld [smem:$0x3FB0]  }
0x2e: {  	s3 =	simm.s32 @!p0 $0x1082;
	s9 =	sld [smem:$0x3FB1]  }
0x2f: {  	lr =	sadd.s32 s0, s3;
	s0 =	sld [smem:$0x3FA8]  }
0x30: {  	s3 =	sld [smem:$0x3FAB]  }
0x31: {  	[smem:$0x3FB4] =	sst s10  }
0x32: {  	s10 =	sld [smem:$0x3FB2];
	_ =	sdelay $0x3  }
0x33: {  	p0 =	seq.s32 s10, $0x1;
	s10 =	sld [smem:$0x3FB4];
	_ =	sdelay $0x3  }
0x34: {  	[smem:$0x3FB4] =	sst s10  }
0x35: {  	s10 =	sld [smem:$0x3FB3];
	_ =	sdelay $0x3  }
0x36: {  	p1 =	seq.s32 s10, $0x1;
	s10 =	sld [smem:$0x3FB4];
	_ =	sdelay $0x3  }
0x37: {  	[smem:$0x3FB4] =	sst s10  }
0x38: {  	s10 =	sld [smem:$0x3FB5]  }
0x39: {  	_ = 	snop;
	(pc) =	sbr.ind lr, $3  }
0x3a: {  	_ = 	snop  }
0x3b: {  	_ = 	snop  }
0x3c: {  	p2 =	seq.s32 s10, $0x1;
	s10 =	sld [smem:$0x3FB4]  }
0x3d: {  	_ =	shalt  }
0x3e: {  	_ =	shalt  }
0x3f: {  	_ =	shalt  }
0x40: {  	_ =	shalt  }
0x41: {  	_ =	shalt  }
0x42: {  	_ =	shalt  }
0x43: {  	_ =	shalt  }
0x44: {  	_ =	shalt  }
0x45: {  	_ =	shalt  }
0x46: {  	_ =	shalt  }
0x47: {  	_ =	shalt  }
0x48: {  	_ =	shalt  }
0x49: {  	_ =	shalt  }
0x4a: {  	_ =	shalt  }
0x4b: {  	_ =	shalt  }
0x4c: {  	_ =	shalt  }
0x4d: {  	_ =	shalt  }
0x4e: {  	_ =	shalt  }
0x4f: {  	_ =	shalt  }
0x50: {  	_ =	shalt  }
0x51: {  	_ =	shalt  }
0x52: {  	_ =	shalt  }
0x53: {  	_ =	shalt  }
0x54: {  	_ =	shalt  }
0x55: {  	_ =	shalt  }
0x56: {  	_ =	shalt  }
0x57: {  	_ =	shalt  }
0x58: {  	_ =	shalt  }
0x59: {  	_ =	shalt  }
0x5a: {  	_ =	shalt  }
0x5b: {  	_ =	shalt  }
0x5c: {  	_ =	shalt  }
0x5d: {  	_ =	shalt  }
0x5e: {  	_ =	shalt  }
0x5f: {  	_ =	shalt  }
0x60: {  	_ =	shalt  }
0x61: {  	_ =	shalt  }
0x62: {  	_ =	shalt  }
0x63: {  	_ =	shalt  }
0x64: {  	_ =	shalt  }
0x65: {  	_ =	shalt  }
0x66: {  	_ =	shalt  }
0x67: {  	_ =	shalt  }
0x68: {  	_ =	shalt  }
0x69: {  	_ =	shalt  }
0x6a: {  	_ =	shalt  }
0x6b: {  	_ =	shalt  }
0x6c: {  	_ =	shalt  }
0x6d: {  	_ =	shalt  }
0x6e: {  	_ =	shalt  }
0x6f: {  	_ =	shalt  }
0x70: {  	_ =	shalt  }
0x71: {  	_ =	shalt  }
0x72: {  	_ =	shalt  }
0x73: {  	_ =	shalt  }
0x74: {  	_ =	shalt  }
0x75: {  	_ =	shalt  }
0x76: {  	_ =	shalt  }
0x77: {  	_ =	shalt  }
0x78: {  	_ =	shalt  }
0x79: {  	_ =	shalt  }
0x7a: {  	_ =	shalt  }
0x7b: {  	_ =	shalt  }
0x7c: {  	_ =	shalt  }
0x7d: {  	_ =	shalt  }
0x7e: {  	_ =	shalt  }
0x7f: {  	_ =	shalt  }
0x80: {  	_ =	shalt  }
0x81: {  	_ =	shalt  }
0x82: {  	_ =	shalt  }
0x83: {  	_ =	shalt  }
0x84: {  	_ =	shalt  }
0x85: {  	_ =	shalt  }
0x86: {  	_ =	shalt  }
0x87: {  	_ =	shalt  }
.Lfunc_end0:
.L_simem_size_0:
called_computation.2_lowered:
.L_overlay_start_0:
0x88: {  	s2 =	sld [smem:$0x3FD9]  }
0x89: {  	s3 =	sld [smem:$0x3FFE];
	_ =	sdelay $0x1  }
0x8a: {  	s1 =	srdreg.scid  }
0x8b: {  	s0 =	sand.u32 $0x1, s1  }
0x8c: {  	s16 =	sshll.u32 s0, $0xA;
	s2 =	sadd.s32 s3, s2  }
0x8d: {  	s2 =	sadd.s32 s2, s16  }
0x8e: {  	[smem:$0x3FC0] =	sst s2  }
0x8f: {  	_ = 	snop  }
0x90: {  	(tm) =	ssettm $0x1  }
0x91: {  	s17 =	sld [smem:$0x3FFB];
	_ =	sdelay $0x3  }
0x92: {  	_ =	strace s17  }
0x93: {  	s2 =	sld [smem:$0x3FFC];
	_ =	sdelay $0x3  }
0x94: {  	_ =	strace s2  }
0x95: {  	s2 =	sld [smem:$0x3FFD];
	_ =	sdelay $0x3  }
0x96: {  	_ =	strace s2  }
0x97: {  	_ =	strace $0x8FFFFFFF  }
0x98: {  	s18 =	sld [smem:$0x3FDB];
	_ =	sdelay $0x1  }
0x99: {  	s19 =	simm.s32 $_scs_section_size  }
0x9a: {  	s4 =	simm.s32 $_size__tile_overlayer_lowered;
	s5 =	simm.s32 $_tile_overlayer_lowered  }
0x9b: {  	s22 =	simm.s32 $0x1BFF;
	s21 =	sshll.u32 s5, $0x1;
	s2 =	sadd.s32 s19, s18  }
0x9c: {  	s6 =	simm.s32 $0x0;
	s20 =	sshll.u32 s4, $0x1;
	s4 =	sadd.s32 s21, s2  }
0x9d: {  	[timem:s6], [sflag:s22] =	dma.local [hbm:s4], s20  }
0x9e: {  	_ =	swait.ge [sflag:s22], s20  }
0x9f: {  	s3 =	ssub.s32 $0x0, s20;
	[sflag:s22] =	ssyncset.done $0x0  }
0xa0: {  	[sflag:s22] =	ssyncadd.s32 s3;
	_ =	sdelay $0x1  }
0xa1: {  	s23 =	simm.s32 $0x1B8B  }
0xa2: {  	_ =	swait.ge [sflag:s23], $0x1  }
0xa3: {  	[sflag:s23] =	ssyncset.done $0x0  }
0xa4: {  	s25 =	simm.s32 $0x1B8E;
	s24 =	sld [smem:$0x3FFE];
	[sflag:s23] =	ssyncadd.s32 $0xFFFFFFFF  }
0xa5: {  	s26 =	simm.s32 $execute0_lowered;
	[smem:$0x3FD2] =	sst s25  }
0xa6: {  	s4 =	sshll.u32 s26, $0x1;
	_ =	strace $0x8000004C;
	[dreg:$0x1] =	wrdreg $0xFFFFFFFF  }
0xa7: {  	s28 =	simm.s32 $_size_execute0_lowered;
	s2 =	sadd.s32 s2, s4;
	[dreg:$0x0] =	wrdreg $0x0  }
0xa8: {  	s4 =	sshll.u32 s28, $0x1;
	[dreg:$0x2] =	wrdreg s2  }
0xa9: {  	[dreg:$0x3] =	wrdreg s4  }
0xaa: {  	[dreg:$0x4] =	wrdreg $0xC0  }
0xab: {  	_ =	task [dreg:s6], $0x5FFFF  }
0xac: {  	[dreg:$0x1] =	wrdreg $0xFFFFFFFF  }
0xad: {  	[dreg:$0x0] =	wrdreg $0x60  }
0xae: {  	[dreg:$0x2] =	wrdreg s24  }
0xaf: {  	[dreg:$0x3] =	wrdreg $0x41000  }
0xb0: {  	[dreg:$0x4] =	wrdreg $0x9  }
0xb1: {  	_ =	task.clear_ibuf [dreg:s6], $0x5FFFF;
	_ =	strace $0x9000004C  }
0xb2: {  	s29 =	simm.s32 $0x9;
	_ =	strace $0x8000004E  }
0xb3: {  	_ =	swait.ge [sflag:s29], $0x1  }
0xb4: {  	[sflag:s29] =	ssyncadd.s32 $0xFFFFFFFF  }
0xb5: {  	_ =	strace $0x9000004E  }
0xb6: {  	_ =	sfence  }
0xb7: {  	s30 =	sld [smem:$0x0];
	_ =	sdelay $0x2  }
0xb8: {  	s31 =	sshll.u32 s1, $0xD;
	s1 =	sshrl.u32 s1, $0x2  }
0xb9: {  	s3 =	sand.u32 $0x4000, s31;
	s1 =	sadd.s32 s1, s30  }
0xba: {  	s0 =	sor.u32 s3, s0;
	s1 =	sshll.u32 s1, $0x11  }
0xbb: {  	s0 =	sor.u32 s1, s0  }
0xbc: {  	s0 =	sadd.s32 $0x8F2B, s0  }
0xbd: {  	[sflag:s0] =	ssyncadd.remote.s32 $0x1  }
0xbe: {  	_ =	sfence.sel $0xFFFF  }
0xbf: {  	[dreg:$0x0] =	wrdreg $0xFFFFFFFF;
	(pc) =	sbr.abs _section_cstart, $3  }
0xc0: {  	[dreg:$0x1] =	wrdreg $0xFFFFFFFF  }
0xc1: {  	_ =	task.clear_ibuf [dreg:s6], $0x2FFFF;
	_ =	strace $0x9FFFFFFF  }
0xc2: {  	(tm) =	ssettm $0x7FFFFFFF  }
0xc3: {  	_ =	shalt  }
tec
execute0_lowered:
.L_overlay_start_1:
0x0: {  	(tag) =	ssettag $0x1  }
0x1: {  	s6 =	rddreg [dreg:$0x0]  }
0x2: {  	s1 =	rddreg [dreg:$0x1]  }
0x3: {  	s3 =	srdreg.scid;
	s0 =	rddreg [dreg:$0x2];
	s2 =	simm.s32 $0x0  }
0x4: {  	s8 =	sand.u32 $0x1, s3;
	[smem:$0x7FF] =	sst s2  }
0x5: {  	s3 =	stileid.u32;
	s5 =	sadd.s32 $0xD600, s6;
	s4 =	smul.u32 $0x5000, s8  }
0x6: {  	s10 =	sadd.s32 $0xD000, s6;
	s16 =	sadd.s32 $0x67E00, s6;
	s9 =	smul.u32 $0x280, s3  }
0x7: {  	_ =	strace $0x8000004D;
	s7 =	ssub.s32 $0x2, s8;
	s18 =	smul.u32 $0x140000, s8  }
0x8: {  	s30 =	smul.u32 $0x500, s3;
	s19 =	sshrl.u32 s7, $0x1;
	s15 =	sadd.s32 s4, s6  }
0x9: {  	s4 =	sadd.s32 $0xDE00, s6;
	s11 =	sadd.s32 $0x80, s9;
	s17 =	ssub.s32 s7, s19  }
0xa: {  	s20 =	sshrl.u32 s9, $0x3;
	s12 =	sadd.s32 $0x100, s9;
	s14 =	sadd.s32 $0x180, s9  }
0xb: {  	s21 =	sshrl.u32 s11, $0x3;
	s6 =	sadd.s32 s10, s20;
	s13 =	sshrl.u32 s12, $0x3  }
0xc: {  	s19 =	sshrl.u32 s14, $0x3;
	s20 =	sadd.s32 $0x200, s9;
	s11 =	sshll.u32 s11, $0x7  }
0xd: {  	s12 =	sshll.u32 s12, $0x7;
	s14 =	sshll.u32 s14, $0x7;
	s31 =	sadd.s32 s30, s15  }
0xe: {  	s7 =	sadd.s32 s10, s21;
	s21 =	smul.u32 $0x14000, s3;
	s8 =	sadd.s32 s10, s13  }
0xf: {  	s9 =	sadd.s32 s10, s19;
	s22 =	sshrl.u32 s20, $0x3;
	s24 =	sadd.s32 s18, s11  }
0x10: {  	s26 =	sadd.s32 s18, s12;
	s14 =	sadd.s32 s18, s14;
	s29 =	sshll.u32 s20, $0x7  }
0x11: {  	s19 =	simm.s32 $0x100;
	s20 =	simm.s32 $0x2;
	s10 =	sadd.s32 s10, s22  }
0x12: {  	s25 =	sshrl.u32 s24, $0x3;
	s28 =	sshrl.u32 s26, $0x3;
	s14 =	sshrl.u32 s14, $0x3  }
0x13: {  	s22 =	simm.s32 $0x1;
	s23 =	sadd.s32 s21, s18;
	s12 =	sadd.s32 s16, s25  }
0x14: {  	s18 =	sadd.s32 s18, s29;
	s14 =	sadd.s32 s16, s14;
	s21 =	simm.s32 $0x80  }
0x15: {  	s13 =	sshrl.u32 s23, $0x3;
	s18 =	sshrl.u32 s18, $0x3;
	s23 =	simm.s32 $0x0  }
0x16: {  	s11 =	sadd.s32 s16, s13;
	s13 =	sadd.s32 s16, s28;
	s15 =	sadd.s32 s16, s18  }
0x17: {  	s16 =	smax.u32 s17, $0x1;
	s17 =	sadd.s32 $0x3000, s31;
	s18 =	sadd.s32 $0x5DE00, s31  }
.LBB2_1:
0x18: {  	[tilespmem:s19], [sflag:$0x2] =	stream.linear.gather [hbm4b:s5+s2], $0x4000, $0x38;
	[tilespmem:$0x18100] =	vst v63  }
0x19: {  	_ =	swait.ge [sflag:s20], $0x4000  }
0x1a: {  	[sflag:s20] =	ssyncset.done $0x0  }
0x1b: {  	[sflag:s20] =	ssyncadd.s32 $0xFFFFC000  }
0x1c: {  	[tilespmem:s2], [sflag:$0x2] =	stream.linear.gather [hbm4b:s6+s2], $0x80, $0x38;
	[tilespmem:$0x18100] =	vst v63  }
0x1d: {  	_ =	swait.ge [sflag:s20], $0x80  }
0x1e: {  	[sflag:s20] =	ssyncset.done $0x0  }
0x1f: {  	[sflag:s20] =	ssyncadd.s32 $0xFFFFFF80  }
0x20: {  	[spmem:s1] =	stream.indirect.scatter [tilespmem:s19], [sflag:$0x2], $0x80, s2, s21, $0xb8;
	[tilespmem:$0x18100] =	vst v63  }
0x21: {  	_ =	swait.ge [sflag:s20], $0x4000  }
0x22: {  	[sflag:s20] =	ssyncset.done $0x0  }
0x23: {  	[sflag:s20] =	ssyncadd.s32 $0xFFFFC000  }
0x24: {  	[tilespmem:s2], [sflag:$0x2] =	stream.linear.gather [hbm4b:s7+s2], $0x80, $0x38;
	[tilespmem:$0x18100] =	vst v63  }
0x25: {  	_ =	swait.ge [sflag:s20], $0x80  }
0x26: {  	[sflag:s20] =	ssyncset.done $0x0  }
0x27: {  	[sflag:s20] =	ssyncadd.s32 $0xFFFFFF80  }
0x28: {  	[spmem:s1] =	stream.indirect.scatter [tilespmem:s19], [sflag:$0x2], $0x80, s2, s21, $0xb8;
	[tilespmem:$0x18100] =	vst v63  }
0x29: {  	_ =	swait.ge [sflag:s20], $0x4000  }
0x2a: {  	[sflag:s20] =	ssyncset.done $0x0  }
0x2b: {  	[sflag:s20] =	ssyncadd.s32 $0xFFFFC000  }
0x2c: {  	[tilespmem:s2], [sflag:$0x2] =	stream.linear.gather [hbm4b:s8+s2], $0x80, $0x38;
	[tilespmem:$0x18100] =	vst v63  }
0x2d: {  	_ =	swait.ge [sflag:s20], $0x80  }
0x2e: {  	[sflag:s20] =	ssyncset.done $0x0  }
0x2f: {  	[sflag:s20] =	ssyncadd.s32 $0xFFFFFF80  }
0x30: {  	[spmem:s1] =	stream.indirect.scatter [tilespmem:s19], [sflag:$0x2], $0x80, s2, s21, $0xb8;
	[tilespmem:$0x18100] =	vst v63  }
0x31: {  	_ =	swait.ge [sflag:s20], $0x4000  }
0x32: {  	[sflag:s20] =	ssyncset.done $0x0  }
0x33: {  	[sflag:s20] =	ssyncadd.s32 $0xFFFFC000  }
0x34: {  	[tilespmem:s2], [sflag:$0x2] =	stream.linear.gather [hbm4b:s9+s2], $0x80, $0x38;
	[tilespmem:$0x18100] =	vst v63  }
0x35: {  	_ =	swait.ge [sflag:s20], $0x80  }
0x36: {  	[sflag:s20] =	ssyncset.done $0x0  }
0x37: {  	[sflag:s20] =	ssyncadd.s32 $0xFFFFFF80  }
0x38: {  	[spmem:s1] =	stream.indirect.scatter [tilespmem:s19], [sflag:$0x2], $0x80, s2, s21, $0xb8;
	[tilespmem:$0x18100] =	vst v63  }
0x39: {  	_ =	swait.ge [sflag:s20], $0x4000  }
0x3a: {  	[sflag:s20] =	ssyncset.done $0x0  }
0x3b: {  	[sflag:s20] =	ssyncadd.s32 $0xFFFFC000  }
0x3c: {  	[tilespmem:s2], [sflag:$0x2] =	stream.linear.gather [hbm4b:s10+s2], $0x80, $0x38;
	[tilespmem:$0x18100] =	vst v63  }
0x3d: {  	_ =	swait.ge [sflag:s20], $0x80  }
0x3e: {  	[sflag:s20] =	ssyncset.done $0x0  }
0x3f: {  	[sflag:s20] =	ssyncadd.s32 $0xFFFFFF80  }
0x40: {  	[spmem:s1] =	stream.indirect.scatter [tilespmem:s19], [sflag:$0x2], $0x80, s2, s21, $0xb8;
	[tilespmem:$0x18100] =	vst v63  }
0x41: {  	_ =	swait.ge [sflag:s20], $0x4000  }
0x42: {  	[sflag:s20] =	ssyncset.done $0x0  }
0x43: {  	[sflag:s20] =	ssyncadd.s32 $0xFFFFC000  }
0x44: {  	s24 =	sadd.s32 $0x0, s18;
	[bflag:$0x0] =	sbarrier.arrive $0xFFFF  }
0x45: {  	[tilespmem:s2], [sflag:$0x2] =	stream.linear.gather [hbm4b:s24+s2], $0x80, $0x38;
	[tilespmem:$0x18100] =	vst v63  }
0x46: {  	_ =	swait.ge [sflag:s20], $0x80  }
0x47: {  	[sflag:s20] =	ssyncset.done $0x0  }
0x48: {  	s31 =	sadd.s32 $0x0, s17;
	[sflag:s20] =	ssyncadd.s32 $0xFFFFFF80  }
0x49: {  	[tilespmem:s21], [sflag:$0x2] =	stream.linear.gather [hbm4b:s31+s2], $0x80, $0x38;
	[tilespmem:$0x18100] =	vst v63  }
0x4a: {  	_ =	swait.ge [sflag:s20], $0x80  }
0x4b: {  	[sflag:s20] =	ssyncset.done $0x0  }
0x4c: {  	[sflag:s20] =	ssyncadd.s32 $0xFFFFFF80  }
0x4d: {  	[tilespmem:s19], [sflag:$0x1] =	stream.indirect.gather [hbm4b:s4+s21], $0x80, s2, s21, $0xb8;
	[tilespmem:$0x18100] =	vst v63  }
0x4e: {  	_ =	swait.ge [sflag:s22], $0x4000  }
0x4f: {  	[sflag:s22] =	ssyncset.done $0x0  }
0x50: {  	[sflag:s22] =	ssyncadd.s32 $0xFFFFC000  }
0x51: {  	[spmem:s1] =	stream.indirect.scatter.add.f32 [tilespmem:s19], [sflag:$0x2], $0x80, s21, s21, $0xb8;
	[tilespmem:$0x18100] =	vst v63  }
0x52: {  	_ =	swait.ge [sflag:s20], $0x4000  }
0x53: {  	s25 =	simm.s32 $0x20;
	s24 =	simm.s32 $0x10;
	[sflag:s20] =	ssyncset.done $0x0  }
.LBB2_2:
0x54: {  	s26 =	sadd.s32 s24, s18  }
0x55: {  	[sflag:s20] =	ssyncadd.s32 $0xFFFFC000;
	s28 =	smov.u32 s25;
	s29 =	sadd.s32 $0x10, s25  }
0x56: {  	[tilespmem:s2], [sflag:$0x2] =	stream.linear.gather [hbm4b:s26+s2], $0x80, $0x38;
	[tilespmem:$0x18100] =	vst v63  }
0x57: {  	p0 =	sne.s32 s25, $0x4F0;
	_ =	swait.ge [sflag:s20], $0x80  }
0x58: {  	[sflag:s20] =	ssyncset.done $0x0  }
0x59: {  	s25 =	sadd.s32 s24, s17;
	s24 =	smov.u32 s28;
	[sflag:s20] =	ssyncadd.s32 $0xFFFFFF80  }
0x5a: {  	[tilespmem:s21], [sflag:$0x2] =	stream.linear.gather [hbm4b:s25+s2], $0x80, $0x38;
	[tilespmem:$0x18100] =	vst v63  }
0x5b: {  	_ =	swait.ge [sflag:s20], $0x80  }
0x5c: {  	[sflag:s20] =	ssyncset.done $0x0  }
0x5d: {  	[sflag:s20] =	ssyncadd.s32 $0xFFFFFF80  }
0x5e: {  	[tilespmem:s19], [sflag:$0x1] =	stream.indirect.gather [hbm4b:s4+s21], $0x80, s2, s21, $0xb8;
	[tilespmem:$0x18100] =	vst v63  }
0x5f: {  	_ =	swait.ge [sflag:s22], $0x4000  }
.Ltmp0:
0x60: {  	[sflag:s22] =	ssyncset.done $0x0;
	(pc) =	sbr.rel @p0 .LBB2_2-.Ltmp0, $4  }
0x61: {  	[sflag:s22] =	ssyncadd.s32 $0xFFFFC000  }
0x62: {  	[spmem:s1] =	stream.indirect.scatter.add.f32 [tilespmem:s19], [sflag:$0x2], $0x80, s21, s21, $0xb8;
	[tilespmem:$0x18100] =	vst v63  }
0x63: {  	_ =	swait.ge [sflag:s20], $0x4000  }
0x64: {  	s25 =	smov.u32 s29;
	[sflag:s20] =	ssyncset.done $0x0  }
0x65: {  	s25 =	sadd.s32 s24, s18;
	[sflag:s20] =	ssyncadd.s32 $0xFFFFC000  }
0x66: {  	[tilespmem:s2], [sflag:$0x2] =	stream.linear.gather [hbm4b:s25+s2], $0x80, $0x38;
	[tilespmem:$0x18100] =	vst v63  }
0x67: {  	_ =	swait.ge [sflag:s20], $0x80  }
0x68: {  	[sflag:s20] =	ssyncset.done $0x0  }
0x69: {  	s31 =	sadd.s32 s24, s17;
	[sflag:s20] =	ssyncadd.s32 $0xFFFFFF80  }
0x6a: {  	[tilespmem:s21], [sflag:$0x2] =	stream.linear.gather [hbm4b:s31+s2], $0x80, $0x38;
	[tilespmem:$0x18100] =	vst v63  }
0x6b: {  	_ =	swait.ge [sflag:s20], $0x80  }
0x6c: {  	[sflag:s20] =	ssyncset.done $0x0  }
0x6d: {  	[sflag:s20] =	ssyncadd.s32 $0xFFFFFF80  }
0x6e: {  	[tilespmem:s19], [sflag:$0x1] =	stream.indirect.gather [hbm4b:s4+s21], $0x80, s2, s21, $0xb8;
	[tilespmem:$0x18100] =	vst v63  }
0x6f: {  	_ =	swait.ge [sflag:s22], $0x4000  }
0x70: {  	[sflag:s22] =	ssyncset.done $0x0  }
0x71: {  	[sflag:s22] =	ssyncadd.s32 $0xFFFFC000  }
0x72: {  	[spmem:s1] =	stream.indirect.scatter.add.f32 [tilespmem:s19], [sflag:$0x2], $0x80, s21, s21, $0xb8;
	[tilespmem:$0x18100] =	vst v63  }
0x73: {  	_ =	swait.ge [sflag:s20], $0x4000  }
0x74: {  	[sflag:s20] =	ssyncset.done $0x0  }
0x75: {  	[sflag:s20] =	ssyncadd.s32 $0xFFFFC000  }
0x76: {  	[bflag:$0x0] =	sbarrier.arrive $0xFFFF  }
0x77: {  	[tilespmem:s2], [sflag:$0x2] =	stream.linear.gather [hbm4b:s6+s2], $0x80, $0x38;
	[tilespmem:$0x18100] =	vst v63  }
0x78: {  	_ =	swait.ge [sflag:s20], $0x80  }
0x79: {  	[sflag:s20] =	ssyncset.done $0x0  }
0x7a: {  	[sflag:s20] =	ssyncadd.s32 $0xFFFFFF80  }
0x7b: {  	[tilespmem:s19], [sflag:$0x1] =	stream.indirect.gather [spmem:s1], $0x80, s2, s21, $0xb8;
	[tilespmem:$0x18100] =	vst v63  }
0x7c: {  	_ =	swait.ge [sflag:s22], $0x4000  }
0x7d: {  	[sflag:s22] =	ssyncset.done $0x0  }
0x7e: {  	[sflag:s22] =	ssyncadd.s32 $0xFFFFC000  }
0x7f: {  	[hbm4b:s11+s2] =	stream.linear.scatter [tilespmem:s19], [sflag:$0x2], $0x4000, $0x38;
	[tilespmem:$0x18100] =	vst v63  }
0x80: {  	_ =	swait.ge [sflag:s20], $0x4000  }
0x81: {  	[sflag:s20] =	ssyncset.done $0x0  }
0x82: {  	[sflag:s20] =	ssyncadd.s32 $0xFFFFC000  }
0x83: {  	[tilespmem:s2], [sflag:$0x2] =	stream.linear.gather [hbm4b:s7+s2], $0x80, $0x38;
	[tilespmem:$0x18100] =	vst v63  }
0x84: {  	_ =	swait.ge [sflag:s20], $0x80  }
0x85: {  	[sflag:s20] =	ssyncset.done $0x0  }
0x86: {  	[sflag:s20] =	ssyncadd.s32 $0xFFFFFF80  }
0x87: {  	[tilespmem:s19], [sflag:$0x1] =	stream.indirect.gather [spmem:s1], $0x80, s2, s21, $0xb8;
	[tilespmem:$0x18100] =	vst v63  }
0x88: {  	_ =	swait.ge [sflag:s22], $0x4000  }
0x89: {  	[sflag:s22] =	ssyncset.done $0x0  }
0x8a: {  	[sflag:s22] =	ssyncadd.s32 $0xFFFFC000  }
0x8b: {  	[hbm4b:s12+s2] =	stream.linear.scatter [tilespmem:s19], [sflag:$0x2], $0x4000, $0x38;
	[tilespmem:$0x18100] =	vst v63  }
0x8c: {  	_ =	swait.ge [sflag:s20], $0x4000  }
0x8d: {  	[sflag:s20] =	ssyncset.done $0x0  }
0x8e: {  	[sflag:s20] =	ssyncadd.s32 $0xFFFFC000  }
0x8f: {  	[tilespmem:s2], [sflag:$0x2] =	stream.linear.gather [hbm4b:s8+s2], $0x80, $0x38;
	[tilespmem:$0x18100] =	vst v63  }
0x90: {  	_ =	swait.ge [sflag:s20], $0x80  }
0x91: {  	[sflag:s20] =	ssyncset.done $0x0  }
0x92: {  	[sflag:s20] =	ssyncadd.s32 $0xFFFFFF80  }
0x93: {  	[tilespmem:s19], [sflag:$0x1] =	stream.indirect.gather [spmem:s1], $0x80, s2, s21, $0xb8;
	[tilespmem:$0x18100] =	vst v63  }
0x94: {  	_ =	swait.ge [sflag:s22], $0x4000  }
0x95: {  	[sflag:s22] =	ssyncset.done $0x0  }
0x96: {  	[sflag:s22] =	ssyncadd.s32 $0xFFFFC000  }
0x97: {  	[hbm4b:s13+s2] =	stream.linear.scatter [tilespmem:s19], [sflag:$0x2], $0x4000, $0x38;
	[tilespmem:$0x18100] =	vst v63  }
0x98: {  	_ =	swait.ge [sflag:s20], $0x4000  }
0x99: {  	[sflag:s20] =	ssyncset.done $0x0  }
0x9a: {  	[sflag:s20] =	ssyncadd.s32 $0xFFFFC000  }
0x9b: {  	[tilespmem:s2], [sflag:$0x2] =	stream.linear.gather [hbm4b:s9+s2], $0x80, $0x38;
	[tilespmem:$0x18100] =	vst v63  }
0x9c: {  	_ =	swait.ge [sflag:s20], $0x80  }
0x9d: {  	[sflag:s20] =	ssyncset.done $0x0  }
0x9e: {  	[sflag:s20] =	ssyncadd.s32 $0xFFFFFF80  }
0x9f: {  	[tilespmem:s19], [sflag:$0x1] =	stream.indirect.gather [spmem:s1], $0x80, s2, s21, $0xb8;
	[tilespmem:$0x18100] =	vst v63  }
0xa0: {  	_ =	swait.ge [sflag:s22], $0x4000  }
0xa1: {  	[sflag:s22] =	ssyncset.done $0x0  }
0xa2: {  	[sflag:s22] =	ssyncadd.s32 $0xFFFFC000  }
0xa3: {  	[hbm4b:s14+s2] =	stream.linear.scatter [tilespmem:s19], [sflag:$0x2], $0x4000, $0x38;
	[tilespmem:$0x18100] =	vst v63  }
0xa4: {  	_ =	swait.ge [sflag:s20], $0x4000  }
0xa5: {  	[sflag:s20] =	ssyncset.done $0x0  }
0xa6: {  	[sflag:s20] =	ssyncadd.s32 $0xFFFFC000  }
0xa7: {  	[tilespmem:s2], [sflag:$0x2] =	stream.linear.gather [hbm4b:s10+s2], $0x80, $0x38;
	[tilespmem:$0x18100] =	vst v63  }
0xa8: {  	_ =	swait.ge [sflag:s20], $0x80  }
0xa9: {  	[sflag:s20] =	ssyncset.done $0x0  }
0xaa: {  	[sflag:s20] =	ssyncadd.s32 $0xFFFFFF80  }
0xab: {  	[tilespmem:s19], [sflag:$0x1] =	stream.indirect.gather [spmem:s1], $0x80, s2, s21, $0xb8;
	[tilespmem:$0x18100] =	vst v63  }
0xac: {  	s23 =	sadd.s32 $0x1, s23;
	_ =	swait.ge [sflag:s22], $0x4000  }
0xad: {  	p0 =	sne.s32 s23, s16;
	[sflag:s22] =	ssyncset.done $0x0  }
.Ltmp1:
0xae: {  	[sflag:s22] =	ssyncadd.s32 $0xFFFFC000;
	(pc) =	sbr.rel @p0 .LBB2_1-.Ltmp1, $4  }
0xaf: {  	[hbm4b:s15+s2] =	stream.linear.scatter [tilespmem:s19], [sflag:$0x2], $0x4000, $0x38;
	[tilespmem:$0x18100] =	vst v63  }
0xb0: {  	_ =	swait.ge [sflag:s20], $0x4000  }
0xb1: {  	[sflag:s20] =	ssyncset.done $0x0  }
0xb2: {  	[sflag:s20] =	ssyncadd.s32 $0xFFFFC000  }
0xb3: {  	_ =	sfence.sel $0x180000  }
0xb4: {  	[bflag:$0x0] =	sbarrier.arrive $0xFFFF  }
0xb5: {  	p0 =	sne.s32 s3, $0x0;
	_ =	strace $0x9000004D  }
0xb6: {  	s0 =	sadd.s32 @!p0 $0x100000, s0;
	[bflag:$0x2] =	sbarrier.arrive $0xFFFF  }
0xb7: {  	[sflag:s0] =	ssyncadd.tile.s32 @!p0 $0x1;
	_ =	shalt  }
.Lfunc_end2:
_tile_overlayer_lowered:
.L_overlay_start_2:
0xb8: {  	(tag) =	ssettag $0x2  }
0xb9: {  	s0 =	rddreg [dreg:$0x0];
	s2 =	stileid.u32  }
0xba: {  	s1 =	rddreg [dreg:$0x1];
	p0 =	sne.s32 s2, $0x0  }
0xbb: {  	s3 =	rddreg [dreg:$0x2];
	[bflag:$0x3] =	sbarrier.arrive $0xFFFF;
	s2 =	simm.s32 @!p0 $0x1C02  }
0xbc: {  	[timem:s3], [sflag:s2] =	dma.local @!p0 [hbm:s0], s1  }
0xbd: {  	s0 =	simm.s32 @!p0 $0x2  }
0xbe: {  	_ =	swait.ge @!p0 [sflag:s0], s1  }
0xbf: {  	s1 =	ssub.s32 @!p0 $0x0, s1;
	[sflag:s0] =	ssyncset.done @!p0 $0x0  }
0xc0: {  	[sflag:s0] =	ssyncadd.s32 @!p0 s1  }
0xc1: {  	[bflag:$0x3] =	sbarrier.arrive $0xFFFF  }
0xc2: {  	_ =	shalt  }

// kernel: kernel.20.cloned.1.call-start
scs
__scs_entry_jumppad:
0x0: {  	(pc) =	sbr.rel $0x88, $3  }
0x1: {  	(tag) =	ssettag $0x0;
	lr =	simm.s32 $0x1  }
0x2: {  	[smem:$0x3F99] =	sst lr;
	_ =	strace $0xD0000000  }
0x3: {  	_ = 	snop  }
0x4: {  	_ = 	snop  }
0x5: {  	_ = 	snop  }
0x6: {  	_ = 	snop  }
0x7: {  	_ = 	snop  }
__scs_overlays_trampoline_lowered:
0x8: {  	[smem:$0x3FA8] =	sst s0  }
0x9: {  	[smem:$0x3FA9] =	sst s1  }
0xa: {  	[smem:$0x3FAA] =	sst s2  }
0xb: {  	[smem:$0x3FAB] =	sst s3  }
0xc: {  	[smem:$0x3FAC] =	sst s4  }
0xd: {  	[smem:$0x3FAD] =	sst s5  }
0xe: {  	[smem:$0x3FAE] =	sst s6  }
0xf: {  	[smem:$0x3FAF] =	sst s7  }
0x10: {  	[smem:$0x3FB0] =	sst s8  }
0x11: {  	[smem:$0x3FB1] =	sst s9;
	s0 =	simm.s32 @!p0 $0x0  }
0x12: {  	s1 =	sld [smem:$0x3F97];
	s0 =	simm.s32 @p0 $0x1  }
0x13: {  	[smem:$0x3FB2] =	sst s0;
	s0 =	simm.s32 @!p1 $0x0  }
0x14: {  	s2 =	sld [smem:$0x3F96];
	s0 =	simm.s32 @p1 $0x1  }
0x15: {  	[smem:$0x3FB3] =	sst s0;
	s0 =	simm.s32 @!p2 $0x0  }
0x16: {  	s3 =	sld [smem:$0x3FDB];
	s0 =	simm.s32 @p2 $0x1  }
0x17: {  	s4 =	simm.s32 $0x1BF5;
	[smem:$0x3FB5] =	sst s0  }
0x18: {  	s0 =	sld [smem:$0x3F98];
	_ =	swait.ge [sflag:s4], $0x0  }
0x19: {  	s7 =	sld [smem:$0x3F99]  }
0x1a: {  	s8 =	sadd.s32 $0xFFFFE003, lr  }
0x1b: {  	s9 =	sadd.s32 $0xFFFFFEF7, lr;
	s5 =	simm.s32 $0xFFFFFFFF;
	p2 =	slt.u32 s8, $0xFFFFF086  }
0x1c: {  	p1 =	slt.u32 s9, $0xF7A;
	s5 =	simm.s32 @!p2 $0x0  }
0x1d: {  	s5 =	simm.s32 @p1 $0x1;
	p0 =	seq.s32 s7, s2  }
0x1e: {  	s7 =	smul.u32 @!p0 $0xF7A, s2;
	p2 =	seq.s32 @!p0 s5, $0x0  }
0x1f: {  	s9 =	smul.u32 $0xF7A, s1;
	s8 =	simm.s32 @!p0 $0x1BF5;
	p2 =	por !p2, p0  }
0x20: {  	[sflag:s8] =	ssyncset.s32 @!p0 $0xFFFFF086;
	s6 =	sadd.s32 @!p0 s3, s7;
	s7 =	simm.s32 @!p0 $0x108  }
0x21: {  	s3 =	sadd.s32 s3, s9;
	s6 =	sadd.s32 @!p0 $0x88, s6;
	s7 =	simm.s32 @p2 $0x1082  }
0x22: {  	[simem:s7], [sflag:s8] =	dma.local @!p0 [hbm:s6], $0xF7A  }
0x23: {  	s9 =	sor.u32 $0xD0000000, s2;
	s6 =	simm.s32 $0x108;
	_ =	swait.ge @!p0 [sflag:s8], $0x0  }
0x24: {  	s3 =	sadd.s32 $0x88, s3;
	s6 =	simm.s32 @!p1 $0x1082;
	[sflag:s4] =	ssyncset.s32 $0xFFFFF086  }
0x25: {  	[simem:s6], [sflag:s4] =	dma.local [hbm:s3], $0xF7A  }
0x26: {  	[smem:$0x3F99] =	sst s1;
	(tag) =	ssettag s2;
	_ =	strace s9  }
0x27: {  	s1 =	sld [smem:$0x3FA9]  }
0x28: {  	s2 =	sld [smem:$0x3FAA]  }
0x29: {  	s4 =	sld [smem:$0x3FAC]  }
0x2a: {  	p0 =	seq.s32 s5, $0x0;
	s5 =	sld [smem:$0x3FAD]  }
0x2b: {  	s6 =	sld [smem:$0x3FAE]  }
0x2c: {  	s7 =	sld [smem:$0x3FAF]  }
0x2d: {  	s3 =	simm.s32 $0x108;
	s8 =	sld [smem:$0x3FB0]  }
0x2e: {  	s3 =	simm.s32 @!p0 $0x1082;
	s9 =	sld [smem:$0x3FB1]  }
0x2f: {  	lr =	sadd.s32 s0, s3;
	s0 =	sld [smem:$0x3FA8]  }
0x30: {  	s3 =	sld [smem:$0x3FAB]  }
0x31: {  	[smem:$0x3FB4] =	sst s10  }
0x32: {  	s10 =	sld [smem:$0x3FB2];
	_ =	sdelay $0x3  }
0x33: {  	p0 =	seq.s32 s10, $0x1;
	s10 =	sld [smem:$0x3FB4];
	_ =	sdelay $0x3  }
0x34: {  	[smem:$0x3FB4] =	sst s10  }
0x35: {  	s10 =	sld [smem:$0x3FB3];
	_ =	sdelay $0x3  }
0x36: {  	p1 =	seq.s32 s10, $0x1;
	s10 =	sld [smem:$0x3FB4];
	_ =	sdelay $0x3  }
0x37: {  	[smem:$0x3FB4] =	sst s10  }
0x38: {  	s10 =	sld [smem:$0x3FB5]  }
0x39: {  	_ = 	snop;
	(pc) =	sbr.ind lr, $3  }
0x3a: {  	_ = 	snop  }
0x3b: {  	_ = 	snop  }
0x3c: {  	p2 =	seq.s32 s10, $0x1;
	s10 =	sld [smem:$0x3FB4]  }
0x3d: {  	_ =	shalt  }
0x3e: {  	_ =	shalt  }
0x3f: {  	_ =	shalt  }
0x40: {  	_ =	shalt  }
0x41: {  	_ =	shalt  }
0x42: {  	_ =	shalt  }
0x43: {  	_ =	shalt  }
0x44: {  	_ =	shalt  }
0x45: {  	_ =	shalt  }
0x46: {  	_ =	shalt  }
0x47: {  	_ =	shalt  }
0x48: {  	_ =	shalt  }
0x49: {  	_ =	shalt  }
0x4a: {  	_ =	shalt  }
0x4b: {  	_ =	shalt  }
0x4c: {  	_ =	shalt  }
0x4d: {  	_ =	shalt  }
0x4e: {  	_ =	shalt  }
0x4f: {  	_ =	shalt  }
0x50: {  	_ =	shalt  }
0x51: {  	_ =	shalt  }
0x52: {  	_ =	shalt  }
0x53: {  	_ =	shalt  }
0x54: {  	_ =	shalt  }
0x55: {  	_ =	shalt  }
0x56: {  	_ =	shalt  }
0x57: {  	_ =	shalt  }
0x58: {  	_ =	shalt  }
0x59: {  	_ =	shalt  }
0x5a: {  	_ =	shalt  }
0x5b: {  	_ =	shalt  }
0x5c: {  	_ =	shalt  }
0x5d: {  	_ =	shalt  }
0x5e: {  	_ =	shalt  }
0x5f: {  	_ =	shalt  }
0x60: {  	_ =	shalt  }
0x61: {  	_ =	shalt  }
0x62: {  	_ =	shalt  }
0x63: {  	_ =	shalt  }
0x64: {  	_ =	shalt  }
0x65: {  	_ =	shalt  }
0x66: {  	_ =	shalt  }
0x67: {  	_ =	shalt  }
0x68: {  	_ =	shalt  }
0x69: {  	_ =	shalt  }
0x6a: {  	_ =	shalt  }
0x6b: {  	_ =	shalt  }
0x6c: {  	_ =	shalt  }
0x6d: {  	_ =	shalt  }
0x6e: {  	_ =	shalt  }
0x6f: {  	_ =	shalt  }
0x70: {  	_ =	shalt  }
0x71: {  	_ =	shalt  }
0x72: {  	_ =	shalt  }
0x73: {  	_ =	shalt  }
0x74: {  	_ =	shalt  }
0x75: {  	_ =	shalt  }
0x76: {  	_ =	shalt  }
0x77: {  	_ =	shalt  }
0x78: {  	_ =	shalt  }
0x79: {  	_ =	shalt  }
0x7a: {  	_ =	shalt  }
0x7b: {  	_ =	shalt  }
0x7c: {  	_ =	shalt  }
0x7d: {  	_ =	shalt  }
0x7e: {  	_ =	shalt  }
0x7f: {  	_ =	shalt  }
0x80: {  	_ =	shalt  }
0x81: {  	_ =	shalt  }
0x82: {  	_ =	shalt  }
0x83: {  	_ =	shalt  }
0x84: {  	_ =	shalt  }
0x85: {  	_ =	shalt  }
0x86: {  	_ =	shalt  }
0x87: {  	_ =	shalt  }
.Lfunc_end0:
.L_simem_size_0:
called_computation.3_lowered:
.L_overlay_start_0:
0x88: {  	s2 =	sld [smem:$0x3FD9]  }
0x89: {  	s3 =	sld [smem:$0x3FFE];
	_ =	sdelay $0x1  }
0x8a: {  	s1 =	srdreg.scid  }
0x8b: {  	s0 =	sand.u32 $0x1, s1  }
0x8c: {  	s16 =	sshll.u32 s0, $0xA;
	s2 =	sadd.s32 s3, s2  }
0x8d: {  	s2 =	sadd.s32 s2, s16  }
0x8e: {  	[smem:$0x3FC0] =	sst s2  }
0x8f: {  	_ = 	snop  }
0x90: {  	(tm) =	ssettm $0x1  }
0x91: {  	s17 =	sld [smem:$0x3FFB];
	_ =	sdelay $0x3  }
0x92: {  	_ =	strace s17  }
0x93: {  	s2 =	sld [smem:$0x3FFC];
	_ =	sdelay $0x3  }
0x94: {  	_ =	strace s2  }
0x95: {  	s2 =	sld [smem:$0x3FFD];
	_ =	sdelay $0x3  }
0x96: {  	_ =	strace s2  }
0x97: {  	_ =	strace $0x8FFFFFFF  }
0x98: {  	s18 =	sld [smem:$0x3FDB];
	_ =	sdelay $0x1  }
0x99: {  	s19 =	simm.s32 $_scs_section_size  }
0x9a: {  	s4 =	simm.s32 $_size__tile_overlayer_lowered;
	s5 =	simm.s32 $_tile_overlayer_lowered  }
0x9b: {  	s22 =	simm.s32 $0x1BFF;
	s21 =	sshll.u32 s5, $0x1;
	s2 =	sadd.s32 s19, s18  }
0x9c: {  	s6 =	simm.s32 $0x0;
	s20 =	sshll.u32 s4, $0x1;
	s4 =	sadd.s32 s21, s2  }
0x9d: {  	[timem:s6], [sflag:s22] =	dma.local [hbm:s4], s20  }
0x9e: {  	_ =	swait.ge [sflag:s22], s20  }
0x9f: {  	s3 =	ssub.s32 $0x0, s20;
	[sflag:s22] =	ssyncset.done $0x0  }
0xa0: {  	[sflag:s22] =	ssyncadd.s32 s3;
	_ =	sdelay $0x1  }
0xa1: {  	s23 =	simm.s32 $0x1B8B  }
0xa2: {  	_ =	swait.ge [sflag:s23], $0x1  }
0xa3: {  	[sflag:s23] =	ssyncset.done $0x0  }
0xa4: {  	s25 =	simm.s32 $0x1B8E;
	s24 =	sld [smem:$0x3FFE];
	[sflag:s23] =	ssyncadd.s32 $0xFFFFFFFF  }
0xa5: {  	s26 =	simm.s32 $execute0_lowered;
	[smem:$0x3FD2] =	sst s25  }
0xa6: {  	s4 =	sshll.u32 s26, $0x1;
	_ =	strace $0x8000004F;
	[dreg:$0x1] =	wrdreg $0xFFFFFFFF  }
0xa7: {  	s28 =	simm.s32 $_size_execute0_lowered;
	s2 =	sadd.s32 s2, s4;
	[dreg:$0x0] =	wrdreg $0x0  }
0xa8: {  	s4 =	sshll.u32 s28, $0x1;
	[dreg:$0x2] =	wrdreg s2  }
0xa9: {  	[dreg:$0x3] =	wrdreg s4  }
0xaa: {  	[dreg:$0x4] =	wrdreg $0xC0  }
0xab: {  	_ =	task [dreg:s6], $0x5FFFF  }
0xac: {  	[dreg:$0x1] =	wrdreg $0xFFFFFFFF  }
0xad: {  	[dreg:$0x0] =	wrdreg $0x60  }
0xae: {  	[dreg:$0x2] =	wrdreg s24  }
0xaf: {  	[dreg:$0x3] =	wrdreg $0x41000  }
0xb0: {  	[dreg:$0x4] =	wrdreg $0x9  }
0xb1: {  	_ =	task.clear_ibuf [dreg:s6], $0x5FFFF;
	_ =	strace $0x9000004F  }
0xb2: {  	s29 =	simm.s32 $0x9;
	_ =	strace $0x80000051  }
0xb3: {  	_ =	swait.ge [sflag:s29], $0x1  }
0xb4: {  	[sflag:s29] =	ssyncadd.s32 $0xFFFFFFFF  }
0xb5: {  	_ =	strace $0x90000051  }
0xb6: {  	_ =	sfence  }
0xb7: {  	s30 =	sld [smem:$0x0];
	_ =	sdelay $0x2  }
0xb8: {  	s31 =	sshll.u32 s1, $0xD;
	s1 =	sshrl.u32 s1, $0x2  }
0xb9: {  	s3 =	sand.u32 $0x4000, s31;
	s1 =	sadd.s32 s1, s30  }
0xba: {  	s0 =	sor.u32 s3, s0;
	s1 =	sshll.u32 s1, $0x11  }
0xbb: {  	s0 =	sor.u32 s1, s0  }
0xbc: {  	s0 =	sadd.s32 $0x8F2B, s0  }
0xbd: {  	[sflag:s0] =	ssyncadd.remote.s32 $0x1  }
0xbe: {  	_ =	sfence.sel $0xFFFF  }
0xbf: {  	[dreg:$0x0] =	wrdreg $0xFFFFFFFF;
	(pc) =	sbr.abs _section_cstart, $3  }
0xc0: {  	[dreg:$0x1] =	wrdreg $0xFFFFFFFF  }
0xc1: {  	_ =	task.clear_ibuf [dreg:s6], $0x2FFFF;
	_ =	strace $0x9FFFFFFF  }
0xc2: {  	(tm) =	ssettm $0x7FFFFFFF  }
0xc3: {  	_ =	shalt  }
tec
execute0_lowered:
.L_overlay_start_1:
0x0: {  	(tag) =	ssettag $0x1  }
0x1: {  	s6 =	rddreg [dreg:$0x0]  }
0x2: {  	s1 =	rddreg [dreg:$0x1]  }
0x3: {  	s3 =	srdreg.scid;
	s0 =	rddreg [dreg:$0x2];
	s2 =	simm.s32 $0x0  }
0x4: {  	s8 =	sand.u32 $0x1, s3;
	[smem:$0x7FF] =	sst s2  }
0x5: {  	s3 =	stileid.u32;
	s5 =	sadd.s32 $0xD600, s6;
	s4 =	smul.u32 $0x5000, s8  }
0x6: {  	s10 =	sadd.s32 $0xD000, s6;
	s16 =	sadd.s32 $0x67E00, s6;
	s9 =	smul.u32 $0x280, s3  }
0x7: {  	_ =	strace $0x80000050;
	s7 =	ssub.s32 $0x2, s8;
	s18 =	smul.u32 $0x140000, s8  }
0x8: {  	s30 =	smul.u32 $0x500, s3;
	s19 =	sshrl.u32 s7, $0x1;
	s15 =	sadd.s32 s4, s6  }
0x9: {  	s4 =	sadd.s32 $0xDE00, s6;
	s11 =	sadd.s32 $0x80, s9;
	s17 =	ssub.s32 s7, s19  }
0xa: {  	s20 =	sshrl.u32 s9, $0x3;
	s12 =	sadd.s32 $0x100, s9;
	s14 =	sadd.s32 $0x180, s9  }
0xb: {  	s21 =	sshrl.u32 s11, $0x3;
	s6 =	sadd.s32 s10, s20;
	s13 =	sshrl.u32 s12, $0x3  }
0xc: {  	s19 =	sshrl.u32 s14, $0x3;
	s20 =	sadd.s32 $0x200, s9;
	s11 =	sshll.u32 s11, $0x7  }
0xd: {  	s12 =	sshll.u32 s12, $0x7;
	s14 =	sshll.u32 s14, $0x7;
	s31 =	sadd.s32 s30, s15  }
0xe: {  	s7 =	sadd.s32 s10, s21;
	s21 =	smul.u32 $0x14000, s3;
	s8 =	sadd.s32 s10, s13  }
0xf: {  	s9 =	sadd.s32 s10, s19;
	s22 =	sshrl.u32 s20, $0x3;
	s24 =	sadd.s32 s18, s11  }
0x10: {  	s26 =	sadd.s32 s18, s12;
	s14 =	sadd.s32 s18, s14;
	s29 =	sshll.u32 s20, $0x7  }
0x11: {  	s19 =	simm.s32 $0x100;
	s20 =	simm.s32 $0x2;
	s10 =	sadd.s32 s10, s22  }
0x12: {  	s25 =	sshrl.u32 s24, $0x3;
	s28 =	sshrl.u32 s26, $0x3;
	s14 =	sshrl.u32 s14, $0x3  }
0x13: {  	s22 =	simm.s32 $0x1;
	s23 =	sadd.s32 s21, s18;
	s12 =	sadd.s32 s16, s25  }
0x14: {  	s18 =	sadd.s32 s18, s29;
	s14 =	sadd.s32 s16, s14;
	s21 =	simm.s32 $0x80  }
0x15: {  	s13 =	sshrl.u32 s23, $0x3;
	s18 =	sshrl.u32 s18, $0x3;
	s23 =	simm.s32 $0x0  }
0x16: {  	s11 =	sadd.s32 s16, s13;
	s13 =	sadd.s32 s16, s28;
	s15 =	sadd.s32 s16, s18  }
0x17: {  	s16 =	smax.u32 s17, $0x1;
	s17 =	sadd.s32 $0x3000, s31;
	s18 =	sadd.s32 $0x5DE00, s31  }
.LBB2_1:
0x18: {  	[tilespmem:s19], [sflag:$0x2] =	stream.linear.gather [hbm4b:s5+s2], $0x4000, $0x38;
	[tilespmem:$0x18100] =	vst v63  }
0x19: {  	_ =	swait.ge [sflag:s20], $0x4000  }
0x1a: {  	[sflag:s20] =	ssyncset.done $0x0  }
0x1b: {  	[sflag:s20] =	ssyncadd.s32 $0xFFFFC000  }
0x1c: {  	[tilespmem:s2], [sflag:$0x2] =	stream.linear.gather [hbm4b:s6+s2], $0x80, $0x38;
	[tilespmem:$0x18100] =	vst v63  }
0x1d: {  	_ =	swait.ge [sflag:s20], $0x80  }
0x1e: {  	[sflag:s20] =	ssyncset.done $0x0  }
0x1f: {  	[sflag:s20] =	ssyncadd.s32 $0xFFFFFF80  }
0x20: {  	[spmem:s1] =	stream.indirect.scatter [tilespmem:s19], [sflag:$0x2], $0x80, s2, s21, $0xb8;
	[tilespmem:$0x18100] =	vst v63  }
0x21: {  	_ =	swait.ge [sflag:s20], $0x4000  }
0x22: {  	[sflag:s20] =	ssyncset.done $0x0  }
0x23: {  	[sflag:s20] =	ssyncadd.s32 $0xFFFFC000  }
0x24: {  	[tilespmem:s2], [sflag:$0x2] =	stream.linear.gather [hbm4b:s7+s2], $0x80, $0x38;
	[tilespmem:$0x18100] =	vst v63  }
0x25: {  	_ =	swait.ge [sflag:s20], $0x80  }
0x26: {  	[sflag:s20] =	ssyncset.done $0x0  }
0x27: {  	[sflag:s20] =	ssyncadd.s32 $0xFFFFFF80  }
0x28: {  	[spmem:s1] =	stream.indirect.scatter [tilespmem:s19], [sflag:$0x2], $0x80, s2, s21, $0xb8;
	[tilespmem:$0x18100] =	vst v63  }
0x29: {  	_ =	swait.ge [sflag:s20], $0x4000  }
0x2a: {  	[sflag:s20] =	ssyncset.done $0x0  }
0x2b: {  	[sflag:s20] =	ssyncadd.s32 $0xFFFFC000  }
0x2c: {  	[tilespmem:s2], [sflag:$0x2] =	stream.linear.gather [hbm4b:s8+s2], $0x80, $0x38;
	[tilespmem:$0x18100] =	vst v63  }
0x2d: {  	_ =	swait.ge [sflag:s20], $0x80  }
0x2e: {  	[sflag:s20] =	ssyncset.done $0x0  }
0x2f: {  	[sflag:s20] =	ssyncadd.s32 $0xFFFFFF80  }
0x30: {  	[spmem:s1] =	stream.indirect.scatter [tilespmem:s19], [sflag:$0x2], $0x80, s2, s21, $0xb8;
	[tilespmem:$0x18100] =	vst v63  }
0x31: {  	_ =	swait.ge [sflag:s20], $0x4000  }
0x32: {  	[sflag:s20] =	ssyncset.done $0x0  }
0x33: {  	[sflag:s20] =	ssyncadd.s32 $0xFFFFC000  }
0x34: {  	[tilespmem:s2], [sflag:$0x2] =	stream.linear.gather [hbm4b:s9+s2], $0x80, $0x38;
	[tilespmem:$0x18100] =	vst v63  }
0x35: {  	_ =	swait.ge [sflag:s20], $0x80  }
0x36: {  	[sflag:s20] =	ssyncset.done $0x0  }
0x37: {  	[sflag:s20] =	ssyncadd.s32 $0xFFFFFF80  }
0x38: {  	[spmem:s1] =	stream.indirect.scatter [tilespmem:s19], [sflag:$0x2], $0x80, s2, s21, $0xb8;
	[tilespmem:$0x18100] =	vst v63  }
0x39: {  	_ =	swait.ge [sflag:s20], $0x4000  }
0x3a: {  	[sflag:s20] =	ssyncset.done $0x0  }
0x3b: {  	[sflag:s20] =	ssyncadd.s32 $0xFFFFC000  }
0x3c: {  	[tilespmem:s2], [sflag:$0x2] =	stream.linear.gather [hbm4b:s10+s2], $0x80, $0x38;
	[tilespmem:$0x18100] =	vst v63  }
0x3d: {  	_ =	swait.ge [sflag:s20], $0x80  }
0x3e: {  	[sflag:s20] =	ssyncset.done $0x0  }
0x3f: {  	[sflag:s20] =	ssyncadd.s32 $0xFFFFFF80  }
0x40: {  	[spmem:s1] =	stream.indirect.scatter [tilespmem:s19], [sflag:$0x2], $0x80, s2, s21, $0xb8;
	[tilespmem:$0x18100] =	vst v63  }
0x41: {  	_ =	swait.ge [sflag:s20], $0x4000  }
0x42: {  	[sflag:s20] =	ssyncset.done $0x0  }
0x43: {  	[sflag:s20] =	ssyncadd.s32 $0xFFFFC000  }
0x44: {  	s24 =	sadd.s32 $0x0, s18;
	[bflag:$0x0] =	sbarrier.arrive $0xFFFF  }
0x45: {  	[tilespmem:s2], [sflag:$0x2] =	stream.linear.gather [hbm4b:s24+s2], $0x80, $0x38;
	[tilespmem:$0x18100] =	vst v63  }
0x46: {  	_ =	swait.ge [sflag:s20], $0x80  }
0x47: {  	[sflag:s20] =	ssyncset.done $0x0  }
0x48: {  	s31 =	sadd.s32 $0x0, s17;
	[sflag:s20] =	ssyncadd.s32 $0xFFFFFF80  }
0x49: {  	[tilespmem:s21], [sflag:$0x2] =	stream.linear.gather [hbm4b:s31+s2], $0x80, $0x38;
	[tilespmem:$0x18100] =	vst v63  }
0x4a: {  	_ =	swait.ge [sflag:s20], $0x80  }
0x4b: {  	[sflag:s20] =	ssyncset.done $0x0  }
0x4c: {  	[sflag:s20] =	ssyncadd.s32 $0xFFFFFF80  }
0x4d: {  	[tilespmem:s19], [sflag:$0x1] =	stream.indirect.gather [hbm4b:s4+s21], $0x80, s2, s21, $0xb8;
	[tilespmem:$0x18100] =	vst v63  }
0x4e: {  	_ =	swait.ge [sflag:s22], $0x4000  }
0x4f: {  	[sflag:s22] =	ssyncset.done $0x0  }
0x50: {  	[sflag:s22] =	ssyncadd.s32 $0xFFFFC000  }
0x51: {  	[spmem:s1] =	stream.indirect.scatter.add.f32 [tilespmem:s19], [sflag:$0x2], $0x80, s21, s21, $0xb8;
	[tilespmem:$0x18100] =	vst v63  }
0x52: {  	_ =	swait.ge [sflag:s20], $0x4000  }
0x53: {  	s25 =	simm.s32 $0x20;
	s24 =	simm.s32 $0x10;
	[sflag:s20] =	ssyncset.done $0x0  }
.LBB2_2:
0x54: {  	s26 =	sadd.s32 s24, s18  }
0x55: {  	[sflag:s20] =	ssyncadd.s32 $0xFFFFC000;
	s28 =	smov.u32 s25;
	s29 =	sadd.s32 $0x10, s25  }
0x56: {  	[tilespmem:s2], [sflag:$0x2] =	stream.linear.gather [hbm4b:s26+s2], $0x80, $0x38;
	[tilespmem:$0x18100] =	vst v63  }
0x57: {  	p0 =	sne.s32 s25, $0x4F0;
	_ =	swait.ge [sflag:s20], $0x80  }
0x58: {  	[sflag:s20] =	ssyncset.done $0x0  }
0x59: {  	s25 =	sadd.s32 s24, s17;
	s24 =	smov.u32 s28;
	[sflag:s20] =	ssyncadd.s32 $0xFFFFFF80  }
0x5a: {  	[tilespmem:s21], [sflag:$0x2] =	stream.linear.gather [hbm4b:s25+s2], $0x80, $0x38;
	[tilespmem:$0x18100] =	vst v63  }
0x5b: {  	_ =	swait.ge [sflag:s20], $0x80  }
0x5c: {  	[sflag:s20] =	ssyncset.done $0x0  }
0x5d: {  	[sflag:s20] =	ssyncadd.s32 $0xFFFFFF80  }
0x5e: {  	[tilespmem:s19], [sflag:$0x1] =	stream.indirect.gather [hbm4b:s4+s21], $0x80, s2, s21, $0xb8;
	[tilespmem:$0x18100] =	vst v63  }
0x5f: {  	_ =	swait.ge [sflag:s22], $0x4000  }
.Ltmp0:
0x60: {  	[sflag:s22] =	ssyncset.done $0x0;
	(pc) =	sbr.rel @p0 .LBB2_2-.Ltmp0, $4  }
0x61: {  	[sflag:s22] =	ssyncadd.s32 $0xFFFFC000  }
0x62: {  	[spmem:s1] =	stream.indirect.scatter.add.f32 [tilespmem:s19], [sflag:$0x2], $0x80, s21, s21, $0xb8;
	[tilespmem:$0x18100] =	vst v63  }
0x63: {  	_ =	swait.ge [sflag:s20], $0x4000  }
0x64: {  	s25 =	smov.u32 s29;
	[sflag:s20] =	ssyncset.done $0x0  }
0x65: {  	s25 =	sadd.s32 s24, s18;
	[sflag:s20] =	ssyncadd.s32 $0xFFFFC000  }
0x66: {  	[tilespmem:s2], [sflag:$0x2] =	stream.linear.gather [hbm4b:s25+s2], $0x80, $0x38;
	[tilespmem:$0x18100] =	vst v63  }
0x67: {  	_ =	swait.ge [sflag:s20], $0x80  }
0x68: {  	[sflag:s20] =	ssyncset.done $0x0  }
0x69: {  	s31 =	sadd.s32 s24, s17;
	[sflag:s20] =	ssyncadd.s32 $0xFFFFFF80  }
0x6a: {  	[tilespmem:s21], [sflag:$0x2] =	stream.linear.gather [hbm4b:s31+s2], $0x80, $0x38;
	[tilespmem:$0x18100] =	vst v63  }
0x6b: {  	_ =	swait.ge [sflag:s20], $0x80  }
0x6c: {  	[sflag:s20] =	ssyncset.done $0x0  }
0x6d: {  	[sflag:s20] =	ssyncadd.s32 $0xFFFFFF80  }
0x6e: {  	[tilespmem:s19], [sflag:$0x1] =	stream.indirect.gather [hbm4b:s4+s21], $0x80, s2, s21, $0xb8;
	[tilespmem:$0x18100] =	vst v63  }
0x6f: {  	_ =	swait.ge [sflag:s22], $0x4000  }
0x70: {  	[sflag:s22] =	ssyncset.done $0x0  }
0x71: {  	[sflag:s22] =	ssyncadd.s32 $0xFFFFC000  }
0x72: {  	[spmem:s1] =	stream.indirect.scatter.add.f32 [tilespmem:s19], [sflag:$0x2], $0x80, s21, s21, $0xb8;
	[tilespmem:$0x18100] =	vst v63  }
0x73: {  	_ =	swait.ge [sflag:s20], $0x4000  }
0x74: {  	[sflag:s20] =	ssyncset.done $0x0  }
0x75: {  	[sflag:s20] =	ssyncadd.s32 $0xFFFFC000  }
0x76: {  	[bflag:$0x0] =	sbarrier.arrive $0xFFFF  }
0x77: {  	[tilespmem:s2], [sflag:$0x2] =	stream.linear.gather [hbm4b:s6+s2], $0x80, $0x38;
	[tilespmem:$0x18100] =	vst v63  }
0x78: {  	_ =	swait.ge [sflag:s20], $0x80  }
0x79: {  	[sflag:s20] =	ssyncset.done $0x0  }
0x7a: {  	[sflag:s20] =	ssyncadd.s32 $0xFFFFFF80  }
0x7b: {  	[tilespmem:s19], [sflag:$0x1] =	stream.indirect.gather [spmem:s1], $0x80, s2, s21, $0xb8;
	[tilespmem:$0x18100] =	vst v63  }
0x7c: {  	_ =	swait.ge [sflag:s22], $0x4000  }
0x7d: {  	[sflag:s22] =	ssyncset.done $0x0  }
0x7e: {  	[sflag:s22] =	ssyncadd.s32 $0xFFFFC000  }
0x7f: {  	[hbm4b:s11+s2] =	stream.linear.scatter [tilespmem:s19], [sflag:$0x2], $0x4000, $0x38;
	[tilespmem:$0x18100] =	vst v63  }
0x80: {  	_ =	swait.ge [sflag:s20], $0x4000  }
0x81: {  	[sflag:s20] =	ssyncset.done $0x0  }
0x82: {  	[sflag:s20] =	ssyncadd.s32 $0xFFFFC000  }
0x83: {  	[tilespmem:s2], [sflag:$0x2] =	stream.linear.gather [hbm4b:s7+s2], $0x80, $0x38;
	[tilespmem:$0x18100] =	vst v63  }
0x84: {  	_ =	swait.ge [sflag:s20], $0x80  }
0x85: {  	[sflag:s20] =	ssyncset.done $0x0  }
0x86: {  	[sflag:s20] =	ssyncadd.s32 $0xFFFFFF80  }
0x87: {  	[tilespmem:s19], [sflag:$0x1] =	stream.indirect.gather [spmem:s1], $0x80, s2, s21, $0xb8;
	[tilespmem:$0x18100] =	vst v63  }
0x88: {  	_ =	swait.ge [sflag:s22], $0x4000  }
0x89: {  	[sflag:s22] =	ssyncset.done $0x0  }
0x8a: {  	[sflag:s22] =	ssyncadd.s32 $0xFFFFC000  }
0x8b: {  	[hbm4b:s12+s2] =	stream.linear.scatter [tilespmem:s19], [sflag:$0x2], $0x4000, $0x38;
	[tilespmem:$0x18100] =	vst v63  }
0x8c: {  	_ =	swait.ge [sflag:s20], $0x4000  }
0x8d: {  	[sflag:s20] =	ssyncset.done $0x0  }
0x8e: {  	[sflag:s20] =	ssyncadd.s32 $0xFFFFC000  }
0x8f: {  	[tilespmem:s2], [sflag:$0x2] =	stream.linear.gather [hbm4b:s8+s2], $0x80, $0x38;
	[tilespmem:$0x18100] =	vst v63  }
0x90: {  	_ =	swait.ge [sflag:s20], $0x80  }
0x91: {  	[sflag:s20] =	ssyncset.done $0x0  }
0x92: {  	[sflag:s20] =	ssyncadd.s32 $0xFFFFFF80  }
0x93: {  	[tilespmem:s19], [sflag:$0x1] =	stream.indirect.gather [spmem:s1], $0x80, s2, s21, $0xb8;
	[tilespmem:$0x18100] =	vst v63  }
0x94: {  	_ =	swait.ge [sflag:s22], $0x4000  }
0x95: {  	[sflag:s22] =	ssyncset.done $0x0  }
0x96: {  	[sflag:s22] =	ssyncadd.s32 $0xFFFFC000  }
0x97: {  	[hbm4b:s13+s2] =	stream.linear.scatter [tilespmem:s19], [sflag:$0x2], $0x4000, $0x38;
	[tilespmem:$0x18100] =	vst v63  }
0x98: {  	_ =	swait.ge [sflag:s20], $0x4000  }
0x99: {  	[sflag:s20] =	ssyncset.done $0x0  }
0x9a: {  	[sflag:s20] =	ssyncadd.s32 $0xFFFFC000  }
0x9b: {  	[tilespmem:s2], [sflag:$0x2] =	stream.linear.gather [hbm4b:s9+s2], $0x80, $0x38;
	[tilespmem:$0x18100] =	vst v63  }
0x9c: {  	_ =	swait.ge [sflag:s20], $0x80  }
0x9d: {  	[sflag:s20] =	ssyncset.done $0x0  }
0x9e: {  	[sflag:s20] =	ssyncadd.s32 $0xFFFFFF80  }
0x9f: {  	[tilespmem:s19], [sflag:$0x1] =	stream.indirect.gather [spmem:s1], $0x80, s2, s21, $0xb8;
	[tilespmem:$0x18100] =	vst v63  }
0xa0: {  	_ =	swait.ge [sflag:s22], $0x4000  }
0xa1: {  	[sflag:s22] =	ssyncset.done $0x0  }
0xa2: {  	[sflag:s22] =	ssyncadd.s32 $0xFFFFC000  }
0xa3: {  	[hbm4b:s14+s2] =	stream.linear.scatter [tilespmem:s19], [sflag:$0x2], $0x4000, $0x38;
	[tilespmem:$0x18100] =	vst v63  }
0xa4: {  	_ =	swait.ge [sflag:s20], $0x4000  }
0xa5: {  	[sflag:s20] =	ssyncset.done $0x0  }
0xa6: {  	[sflag:s20] =	ssyncadd.s32 $0xFFFFC000  }
0xa7: {  	[tilespmem:s2], [sflag:$0x2] =	stream.linear.gather [hbm4b:s10+s2], $0x80, $0x38;
	[tilespmem:$0x18100] =	vst v63  }
0xa8: {  	_ =	swait.ge [sflag:s20], $0x80  }
0xa9: {  	[sflag:s20] =	ssyncset.done $0x0  }
0xaa: {  	[sflag:s20] =	ssyncadd.s32 $0xFFFFFF80  }
0xab: {  	[tilespmem:s19], [sflag:$0x1] =	stream.indirect.gather [spmem:s1], $0x80, s2, s21, $0xb8;
	[tilespmem:$0x18100] =	vst v63  }
0xac: {  	s23 =	sadd.s32 $0x1, s23;
	_ =	swait.ge [sflag:s22], $0x4000  }
0xad: {  	p0 =	sne.s32 s23, s16;
	[sflag:s22] =	ssyncset.done $0x0  }
.Ltmp1:
0xae: {  	[sflag:s22] =	ssyncadd.s32 $0xFFFFC000;
	(pc) =	sbr.rel @p0 .LBB2_1-.Ltmp1, $4  }
0xaf: {  	[hbm4b:s15+s2] =	stream.linear.scatter [tilespmem:s19], [sflag:$0x2], $0x4000, $0x38;
	[tilespmem:$0x18100] =	vst v63  }
0xb0: {  	_ =	swait.ge [sflag:s20], $0x4000  }
0xb1: {  	[sflag:s20] =	ssyncset.done $0x0  }
0xb2: {  	[sflag:s20] =	ssyncadd.s32 $0xFFFFC000  }
0xb3: {  	_ =	sfence.sel $0x180000  }
0xb4: {  	[bflag:$0x0] =	sbarrier.arrive $0xFFFF  }
0xb5: {  	p0 =	sne.s32 s3, $0x0;
	_ =	strace $0x90000050  }
0xb6: {  	s0 =	sadd.s32 @!p0 $0x100000, s0;
	[bflag:$0x2] =	sbarrier.arrive $0xFFFF  }
0xb7: {  	[sflag:s0] =	ssyncadd.tile.s32 @!p0 $0x1;
	_ =	shalt  }
.Lfunc_end2:
_tile_overlayer_lowered:
.L_overlay_start_2:
0xb8: {  	(tag) =	ssettag $0x2  }
0xb9: {  	s0 =	rddreg [dreg:$0x0];
	s2 =	stileid.u32  }
0xba: {  	s1 =	rddreg [dreg:$0x1];
	p0 =	sne.s32 s2, $0x0  }
0xbb: {  	s3 =	rddreg [dreg:$0x2];
	[bflag:$0x3] =	sbarrier.arrive $0xFFFF;
	s2 =	simm.s32 @!p0 $0x1C02  }
0xbc: {  	[timem:s3], [sflag:s2] =	dma.local @!p0 [hbm:s0], s1  }
0xbd: {  	s0 =	simm.s32 @!p0 $0x2  }
0xbe: {  	_ =	swait.ge @!p0 [sflag:s0], s1  }
0xbf: {  	s1 =	ssub.s32 @!p0 $0x0, s1;
	[sflag:s0] =	ssyncset.done @!p0 $0x0  }
0xc0: {  	[sflag:s0] =	ssyncadd.s32 @!p0 s1  }
0xc1: {  	[bflag:$0x3] =	sbarrier.arrive $0xFFFF  }
0xc2: {  	_ =	shalt  }

</sc_bundles>
